<compile_context>
chip_gen: v7x
topology: tpu7x:2x2x1
jax: 0.10.2.dev20260603
libtpu: 0.0.44.dev20260713+nightly
codegen_flags: <defaults>
</compile_context>

<pallas_src>
import functools

import jax
import jax.numpy as jnp
import numpy as np
from jax import lax
from jax.experimental import pallas as pl
from jax.experimental.pallas import tpu as pltpu
from jax.experimental.pallas import tpu_sc as plsc

N = 20000
G = 128
N_FG = 5000
N_BG = 15000
BN = 2048

_K05 = int(~np.float32(0.5).view(np.int32))
_K01 = int(~np.float32(0.1).view(np.int32))
_K1 = int(~np.float32(1.0).view(np.int32))
_RAD0 = 1 << 13
_RAD1 = 1 << 12

_D0S = (_K01 - _K1) & (_RAD0 - 1)
_D0S_ROW = (_D0S // 16) * 16
_D0S_LANE = _D0S % 16

_NV = N // 16
_NV2 = _NV // 2
_CH = 4000
_NCH = N // _CH


def _tc_body(roist_ref, gtall_ref, dx_ref, dy_ref, dw_ref, dh_ref,
             key_ref, lab_ref):
    r = roist_ref[...]
    x1, y1, x2, y2 = (r[i : i + 1, :] for i in range(4))
    g = gtall_ref[...]
    gx1, gy1, gx2, gy2 = (g[:, i : i + 1] for i in range(4))
    ix1 = jnp.maximum(x1, gx1)
    iy1 = jnp.maximum(y1, gy1)
    ix2 = jnp.minimum(x2, gx2)
    iy2 = jnp.minimum(y2, gy2)
    inter = jnp.maximum(ix2 - ix1, 0.0) * jnp.maximum(iy2 - iy1, 0.0)
    area_b = (x2 - x1) * (y2 - y1)
    area_g = (gx2 - gx1) * (gy2 - gy1)
    union = area_b + area_g - inter
    iou = inter / jnp.maximum(union, 1e-8)
    mx = jnp.max(iou, axis=0, keepdims=True)
    iota_g = lax.broadcasted_iota(jnp.int32, iou.shape, 0).astype(jnp.float32)
    am = jnp.min(jnp.where(iou == mx, iota_g, jnp.float32(G)), axis=0,
                 keepdims=True)
    onehot = iota_g == am

    def sel(c):
        col = g[:, c : c + 1]
        return jnp.sum(jnp.where(onehot, col, 0.0), axis=0, keepdims=True)

    mgx1, mgy1, mgx2, mgy2, labf = (sel(c) for c in range(5))
    ew = x2 - x1
    eh = y2 - y1
    ecx = x1 + 0.5 * ew
    ecy = y1 + 0.5 * eh
    gw = mgx2 - mgx1
    gh = mgy2 - mgy1
    gcx = mgx1 + 0.5 * gw
    gcy = mgy1 + 0.5 * gh
    ewc = jnp.maximum(ew, 1e-6)
    ehc = jnp.maximum(eh, 1e-6)
    dx_ref[...] = (gcx - ecx) / ewc / 0.1
    dy_ref[...] = (gcy - ecy) / ehc / 0.1
    dw_ref[...] = jnp.log(jnp.maximum(gw, 1e-6) / ewc) / 0.2
    dh_ref[...] = jnp.log(jnp.maximum(gh, 1e-6) / ehc) / 0.2
    key_ref[...] = ~lax.bitcast_convert_type(mx, jnp.int32)
    lab_ref[...] = labf.astype(jnp.int32)


def _tc_stage(roist, gtall):
    return pl.pallas_call(
        _tc_body,
        grid=((N + BN - 1) // BN,),
        in_specs=[
            pl.BlockSpec((4, BN), lambda i: (0, i)),
            pl.BlockSpec((G, 8), lambda i: (0, 0)),
        ],
        out_specs=[pl.BlockSpec((1, BN), lambda i: (0, i))] * 6,
        out_shape=[jax.ShapeDtypeStruct((1, N), jnp.float32)] * 4
        + [
            jax.ShapeDtypeStruct((1, N), jnp.int32),
            jax.ShapeDtypeStruct((1, N), jnp.int32),
        ],
    )(roist, gtall)


def _digit(k, p):
    kb = k - jnp.int32(_K1)
    if p == 0:
        return kb & jnp.int32(_RAD0 - 1)
    return lax.shift_right_logical(kb, jnp.int32(13))


def _scan_bins(hist, base, nbins):
    def scan_body(h, run):
        v0 = hist[pl.ds(h * 32, 16)]
        v1 = hist[pl.ds(h * 32 + 16, 16)]
        c0 = plsc.cumsum(v0)
        c1 = plsc.cumsum(v1)
        s0 = c0[15]
        base[pl.ds(h * 32, 16)] = run + c0 - v0
        base[pl.ds(h * 32 + 16, 16)] = (run + s0) + c1 - v1
        return run + s0 + c1[15]

    lax.fori_loop(0, nbins // 32, scan_body, jnp.int32(0))


def _perm_pass(src_k, src_v, dst_k, dst_v, base, p, ntv2, hist1=None):
    def perm_half(k, v):
        d = _digit(k, p)
        occ, last = plsc.scan_count(d)
        b = plsc.load_gather(base, [d])
        pos = b + occ - 1
        plsc.store_scatter(dst_k, [pos], k)
        plsc.store_scatter(dst_v, [pos], v)
        plsc.addupdate_scatter(base, [d], occ, mask=last)
        if hist1 is not None:
            d1 = _digit(k, 1)
            occ1, last1 = plsc.scan_count(d1)
            plsc.addupdate_scatter(hist1, [d1], occ1, mask=last1)

    def perm_body(t, _):
        k0 = src_k[pl.ds(t * 32, 16)]
        v0 = src_v[pl.ds(t * 32, 16)]
        k1 = src_k[pl.ds(t * 32 + 16, 16)]
        v1 = src_v[pl.ds(t * 32 + 16, 16)]
        perm_half(k0, v0)
        perm_half(k1, v1)
        return 0

    lax.fori_loop(0, ntv2, perm_body, 0)


def _sc_stage(key, zeros, dxa, dya, dwa, dha, labels_all):
    mesh = plsc.VectorSubcoreMesh(core_axis_name="c", subcore_axis_name="s")

    @functools.partial(
        pl.kernel,
        mesh=mesh,
        compiler_params=pltpu.CompilerParams(needs_layout_passes=False),
        out_type=(
            jax.ShapeDtypeStruct((N,), jnp.float32),
            jax.ShapeDtypeStruct((N,), jnp.float32),
            jax.ShapeDtypeStruct((N,), jnp.float32),
            jax.ShapeDtypeStruct((N,), jnp.float32),
            jax.ShapeDtypeStruct((N,), jnp.int32),
        ),
        scratch_types=[
            pltpu.VMEM((N + 64,), jnp.int32),
            pltpu.VMEM((N + 64,), jnp.int32),
            pltpu.VMEM((N + 64,), jnp.int32),
            pltpu.VMEM((N + 64,), jnp.int32),
            pltpu.VMEM((_RAD0,), jnp.int32),
            pltpu.VMEM((_RAD0,), jnp.int32),
            pltpu.VMEM((_RAD1,), jnp.int32),
            pltpu.VMEM((_CH,), jnp.float32),
            pltpu.VMEM((_CH,), jnp.float32),
            pltpu.VMEM((_CH,), jnp.float32),
            pltpu.VMEM((_CH,), jnp.float32),
            pltpu.VMEM((_CH,), jnp.int32),
            pltpu.VMEM((_CH,), jnp.int32),
            pltpu.SemaphoreType.DMA,
            pltpu.SemaphoreType.DMA,
            pltpu.SemaphoreType.DMA,
            pltpu.SemaphoreType.DMA,
            pltpu.SemaphoreType.DMA,
        ],
    )
    def sck(key_hbm, zeros_hbm, dx_hbm, dy_hbm, dw_hbm, dh_hbm, lall_hbm,
            dx_out, dy_out, dw_out, dh_out, lout_hbm,
            kB, vB, kC, vC, hist, base, hist1, c0, c1, c2, c3, lrows, lzero,
            sem0, sem1, sem2, sem3, sem4):
        cid = lax.axis_index("c")
        sid = lax.axis_index("s")

        @pl.when(jnp.logical_and(cid == 0, sid == 0))
        def _():
            iota16 = lax.iota(jnp.int32, 16)
            pltpu.sync_copy(zeros_hbm.at[pl.ds(0, _RAD0)], hist)
            pltpu.sync_copy(zeros_hbm.at[pl.ds(_RAD0, _RAD1)], hist1)
            pltpu.sync_copy(key_hbm, kC.at[pl.ds(0, N)])

            def compact_half(t16, off):
                k = kC[pl.ds(t16, 16)]
                sel = jnp.logical_and(
                    k < jnp.int32(_K01), k != jnp.int32(_K05)
                )
                iv = iota16 + t16
                plsc.store_compressed(kB.at[pl.ds(off, 16)], k, mask=sel)
                plsc.store_compressed(vB.at[pl.ds(off, 16)], iv, mask=sel)
                d0 = _digit(k, 0)
                occ, last = plsc.scan_count(d0, sel)
                plsc.addupdate_scatter(
                    hist, [d0], occ, mask=jnp.logical_and(last, sel)
                )
                return off + jnp.sum(sel.astype(jnp.int32))

            def compact_body(t, off):
                off = compact_half(t * 64, off)
                off = compact_half(t * 64 + 16, off)
                off = compact_half(t * 64 + 32, off)
                return compact_half(t * 64 + 48, off)

            kC[pl.ds(N, 16)] = jnp.full((16,), _K01, jnp.int32)
            kC[pl.ds(N + 16, 16)] = jnp.full((16,), _K01, jnp.int32)
            kC[pl.ds(N + 32, 16)] = jnp.full((16,), _K01, jnp.int32)
            M = lax.fori_loop(0, (N + 63) // 64, compact_body, jnp.int32(0))
            mf = (M // 16) * 16
            tailv = kB[pl.ds(mf, 16)]
            kB[pl.ds(mf, 16)] = jnp.where(
                iota16 < M - mf, tailv, jnp.int32(_K01)
            )
            kB[pl.ds(mf + 16, 16)] = jnp.full((16,), _K01, jnp.int32)
            kB[pl.ds(mf + 32, 16)] = jnp.full((16,), _K01, jnp.int32)
            kB[pl.ds(mf + 48, 16)] = jnp.full((16,), _K01, jnp.int32)
            ntv4 = (M + 63) // 64
            ntv2 = ntv4 * 2
            nsent = ntv2 * 32 - M
            hv = hist[pl.ds(_D0S_ROW, 16)]
            hist[pl.ds(_D0S_ROW, 16)] = hv + jnp.where(
                iota16 == jnp.int32(_D0S_LANE), nsent, 0
            )

            _scan_bins(hist, base, _RAD0)
            _perm_pass(kB, vB, kC, vC, base, 0, ntv2, hist1=hist1)
            _scan_bins(hist1, hist, _RAD1)
            _perm_pass(kC, vC, kB, vB, hist, 1, ntv2)
            pltpu.sync_copy(key_hbm, kC.at[pl.ds(0, N)])

            idxs = vC

            def pick_half(t16, fr, br):
                k = kB[pl.ds(t16, 16)]
                v = vB[pl.ds(t16, 16)]
                is_fg = k < jnp.int32(_K05)
                is_bg = jnp.logical_and(
                    k > jnp.int32(_K05), k < jnp.int32(_K01)
                )
                cf = plsc.cumsum(is_fg.astype(jnp.int32))
                cb = plsc.cumsum(is_bg.astype(jnp.int32))
                rf = fr + cf - 1
                rb = br + cb - 1
                plsc.store_scatter(
                    idxs, [rf], v,
                    mask=jnp.logical_and(is_fg, rf < jnp.int32(N_FG)),
                )
                plsc.store_scatter(
                    idxs, [rb + jnp.int32(N_FG)], v,
                    mask=jnp.logical_and(is_bg, rb < jnp.int32(N_BG)),
                )
                return fr + cf[15], br + cb[15]

            def pick_body(t, fb):
                fr, br = pick_half(t * 64, fb[0], fb[1])
                fr, br = pick_half(t * 64 + 16, fr, br)
                fr, br = pick_half(t * 64 + 32, fr, br)
                return pick_half(t * 64 + 48, fr, br)

            F, B = lax.fori_loop(
                0, ntv4, pick_body, (jnp.int32(0), jnp.int32(0))
            )

            def fill_half(t16, nf, nb):
                k = kC[pl.ds(t16, 16)]
                iv = iota16 + t16
                no_fg = k >= jnp.int32(_K05)
                no_bg = jnp.logical_or(
                    k <= jnp.int32(_K05), k >= jnp.int32(_K01)
                )
                cf = plsc.cumsum(no_fg.astype(jnp.int32))
                cb = plsc.cumsum(no_bg.astype(jnp.int32))
                pf = F + nf + cf - 1
                pb = B + nb + cb - 1
                plsc.store_scatter(
                    idxs, [pf], iv,
                    mask=jnp.logical_and(no_fg, pf < jnp.int32(N_FG)),
                )
                plsc.store_scatter(
                    idxs, [pb + jnp.int32(N_FG)], iv,
                    mask=jnp.logical_and(no_bg, pb < jnp.int32(N_BG)),
                )
                return nf + cf[15], nb + cb[15]

            need_f = jnp.maximum(jnp.int32(N_FG) - F, 0)
            need_b = jnp.maximum(jnp.int32(N_BG) - B, 0)

            def fill_cond(c):
                t, nf, nb = c
                return jnp.logical_and(
                    t < (N + 63) // 64,
                    jnp.logical_or(nf < need_f, nb < need_b),
                )

            def fill_body(c):
                t, nf, nb = c
                nf, nb = fill_half(t * 64, nf, nb)
                nf, nb = fill_half(t * 64 + 16, nf, nb)
                nf, nb = fill_half(t * 64 + 32, nf, nb)
                nf, nb = fill_half(t * 64 + 48, nf, nb)
                return (t + 1, nf, nb)

            lax.while_loop(
                fill_cond, fill_body,
                (jnp.int32(0), jnp.int32(0), jnp.int32(0)),
            )

            fthr = jnp.minimum(F, jnp.int32(N_FG))

            def zero_body(t, _):
                lzero[pl.ds(t * 16, 16)] = jnp.zeros((16,), jnp.int32)
                return 0

            lax.fori_loop(0, _CH // 16, zero_body, 0)

            def out_body(c, _):
                gi = idxs.at[pl.ds(c * _CH, _CH)]
                cps = [
                    pltpu.make_async_copy(src.at[gi], dst, sem)
                    for src, dst, sem in (
                        (dx_hbm, c0, sem0),
                        (dy_hbm, c1, sem1),
                        (dw_hbm, c2, sem2),
                        (dh_hbm, c3, sem3),
                    )
                ]
                for cp in cps:
                    cp.start()
                need_lab = c * _CH < fthr
                sl = pl.ds(c * _CH, _CH)

                @pl.when(need_lab)
                def _():
                    cp4 = pltpu.make_async_copy(
                        lall_hbm.at[gi], lrows, sem4
                    )
                    cp4.start()
                    cp4.wait()

                    def mask_body(t, _):
                        pvec = iota16 + (c * _CH + t * 16)
                        lv = lrows[pl.ds(t * 16, 16)]
                        lrows[pl.ds(t * 16, 16)] = jnp.where(
                            pvec < fthr, lv, jnp.int32(0)
                        )
                        return 0

                    lax.fori_loop(0, _CH // 16, mask_body, 0)
                    pltpu.sync_copy(lrows, lout_hbm.at[sl])

                @pl.when(jnp.logical_not(need_lab))
                def _():
                    pltpu.sync_copy(lzero, lout_hbm.at[sl])

                for cp in cps:
                    cp.wait()
                pltpu.sync_copy(c0, dx_out.at[sl])
                pltpu.sync_copy(c1, dy_out.at[sl])
                pltpu.sync_copy(c2, dw_out.at[sl])
                pltpu.sync_copy(c3, dh_out.at[sl])
                return 0

            lax.fori_loop(0, _NCH, out_body, 0)

    return sck(key, zeros, dxa, dya, dwa, dha, labels_all)


def kernel(rois, gt_bbox, gt_labels):
    gtall = jnp.concatenate(
        [gt_bbox, gt_labels.astype(jnp.float32)[:, None],
         jnp.zeros((G, 3), jnp.float32)],
        axis=1,
    )
    dxa, dya, dwa, dha, key2d, lab2d = _tc_stage(rois.T, gtall)
    key = key2d.reshape(N)
    labels_all = lab2d.reshape(N)
    zeros = jnp.zeros((_RAD0 + _RAD1,), jnp.int32)
    dx, dy, dw, dh, labels = _sc_stage(
        key, zeros, dxa.reshape(N), dya.reshape(N), dwa.reshape(N),
        dha.reshape(N), labels_all)
    deltas = jnp.stack([dx, dy, dw, dh], axis=1)
    return deltas, labels

# --- scband reference (transcript-rebuilt; emitter-appended) ---
"""Pipeline reference for scband-proposal-target-layer-11450382811681 (READ-ONLY COPY).

The authoritative reference and input builder live on the scoring server;
editing this copy changes nothing except your own understanding.
"""

import jax, jax.numpy as jnp
import numpy as np

N = 20000
G = 128
FG_THRESH = 0.5
BG_LOW = 0.1
BG_HIGH = 0.5
FG_RATIO = 0.25
N_FG = int(N * FG_RATIO)
N_BG = N - N_FG
MEAN = jnp.array([0.0, 0.0, 0.0, 0.0], dtype=jnp.float32)
STD = jnp.array([0.1, 0.1, 0.2, 0.2], dtype=jnp.float32)


def _make_boxes(key, n, scale=1000.0):
    k1, k2 = jax.random.split(key)
    xy = jax.random.uniform(k1, (n, 2), dtype=jnp.float32) * scale
    wh = jax.random.uniform(k2, (n, 2), dtype=jnp.float32) * 100.0 + 1.0
    return jnp.concatenate([xy, xy + wh], axis=1)


def setup_inputs(seed: int = 0) -> dict:
    key = jax.random.key(seed)
    k1, k2, k3 = jax.random.split(key, 3)
    rois = _make_boxes(k1, N)
    gt_bbox = _make_boxes(k2, G)
    gt_labels = jax.random.randint(k3, (G,), 0, 80, dtype=jnp.int32)
    return {"rois": rois, "gt_bbox": gt_bbox, "gt_labels": gt_labels}


def _compute_overlaps(boxes, gt):
    b = boxes[:, None, :]
    g = gt[None, :, :]
    x1 = jnp.maximum(b[..., 0], g[..., 0])
    y1 = jnp.maximum(b[..., 1], g[..., 1])
    x2 = jnp.minimum(b[..., 2], g[..., 2])
    y2 = jnp.minimum(b[..., 3], g[..., 3])
    inter = jnp.clip(x2 - x1, 0.0) * jnp.clip(y2 - y1, 0.0)
    area_b = (boxes[:, 2] - boxes[:, 0]) * (boxes[:, 3] - boxes[:, 1])
    area_g = (gt[:, 2] - gt[:, 0]) * (gt[:, 3] - gt[:, 1])
    union = area_b[:, None] + area_g[None, :] - inter
    return inter / jnp.maximum(union, 1e-8)


def _bbox_transform(ex, gt):
    ew = ex[:, 2] - ex[:, 0]
    eh = ex[:, 3] - ex[:, 1]
    ecx = ex[:, 0] + 0.5 * ew
    ecy = ex[:, 1] + 0.5 * eh
    gw = gt[:, 2] - gt[:, 0]
    gh = gt[:, 3] - gt[:, 1]
    gcx = gt[:, 0] + 0.5 * gw
    gcy = gt[:, 1] + 0.5 * gh
    dx = (gcx - ecx) / jnp.maximum(ew, 1e-6)
    dy = (gcy - ecy) / jnp.maximum(eh, 1e-6)
    dw = jnp.log(jnp.maximum(gw, 1e-6) / jnp.maximum(ew, 1e-6))
    dh = jnp.log(jnp.maximum(gh, 1e-6) / jnp.maximum(eh, 1e-6))
    return jnp.stack([dx, dy, dw, dh], axis=1)


def reference(rois, gt_bbox, gt_labels):
    ious = _compute_overlaps(rois, gt_bbox)            # [N, G]
    argmax_row = jnp.argmax(ious, axis=1)              # [N]
    max_row = jnp.max(ious, axis=1)                    # [N]
    # deterministic fg/bg sampling via top_k on masked scores
    fg_score = jnp.where(max_row > FG_THRESH, max_row, -1.0)
    _, idxs_fg = jax.lax.top_k(fg_score, N_FG)
    bg_score = jnp.where((max_row > BG_LOW) & (max_row < BG_HIGH), max_row, -1.0)
    _, idxs_bg = jax.lax.top_k(bg_score, N_BG)
    idxs = jnp.concatenate([idxs_fg, idxs_bg], axis=0)  # [N]
    sel_rois = rois[idxs]
    matched_gt = gt_bbox[argmax_row[idxs]]
    deltas = _bbox_transform(sel_rois, matched_gt)
    deltas = (deltas - MEAN) / STD
    fg_valid = fg_score[idxs_fg] > 0.0
    lab_fg = jnp.where(fg_valid, gt_labels[argmax_row[idxs_fg]], 0)
    labels = jnp.concatenate([lab_fg, jnp.zeros((N_BG,), dtype=lab_fg.dtype)], axis=0)
    return deltas, labels

if __name__ == "__main__":
    import jax
    _d = setup_inputs()
    print(jax.jit(kernel)(*tuple(_d.values())))

</pallas_src>

<mosaic_0001>
#map = affine_map<(d0, d1) -> (0)>
module attributes {stable_mosaic.version = 14 : i64} {
  func.func @sck(%arg0: i32, %arg1: i32, %arg2: memref<20000xi32, #tpu.memory_space<hbm>>, %arg3: memref<12288xi32, #tpu.memory_space<hbm>>, %arg4: memref<20000xf32, #tpu.memory_space<hbm>>, %arg5: memref<20000xf32, #tpu.memory_space<hbm>>, %arg6: memref<20000xf32, #tpu.memory_space<hbm>>, %arg7: memref<20000xf32, #tpu.memory_space<hbm>>, %arg8: memref<20000xi32, #tpu.memory_space<hbm>>, %arg9: memref<20000xf32, #tpu.memory_space<hbm>>, %arg10: memref<20000xf32, #tpu.memory_space<hbm>>, %arg11: memref<20000xf32, #tpu.memory_space<hbm>>, %arg12: memref<20000xf32, #tpu.memory_space<hbm>>, %arg13: memref<20000xi32, #tpu.memory_space<hbm>>, %arg14: memref<20064xi32, #tpu.memory_space<vmem>>, %arg15: memref<20064xi32, #tpu.memory_space<vmem>>, %arg16: memref<20064xi32, #tpu.memory_space<vmem>>, %arg17: memref<20064xi32, #tpu.memory_space<vmem>>, %arg18: memref<8192xi32, #tpu.memory_space<vmem>>, %arg19: memref<8192xi32, #tpu.memory_space<vmem>>, %arg20: memref<4096xi32, #tpu.memory_space<vmem>>, %arg21: memref<4000xf32, #tpu.memory_space<vmem>>, %arg22: memref<4000xf32, #tpu.memory_space<vmem>>, %arg23: memref<4000xf32, #tpu.memory_space<vmem>>, %arg24: memref<4000xf32, #tpu.memory_space<vmem>>, %arg25: memref<4000xi32, #tpu.memory_space<vmem>>, %arg26: memref<4000xi32, #tpu.memory_space<vmem>>, %arg27: memref<!tpu.dma_semaphore, #tpu.memory_space<semaphore_mem>>, %arg28: memref<!tpu.dma_semaphore, #tpu.memory_space<semaphore_mem>>, %arg29: memref<!tpu.dma_semaphore, #tpu.memory_space<semaphore_mem>>, %arg30: memref<!tpu.dma_semaphore, #tpu.memory_space<semaphore_mem>>, %arg31: memref<!tpu.dma_semaphore, #tpu.memory_space<semaphore_mem>>) attributes {dimension_semantics = [#tpu.dimension_semantics<core_parallel>, #tpu.dimension_semantics<subcore_parallel>], iteration_bounds = array<i64: 2, 16>, scalar_prefetch = 0 : i64, scratch_operands = 18 : i64, tpu.core_type = #tpu.core_type<sc_vector_subcore>, window_params = [{transform_indices = #map}, {transform_indices = #map}, {transform_indices = #map}, {transform_indices = #map}, {transform_indices = #map}, {transform_indices = #map}, {transform_indices = #map}, {transform_indices = #map}, {transform_indices = #map}, {transform_indices = #map}, {transform_indices = #map}, {transform_indices = #map}]} {
    %eq3A = arith.constant 0 : i32
    %eq3A_0 = arith.cmpi eq, %arg0, %eq3A : i32
    %eq3A_1 = arith.constant 0 : i32
    %eq3A_2 = arith.cmpi eq, %arg1, %eq3A_1 : i32
    %and3A = arith.andi %eq3A_0, %eq3A_2 : i1
    %convert_element_type3A = arith.extui %and3A : i1 to i32
    %cond3A = arith.constant 0 : i32
    %cond3A_3 = arith.cmpi ne, %convert_element_type3A, %cond3A : i32
    scf.if %cond3A_3 {
      %iota3A = tpu.iota {dimensions = array<i32: 0>} : vector<16xi32>
      "tpu.region"() ({
        %run_scoped3A = tpu.sem_alloc : memref<!tpu.dma_semaphore, #tpu.memory_space<semaphore_mem>>
        %dma_start3A = arith.constant 0 : i32
        %dma_start3A_182 = tpu.memref_slice %arg3[%dma_start3A] : memref<12288xi32, #tpu.memory_space<hbm>> -> memref<8192xi32, #tpu.memory_space<hbm>>
        %dma_start3A_183 = arith.constant 0 : i32
        %dma_start3A_184 = tpu.memref_slice %arg3[%dma_start3A_183] : memref<12288xi32, #tpu.memory_space<hbm>> -> memref<8192xi32, #tpu.memory_space<hbm>>
        tpu.enqueue_dma source(%dma_start3A_184 : memref<8192xi32, #tpu.memory_space<hbm>>) target(%arg18 : memref<8192xi32, #tpu.memory_space<vmem>>) target_semaphore(%run_scoped3A : memref<!tpu.dma_semaphore, #tpu.memory_space<semaphore_mem>>)
        %dma_wait3A = arith.constant 0 : i32
        %dma_wait3A_185 = tpu.memref_slice %arg3[%dma_wait3A] : memref<12288xi32, #tpu.memory_space<hbm>> -> memref<8192xi32, #tpu.memory_space<hbm>>
        %dma_wait3A_186 = arith.constant 0 : i32
        %dma_wait3A_187 = tpu.memref_slice %arg3[%dma_wait3A_186] : memref<12288xi32, #tpu.memory_space<hbm>> -> memref<8192xi32, #tpu.memory_space<hbm>>
        tpu.wait_dma2 semaphore(%run_scoped3A : memref<!tpu.dma_semaphore, #tpu.memory_space<semaphore_mem>>) src(%dma_wait3A_187 : memref<8192xi32, #tpu.memory_space<hbm>>) dst(%arg18 : memref<8192xi32, #tpu.memory_space<vmem>>)
        tpu.yield
      }) : () -> ()
      "tpu.region"() ({
        %run_scoped3A = tpu.sem_alloc : memref<!tpu.dma_semaphore, #tpu.memory_space<semaphore_mem>>
        %dma_start3A = arith.constant 8192 : i32
        %dma_start3A_182 = tpu.memref_slice %arg3[%dma_start3A] : memref<12288xi32, #tpu.memory_space<hbm>> -> memref<4096xi32, #tpu.memory_space<hbm>>
        %dma_start3A_183 = arith.constant 8192 : i32
        %dma_start3A_184 = tpu.memref_slice %arg3[%dma_start3A_183] : memref<12288xi32, #tpu.memory_space<hbm>> -> memref<4096xi32, #tpu.memory_space<hbm>>
        tpu.enqueue_dma source(%dma_start3A_184 : memref<4096xi32, #tpu.memory_space<hbm>>) target(%arg20 : memref<4096xi32, #tpu.memory_space<vmem>>) target_semaphore(%run_scoped3A : memref<!tpu.dma_semaphore, #tpu.memory_space<semaphore_mem>>)
        %dma_wait3A = arith.constant 8192 : i32
        %dma_wait3A_185 = tpu.memref_slice %arg3[%dma_wait3A] : memref<12288xi32, #tpu.memory_space<hbm>> -> memref<4096xi32, #tpu.memory_space<hbm>>
        %dma_wait3A_186 = arith.constant 8192 : i32
        %dma_wait3A_187 = tpu.memref_slice %arg3[%dma_wait3A_186] : memref<12288xi32, #tpu.memory_space<hbm>> -> memref<4096xi32, #tpu.memory_space<hbm>>
        tpu.wait_dma2 semaphore(%run_scoped3A : memref<!tpu.dma_semaphore, #tpu.memory_space<semaphore_mem>>) src(%dma_wait3A_187 : memref<4096xi32, #tpu.memory_space<hbm>>) dst(%arg20 : memref<4096xi32, #tpu.memory_space<vmem>>)
        tpu.yield
      }) : () -> ()
      "tpu.region"() ({
        %run_scoped3A = tpu.sem_alloc : memref<!tpu.dma_semaphore, #tpu.memory_space<semaphore_mem>>
        %dma_start3A = arith.constant 0 : i32
        %dma_start3A_182 = tpu.memref_slice %arg16[%dma_start3A] : memref<20064xi32, #tpu.memory_space<vmem>> -> memref<20000xi32, #tpu.memory_space<vmem>>
        %dma_start3A_183 = arith.constant 0 : i32
        %dma_start3A_184 = tpu.memref_slice %arg16[%dma_start3A_183] : memref<20064xi32, #tpu.memory_space<vmem>> -> memref<20000xi32, #tpu.memory_space<vmem>>
        tpu.enqueue_dma source(%arg2 : memref<20000xi32, #tpu.memory_space<hbm>>) target(%dma_start3A_184 : memref<20000xi32, #tpu.memory_space<vmem>>) target_semaphore(%run_scoped3A : memref<!tpu.dma_semaphore, #tpu.memory_space<semaphore_mem>>)
        %dma_wait3A = arith.constant 0 : i32
        %dma_wait3A_185 = tpu.memref_slice %arg16[%dma_wait3A] : memref<20064xi32, #tpu.memory_space<vmem>> -> memref<20000xi32, #tpu.memory_space<vmem>>
        %dma_wait3A_186 = arith.constant 0 : i32
        %dma_wait3A_187 = tpu.memref_slice %arg16[%dma_wait3A_186] : memref<20064xi32, #tpu.memory_space<vmem>> -> memref<20000xi32, #tpu.memory_space<vmem>>
        tpu.wait_dma2 semaphore(%run_scoped3A : memref<!tpu.dma_semaphore, #tpu.memory_space<semaphore_mem>>) src(%arg2 : memref<20000xi32, #tpu.memory_space<hbm>>) dst(%dma_wait3A_187 : memref<20000xi32, #tpu.memory_space<vmem>>)
        tpu.yield
      }) : () -> ()
      %broadcast_in_dim3A = arith.constant -1036831950 : i32
      %broadcast_in_dim3A_4 = vector.broadcast %broadcast_in_dim3A : i32 to vector<16xi32>
      %swap3A = arith.constant 20000 : index
      %swap3A_5 = tpu.vector_load %arg16[%swap3A] {strides = array<i32>} : memref<20064xi32, #tpu.memory_space<vmem>>, vector<16xi32>,
      tpu.vector_store %arg16[%swap3A], %broadcast_in_dim3A_4 {strides = array<i32>} : memref<20064xi32, #tpu.memory_space<vmem>>, vector<16xi32>,
      %broadcast_in_dim3A_6 = arith.constant -1036831950 : i32
      %broadcast_in_dim3A_7 = vector.broadcast %broadcast_in_dim3A_6 : i32 to vector<16xi32>
      %swap3A_8 = arith.constant 20016 : index
      %swap3A_9 = tpu.vector_load %arg16[%swap3A_8] {strides = array<i32>} : memref<20064xi32, #tpu.memory_space<vmem>>, vector<16xi32>,
      tpu.vector_store %arg16[%swap3A_8], %broadcast_in_dim3A_7 {strides = array<i32>} : memref<20064xi32, #tpu.memory_space<vmem>>, vector<16xi32>,
      %broadcast_in_dim3A_10 = arith.constant -1036831950 : i32
      %broadcast_in_dim3A_11 = vector.broadcast %broadcast_in_dim3A_10 : i32 to vector<16xi32>
      %swap3A_12 = arith.constant 20032 : index
      %swap3A_13 = tpu.vector_load %arg16[%swap3A_12] {strides = array<i32>} : memref<20064xi32, #tpu.memory_space<vmem>>, vector<16xi32>,
      tpu.vector_store %arg16[%swap3A_12], %broadcast_in_dim3A_11 {strides = array<i32>} : memref<20064xi32, #tpu.memory_space<vmem>>, vector<16xi32>,
      %scan3A = arith.constant 0 : i32
      %scan3A_14 = arith.constant 0 : i32
      %scan3A_15 = arith.constant 313 : i32
      %scan3A_16 = arith.addi %scan3A_14, %scan3A_15 : i32
      %scan3A_17 = arith.constant 1 : i32
      %scan3A_18 = scf.for %scan3A_182 = %scan3A_14 to %scan3A_16 step %scan3A_17 iter_args(%scan3A_183 = %scan3A) -> (i32)  : i32 {
        %mul3A_184 = arith.constant 64 : i32
        %mul3A_185 = arith.muli %scan3A_182, %mul3A_184 : i32
        %get3A_186 = arith.index_cast %mul3A_185 : i32 to index
        %get3A_187 = tpu.vector_load %arg16[%get3A_186] {strides = array<i32>} : memref<20064xi32, #tpu.memory_space<vmem>>, vector<16xi32>,
        %lt3A_188 = arith.constant -1036831950 : i32
        %lt3A_189 = vector.broadcast %lt3A_188 : i32 to vector<16xi32>
        %lt3A_190 = arith.cmpi slt, %get3A_187, %lt3A_189 : vector<16xi32>
        %ne3A_191 = arith.constant -1056964609 : i32
        %ne3A_192 = vector.broadcast %ne3A_191 : i32 to vector<16xi32>
        %ne3A_193 = arith.cmpi ne, %get3A_187, %ne3A_192 : vector<16xi32>
        %and3A_194 = arith.andi %lt3A_190, %ne3A_193 : vector<16xi1>
        %add3A_195 = vector.broadcast %mul3A_185 : i32 to vector<16xi32>
        %add3A_196 = arith.addi %iota3A, %add3A_195 : vector<16xi32>
        %swap3A_197 = arith.index_cast %scan3A_183 : i32 to index
        %swap3A_198 = tpu.vector_load %arg14[%swap3A_197] masked %and3A_194 {strides = array<i32>} : memref<20064xi32, #tpu.memory_space<vmem>>, vector<16xi32>, vector<16xi1>
        tpu.vector_store %arg14[%swap3A_197], %get3A_187 masked %and3A_194 {strides = array<i32>} : memref<20064xi32, #tpu.memory_space<vmem>>, vector<16xi32>, vector<16xi1>
        %swap3A_199 = arith.index_cast %scan3A_183 : i32 to index
        %swap3A_200 = tpu.vector_load %arg15[%swap3A_199] masked %and3A_194 {strides = array<i32>} : memref<20064xi32, #tpu.memory_space<vmem>>, vector<16xi32>, vector<16xi1>
        tpu.vector_store %arg15[%swap3A_199], %add3A_196 masked %and3A_194 {strides = array<i32>} : memref<20064xi32, #tpu.memory_space<vmem>>, vector<16xi32>, vector<16xi1>
        %sub3A_201 = arith.constant -1065353217 : i32
        %sub3A_202 = vector.broadcast %sub3A_201 : i32 to vector<16xi32>
        %sub3A_203 = arith.subi %get3A_187, %sub3A_202 : vector<16xi32>
        %and3A_204 = arith.constant 8191 : i32
        %and3A_205 = vector.broadcast %and3A_204 : i32 to vector<16xi32>
        %and3A_206 = arith.andi %sub3A_203, %and3A_205 : vector<16xi32>
        %unique3A, %unique3A_207 = tpu.scan_count mask(%and3A_194 : vector<16xi1>) value(%and3A_206 : vector<16xi32>) : vector<16xi1>, vector<16xi32>
        %and3A_208 = arith.andi %unique3A, %and3A_194 : vector<16xi1>
        tpu.vector_store_idx %arg18[%and3A_206], %unique3A_207 masked %and3A_208 {add = true} : memref<8192xi32, #tpu.memory_space<vmem>>[vector<16xi32>], vector<16xi32>, vector<16xi1>
        %convert_element_type3A_209 = arith.extui %and3A_194 : vector<16xi1> to vector<16xi32>
        %reduce_sum3A = arith.constant true
        %reduce_sum3A_210 = vector.broadcast %reduce_sum3A : i1 to vector<16xi1>
        %reduce_sum3A_211 = tpu.scan <sum>, %convert_element_type3A_209 masked %reduce_sum3A_210 : vector<16xi32>, vector<16xi1> -> vector<16xi32>
        %reduce_sum3A_212 = vector.extract %reduce_sum3A_211[15] : i32 from vector<16xi32>
        %add3A_213 = arith.addi %scan3A_183, %reduce_sum3A_212 : i32
        %mul3A_214 = arith.constant 64 : i32
        %mul3A_215 = arith.muli %scan3A_182, %mul3A_214 : i32
        %add3A_216 = arith.constant 16 : i32
        %add3A_217 = arith.addi %mul3A_215, %add3A_216 : i32
        %get3A_218 = arith.index_cast %add3A_217 : i32 to index
        %get3A_219 = tpu.vector_load %arg16[%get3A_218] {strides = array<i32>} : memref<20064xi32, #tpu.memory_space<vmem>>, vector<16xi32>,
        %lt3A_220 = arith.constant -1036831950 : i32
        %lt3A_221 = vector.broadcast %lt3A_220 : i32 to vector<16xi32>
        %lt3A_222 = arith.cmpi slt, %get3A_219, %lt3A_221 : vector<16xi32>
        %ne3A_223 = arith.constant -1056964609 : i32
        %ne3A_224 = vector.broadcast %ne3A_223 : i32 to vector<16xi32>
        %ne3A_225 = arith.cmpi ne, %get3A_219, %ne3A_224 : vector<16xi32>
        %and3A_226 = arith.andi %lt3A_222, %ne3A_225 : vector<16xi1>
        %add3A_227 = vector.broadcast %add3A_217 : i32 to vector<16xi32>
        %add3A_228 = arith.addi %iota3A, %add3A_227 : vector<16xi32>
        %swap3A_229 = arith.index_cast %add3A_213 : i32 to index
        %swap3A_230 = tpu.vector_load %arg14[%swap3A_229] masked %and3A_226 {strides = array<i32>} : memref<20064xi32, #tpu.memory_space<vmem>>, vector<16xi32>, vector<16xi1>
        tpu.vector_store %arg14[%swap3A_229], %get3A_219 masked %and3A_226 {strides = array<i32>} : memref<20064xi32, #tpu.memory_space<vmem>>, vector<16xi32>, vector<16xi1>
        %swap3A_231 = arith.index_cast %add3A_213 : i32 to index
        %swap3A_232 = tpu.vector_load %arg15[%swap3A_231] masked %and3A_226 {strides = array<i32>} : memref<20064xi32, #tpu.memory_space<vmem>>, vector<16xi32>, vector<16xi1>
        tpu.vector_store %arg15[%swap3A_231], %add3A_228 masked %and3A_226 {strides = array<i32>} : memref<20064xi32, #tpu.memory_space<vmem>>, vector<16xi32>, vector<16xi1>
        %sub3A_233 = arith.constant -1065353217 : i32
        %sub3A_234 = vector.broadcast %sub3A_233 : i32 to vector<16xi32>
        %sub3A_235 = arith.subi %get3A_219, %sub3A_234 : vector<16xi32>
        %and3A_236 = arith.constant 8191 : i32
        %and3A_237 = vector.broadcast %and3A_236 : i32 to vector<16xi32>
        %and3A_238 = arith.andi %sub3A_235, %and3A_237 : vector<16xi32>
        %unique3A_239, %unique3A_240 = tpu.scan_count mask(%and3A_226 : vector<16xi1>) value(%and3A_238 : vector<16xi32>) : vector<16xi1>, vector<16xi32>
        %and3A_241 = arith.andi %unique3A_239, %and3A_226 : vector<16xi1>
        tpu.vector_store_idx %arg18[%and3A_238], %unique3A_240 masked %and3A_241 {add = true} : memref<8192xi32, #tpu.memory_space<vmem>>[vector<16xi32>], vector<16xi32>, vector<16xi1>
        %convert_element_type3A_242 = arith.extui %and3A_226 : vector<16xi1> to vector<16xi32>
        %reduce_sum3A_243 = arith.constant true
        %reduce_sum3A_244 = vector.broadcast %reduce_sum3A_243 : i1 to vector<16xi1>
        %reduce_sum3A_245 = tpu.scan <sum>, %convert_element_type3A_242 masked %reduce_sum3A_244 : vector<16xi32>, vector<16xi1> -> vector<16xi32>
        %reduce_sum3A_246 = vector.extract %reduce_sum3A_245[15] : i32 from vector<16xi32>
        %add3A_247 = arith.addi %add3A_213, %reduce_sum3A_246 : i32
        %mul3A_248 = arith.constant 64 : i32
        %mul3A_249 = arith.muli %scan3A_182, %mul3A_248 : i32
        %add3A_250 = arith.constant 32 : i32
        %add3A_251 = arith.addi %mul3A_249, %add3A_250 : i32
        %get3A_252 = arith.index_cast %add3A_251 : i32 to index
        %get3A_253 = tpu.vector_load %arg16[%get3A_252] {strides = array<i32>} : memref<20064xi32, #tpu.memory_space<vmem>>, vector<16xi32>,
        %lt3A_254 = arith.constant -1036831950 : i32
        %lt3A_255 = vector.broadcast %lt3A_254 : i32 to vector<16xi32>
        %lt3A_256 = arith.cmpi slt, %get3A_253, %lt3A_255 : vector<16xi32>
        %ne3A_257 = arith.constant -1056964609 : i32
        %ne3A_258 = vector.broadcast %ne3A_257 : i32 to vector<16xi32>
        %ne3A_259 = arith.cmpi ne, %get3A_253, %ne3A_258 : vector<16xi32>
        %and3A_260 = arith.andi %lt3A_256, %ne3A_259 : vector<16xi1>
        %add3A_261 = vector.broadcast %add3A_251 : i32 to vector<16xi32>
        %add3A_262 = arith.addi %iota3A, %add3A_261 : vector<16xi32>
        %swap3A_263 = arith.index_cast %add3A_247 : i32 to index
        %swap3A_264 = tpu.vector_load %arg14[%swap3A_263] masked %and3A_260 {strides = array<i32>} : memref<20064xi32, #tpu.memory_space<vmem>>, vector<16xi32>, vector<16xi1>
        tpu.vector_store %arg14[%swap3A_263], %get3A_253 masked %and3A_260 {strides = array<i32>} : memref<20064xi32, #tpu.memory_space<vmem>>, vector<16xi32>, vector<16xi1>
        %swap3A_265 = arith.index_cast %add3A_247 : i32 to index
        %swap3A_266 = tpu.vector_load %arg15[%swap3A_265] masked %and3A_260 {strides = array<i32>} : memref<20064xi32, #tpu.memory_space<vmem>>, vector<16xi32>, vector<16xi1>
        tpu.vector_store %arg15[%swap3A_265], %add3A_262 masked %and3A_260 {strides = array<i32>} : memref<20064xi32, #tpu.memory_space<vmem>>, vector<16xi32>, vector<16xi1>
        %sub3A_267 = arith.constant -1065353217 : i32
        %sub3A_268 = vector.broadcast %sub3A_267 : i32 to vector<16xi32>
        %sub3A_269 = arith.subi %get3A_253, %sub3A_268 : vector<16xi32>
        %and3A_270 = arith.constant 8191 : i32
        %and3A_271 = vector.broadcast %and3A_270 : i32 to vector<16xi32>
        %and3A_272 = arith.andi %sub3A_269, %and3A_271 : vector<16xi32>
        %unique3A_273, %unique3A_274 = tpu.scan_count mask(%and3A_260 : vector<16xi1>) value(%and3A_272 : vector<16xi32>) : vector<16xi1>, vector<16xi32>
        %and3A_275 = arith.andi %unique3A_273, %and3A_260 : vector<16xi1>
        tpu.vector_store_idx %arg18[%and3A_272], %unique3A_274 masked %and3A_275 {add = true} : memref<8192xi32, #tpu.memory_space<vmem>>[vector<16xi32>], vector<16xi32>, vector<16xi1>
        %convert_element_type3A_276 = arith.extui %and3A_260 : vector<16xi1> to vector<16xi32>
        %reduce_sum3A_277 = arith.constant true
        %reduce_sum3A_278 = vector.broadcast %reduce_sum3A_277 : i1 to vector<16xi1>
        %reduce_sum3A_279 = tpu.scan <sum>, %convert_element_type3A_276 masked %reduce_sum3A_278 : vector<16xi32>, vector<16xi1> -> vector<16xi32>
        %reduce_sum3A_280 = vector.extract %reduce_sum3A_279[15] : i32 from vector<16xi32>
        %add3A_281 = arith.addi %add3A_247, %reduce_sum3A_280 : i32
        %mul3A_282 = arith.constant 64 : i32
        %mul3A_283 = arith.muli %scan3A_182, %mul3A_282 : i32
        %add3A_284 = arith.constant 48 : i32
        %add3A_285 = arith.addi %mul3A_283, %add3A_284 : i32
        %get3A_286 = arith.index_cast %add3A_285 : i32 to index
        %get3A_287 = tpu.vector_load %arg16[%get3A_286] {strides = array<i32>} : memref<20064xi32, #tpu.memory_space<vmem>>, vector<16xi32>,
        %lt3A_288 = arith.constant -1036831950 : i32
        %lt3A_289 = vector.broadcast %lt3A_288 : i32 to vector<16xi32>
        %lt3A_290 = arith.cmpi slt, %get3A_287, %lt3A_289 : vector<16xi32>
        %ne3A_291 = arith.constant -1056964609 : i32
        %ne3A_292 = vector.broadcast %ne3A_291 : i32 to vector<16xi32>
        %ne3A_293 = arith.cmpi ne, %get3A_287, %ne3A_292 : vector<16xi32>
        %and3A_294 = arith.andi %lt3A_290, %ne3A_293 : vector<16xi1>
        %add3A_295 = vector.broadcast %add3A_285 : i32 to vector<16xi32>
        %add3A_296 = arith.addi %iota3A, %add3A_295 : vector<16xi32>
        %swap3A_297 = arith.index_cast %add3A_281 : i32 to index
        %swap3A_298 = tpu.vector_load %arg14[%swap3A_297] masked %and3A_294 {strides = array<i32>} : memref<20064xi32, #tpu.memory_space<vmem>>, vector<16xi32>, vector<16xi1>
        tpu.vector_store %arg14[%swap3A_297], %get3A_287 masked %and3A_294 {strides = array<i32>} : memref<20064xi32, #tpu.memory_space<vmem>>, vector<16xi32>, vector<16xi1>
        %swap3A_299 = arith.index_cast %add3A_281 : i32 to index
        %swap3A_300 = tpu.vector_load %arg15[%swap3A_299] masked %and3A_294 {strides = array<i32>} : memref<20064xi32, #tpu.memory_space<vmem>>, vector<16xi32>, vector<16xi1>
        tpu.vector_store %arg15[%swap3A_299], %add3A_296 masked %and3A_294 {strides = array<i32>} : memref<20064xi32, #tpu.memory_space<vmem>>, vector<16xi32>, vector<16xi1>
        %sub3A_301 = arith.constant -1065353217 : i32
        %sub3A_302 = vector.broadcast %sub3A_301 : i32 to vector<16xi32>
        %sub3A_303 = arith.subi %get3A_287, %sub3A_302 : vector<16xi32>
        %and3A_304 = arith.constant 8191 : i32
        %and3A_305 = vector.broadcast %and3A_304 : i32 to vector<16xi32>
        %and3A_306 = arith.andi %sub3A_303, %and3A_305 : vector<16xi32>
        %unique3A_307, %unique3A_308 = tpu.scan_count mask(%and3A_294 : vector<16xi1>) value(%and3A_306 : vector<16xi32>) : vector<16xi1>, vector<16xi32>
        %and3A_309 = arith.andi %unique3A_307, %and3A_294 : vector<16xi1>
        tpu.vector_store_idx %arg18[%and3A_306], %unique3A_308 masked %and3A_309 {add = true} : memref<8192xi32, #tpu.memory_space<vmem>>[vector<16xi32>], vector<16xi32>, vector<16xi1>
        %convert_element_type3A_310 = arith.extui %and3A_294 : vector<16xi1> to vector<16xi32>
        %reduce_sum3A_311 = arith.constant true
        %reduce_sum3A_312 = vector.broadcast %reduce_sum3A_311 : i1 to vector<16xi1>
        %reduce_sum3A_313 = tpu.scan <sum>, %convert_element_type3A_310 masked %reduce_sum3A_312 : vector<16xi32>, vector<16xi1> -> vector<16xi32>
        %reduce_sum3A_314 = vector.extract %reduce_sum3A_313[15] : i32 from vector<16xi32>
        %add3A_315 = arith.addi %add3A_281, %reduce_sum3A_314 : i32
        scf.yield %add3A_315 : i32
      }
      %scan3A_19 = arith.constant 313 : i32
      %jit3A = arith.constant 16 : i32
      %div3A = arith.divsi %scan3A_18, %jit3A : i32
      %sign3A = arith.constant 0 : i32
      %sign3A_20 = arith.cmpi sgt, %scan3A_18, %sign3A : i32
      %sign3A_21 = arith.extui %sign3A_20 : i1 to i32
      %sign3A_22 = arith.constant 0 : i32
      %sign3A_23 = arith.cmpi slt, %scan3A_18, %sign3A_22 : i32
      %sign3A_24 = arith.extui %sign3A_23 : i1 to i32
      %sign3A_25 = arith.subi %sign3A_21, %sign3A_24 : i32
      %sign3A_26 = arith.constant 0 : i32
      %sign3A_27 = arith.cmpi sgt, %jit3A, %sign3A_26 : i32
      %sign3A_28 = arith.extui %sign3A_27 : i1 to i32
      %sign3A_29 = arith.constant 0 : i32
      %sign3A_30 = arith.cmpi slt, %jit3A, %sign3A_29 : i32
      %sign3A_31 = arith.extui %sign3A_30 : i1 to i32
      %sign3A_32 = arith.subi %sign3A_28, %sign3A_31 : i32
      %ne3A = arith.cmpi ne, %sign3A_25, %sign3A_32 : i32
      %rem3A = arith.remsi %scan3A_18, %jit3A : i32
      %ne3A_33 = arith.constant 0 : i32
      %ne3A_34 = arith.cmpi ne, %rem3A, %ne3A_33 : i32
      %and3A_35 = arith.andi %ne3A, %ne3A_34 : i1
      %sub3A = arith.constant 1 : i32
      %sub3A_36 = arith.subi %div3A, %sub3A : i32
      %select_n3A = arith.select %and3A_35, %sub3A_36, %div3A : i32
      %mul3A = arith.constant 16 : i32
      %mul3A_37 = arith.muli %select_n3A, %mul3A : i32
      %get3A = arith.index_cast %mul3A_37 : i32 to index
      %get3A_38 = tpu.vector_load %arg14[%get3A] {strides = array<i32>} : memref<20064xi32, #tpu.memory_space<vmem>>, vector<16xi32>,
      %sub3A_39 = arith.subi %scan3A_18, %mul3A_37 : i32
      %lt3A = vector.broadcast %sub3A_39 : i32 to vector<16xi32>
      %lt3A_40 = arith.cmpi slt, %iota3A, %lt3A : vector<16xi32>
      %jit3A_41 = arith.constant -1036831950 : i32
      %broadcast_in_dim3A_42 = vector.broadcast %jit3A_41 : i32 to vector<16xi32>
      %select_n3A_43 = arith.select %lt3A_40, %get3A_38, %broadcast_in_dim3A_42 : vector<16xi1>, vector<16xi32>
      %swap3A_44 = arith.index_cast %mul3A_37 : i32 to index
      %swap3A_45 = tpu.vector_load %arg14[%swap3A_44] {strides = array<i32>} : memref<20064xi32, #tpu.memory_space<vmem>>, vector<16xi32>,
      tpu.vector_store %arg14[%swap3A_44], %select_n3A_43 {strides = array<i32>} : memref<20064xi32, #tpu.memory_space<vmem>>, vector<16xi32>,
      %broadcast_in_dim3A_46 = arith.constant -1036831950 : i32
      %broadcast_in_dim3A_47 = vector.broadcast %broadcast_in_dim3A_46 : i32 to vector<16xi32>
      %add3A = arith.constant 16 : i32
      %add3A_48 = arith.addi %mul3A_37, %add3A : i32
      %swap3A_49 = arith.index_cast %add3A_48 : i32 to index
      %swap3A_50 = tpu.vector_load %arg14[%swap3A_49] {strides = array<i32>} : memref<20064xi32, #tpu.memory_space<vmem>>, vector<16xi32>,
      tpu.vector_store %arg14[%swap3A_49], %broadcast_in_dim3A_47 {strides = array<i32>} : memref<20064xi32, #tpu.memory_space<vmem>>, vector<16xi32>,
      %broadcast_in_dim3A_51 = arith.constant -1036831950 : i32
      %broadcast_in_dim3A_52 = vector.broadcast %broadcast_in_dim3A_51 : i32 to vector<16xi32>
      %add3A_53 = arith.constant 32 : i32
      %add3A_54 = arith.addi %mul3A_37, %add3A_53 : i32
      %swap3A_55 = arith.index_cast %add3A_54 : i32 to index
      %swap3A_56 = tpu.vector_load %arg14[%swap3A_55] {strides = array<i32>} : memref<20064xi32, #tpu.memory_space<vmem>>, vector<16xi32>,
      tpu.vector_store %arg14[%swap3A_55], %broadcast_in_dim3A_52 {strides = array<i32>} : memref<20064xi32, #tpu.memory_space<vmem>>, vector<16xi32>,
      %broadcast_in_dim3A_57 = arith.constant -1036831950 : i32
      %broadcast_in_dim3A_58 = vector.broadcast %broadcast_in_dim3A_57 : i32 to vector<16xi32>
      %add3A_59 = arith.constant 48 : i32
      %add3A_60 = arith.addi %mul3A_37, %add3A_59 : i32
      %swap3A_61 = arith.index_cast %add3A_60 : i32 to index
      %swap3A_62 = tpu.vector_load %arg14[%swap3A_61] {strides = array<i32>} : memref<20064xi32, #tpu.memory_space<vmem>>, vector<16xi32>,
      tpu.vector_store %arg14[%swap3A_61], %broadcast_in_dim3A_58 {strides = array<i32>} : memref<20064xi32, #tpu.memory_space<vmem>>, vector<16xi32>,
      %add3A_63 = arith.constant 63 : i32
      %add3A_64 = arith.addi %scan3A_18, %add3A_63 : i32
      %jit3A_65 = arith.constant 64 : i32
      %div3A_66 = arith.divsi %add3A_64, %jit3A_65 : i32
      %sign3A_67 = arith.constant 0 : i32
      %sign3A_68 = arith.cmpi sgt, %add3A_64, %sign3A_67 : i32
      %sign3A_69 = arith.extui %sign3A_68 : i1 to i32
      %sign3A_70 = arith.constant 0 : i32
      %sign3A_71 = arith.cmpi slt, %add3A_64, %sign3A_70 : i32
      %sign3A_72 = arith.extui %sign3A_71 : i1 to i32
      %sign3A_73 = arith.subi %sign3A_69, %sign3A_72 : i32
      %sign3A_74 = arith.constant 0 : i32
      %sign3A_75 = arith.cmpi sgt, %jit3A_65, %sign3A_74 : i32
      %sign3A_76 = arith.extui %sign3A_75 : i1 to i32
      %sign3A_77 = arith.constant 0 : i32
      %sign3A_78 = arith.cmpi slt, %jit3A_65, %sign3A_77 : i32
      %sign3A_79 = arith.extui %sign3A_78 : i1 to i32
      %sign3A_80 = arith.subi %sign3A_76, %sign3A_79 : i32
      %ne3A_81 = arith.cmpi ne, %sign3A_73, %sign3A_80 : i32
      %rem3A_82 = arith.remsi %add3A_64, %jit3A_65 : i32
      %ne3A_83 = arith.constant 0 : i32
      %ne3A_84 = arith.cmpi ne, %rem3A_82, %ne3A_83 : i32
      %and3A_85 = arith.andi %ne3A_81, %ne3A_84 : i1
      %sub3A_86 = arith.constant 1 : i32
      %sub3A_87 = arith.subi %div3A_66, %sub3A_86 : i32
      %select_n3A_88 = arith.select %and3A_85, %sub3A_87, %div3A_66 : i32
      %mul3A_89 = arith.constant 2 : i32
      %mul3A_90 = arith.muli %select_n3A_88, %mul3A_89 : i32
      %mul3A_91 = arith.constant 32 : i32
      %mul3A_92 = arith.muli %mul3A_90, %mul3A_91 : i32
      %sub3A_93 = arith.subi %mul3A_92, %scan3A_18 : i32
      %get3A_94 = arith.constant 4912 : index
      %get3A_95 = tpu.vector_load %arg18[%get3A_94] {strides = array<i32>} : memref<8192xi32, #tpu.memory_space<vmem>>, vector<16xi32>,
      %eq3A_96 = arith.constant 3 : i32
      %eq3A_97 = vector.broadcast %eq3A_96 : i32 to vector<16xi32>
      %eq3A_98 = arith.cmpi eq, %iota3A, %eq3A_97 : vector<16xi32>
      %jit3A_99 = arith.constant 0 : i32
      %broadcast_in_dim3A_100 = vector.broadcast %sub3A_93 : i32 to vector<16xi32>
      %broadcast_in_dim3A_101 = vector.broadcast %jit3A_99 : i32 to vector<16xi32>
      %select_n3A_102 = arith.select %eq3A_98, %broadcast_in_dim3A_100, %broadcast_in_dim3A_101 : vector<16xi1>, vector<16xi32>
      %add3A_103 = arith.addi %get3A_95, %select_n3A_102 : vector<16xi32>
      %swap3A_104 = arith.constant 4912 : index
      %swap3A_105 = tpu.vector_load %arg18[%swap3A_104] {strides = array<i32>} : memref<8192xi32, #tpu.memory_space<vmem>>, vector<16xi32>,
      tpu.vector_store %arg18[%swap3A_104], %add3A_103 {strides = array<i32>} : memref<8192xi32, #tpu.memory_space<vmem>>, vector<16xi32>,
      %scan3A_106 = arith.constant 0 : i32
      %scan3A_107 = arith.constant 0 : i32
      %scan3A_108 = arith.constant 256 : i32
      %scan3A_109 = arith.addi %scan3A_107, %scan3A_108 : i32
      %scan3A_110 = arith.constant 1 : i32
      %scan3A_111 = scf.for %scan3A_182 = %scan3A_107 to %scan3A_109 step %scan3A_110 iter_args(%scan3A_183 = %scan3A_106) -> (i32)  : i32 {
        %mul3A_184 = arith.constant 32 : i32
        %mul3A_185 = arith.muli %scan3A_182, %mul3A_184 : i32
        %get3A_186 = arith.index_cast %mul3A_185 : i32 to index
        %get3A_187 = tpu.vector_load %arg18[%get3A_186] {strides = array<i32>} : memref<8192xi32, #tpu.memory_space<vmem>>, vector<16xi32>,
        %mul3A_188 = arith.constant 32 : i32
        %mul3A_189 = arith.muli %scan3A_182, %mul3A_188 : i32
        %add3A_190 = arith.constant 16 : i32
        %add3A_191 = arith.addi %mul3A_189, %add3A_190 : i32
        %get3A_192 = arith.index_cast %add3A_191 : i32 to index
        %get3A_193 = tpu.vector_load %arg18[%get3A_192] {strides = array<i32>} : memref<8192xi32, #tpu.memory_space<vmem>>, vector<16xi32>,
        %broadcast_in_dim3A_194 = arith.constant true
        %broadcast_in_dim3A_195 = vector.broadcast %broadcast_in_dim3A_194 : i1 to vector<16xi1>
        %masked_cumsum3A = tpu.scan <sum>, %get3A_187 masked %broadcast_in_dim3A_195 : vector<16xi32>, vector<16xi1> -> vector<16xi32>
        %broadcast_in_dim3A_196 = arith.constant true
        %broadcast_in_dim3A_197 = vector.broadcast %broadcast_in_dim3A_196 : i1 to vector<16xi1>
        %masked_cumsum3A_198 = tpu.scan <sum>, %get3A_193 masked %broadcast_in_dim3A_197 : vector<16xi32>, vector<16xi1> -> vector<16xi32>
        %slice3A = vector.extract_strided_slice %masked_cumsum3A {offsets = [15], sizes = [1], strides = [1]} : vector<16xi32> to vector<1xi32>
        %squeeze3A = vector.extract %slice3A[0] : i32 from vector<1xi32>
        %add3A_199 = vector.broadcast %scan3A_183 : i32 to vector<16xi32>
        %add3A_200 = arith.addi %add3A_199, %masked_cumsum3A : vector<16xi32>
        %sub3A_201 = arith.subi %add3A_200, %get3A_187 : vector<16xi32>
        %mul3A_202 = arith.constant 32 : i32
        %mul3A_203 = arith.muli %scan3A_182, %mul3A_202 : i32
        %swap3A_204 = arith.index_cast %mul3A_203 : i32 to index
        %swap3A_205 = tpu.vector_load %arg19[%swap3A_204] {strides = array<i32>} : memref<8192xi32, #tpu.memory_space<vmem>>, vector<16xi32>,
        tpu.vector_store %arg19[%swap3A_204], %sub3A_201 {strides = array<i32>} : memref<8192xi32, #tpu.memory_space<vmem>>, vector<16xi32>,
        %add3A_206 = arith.addi %scan3A_183, %squeeze3A : i32
        %add3A_207 = vector.broadcast %add3A_206 : i32 to vector<16xi32>
        %add3A_208 = arith.addi %add3A_207, %masked_cumsum3A_198 : vector<16xi32>
        %sub3A_209 = arith.subi %add3A_208, %get3A_193 : vector<16xi32>
        %mul3A_210 = arith.constant 32 : i32
        %mul3A_211 = arith.muli %scan3A_182, %mul3A_210 : i32
        %add3A_212 = arith.constant 16 : i32
        %add3A_213 = arith.addi %mul3A_211, %add3A_212 : i32
        %swap3A_214 = arith.index_cast %add3A_213 : i32 to index
        %swap3A_215 = tpu.vector_load %arg19[%swap3A_214] {strides = array<i32>} : memref<8192xi32, #tpu.memory_space<vmem>>, vector<16xi32>,
        tpu.vector_store %arg19[%swap3A_214], %sub3A_209 {strides = array<i32>} : memref<8192xi32, #tpu.memory_space<vmem>>, vector<16xi32>,
        %add3A_216 = arith.addi %scan3A_183, %squeeze3A : i32
        %slice3A_217 = vector.extract_strided_slice %masked_cumsum3A_198 {offsets = [15], sizes = [1], strides = [1]} : vector<16xi32> to vector<1xi32>
        %squeeze3A_218 = vector.extract %slice3A_217[0] : i32 from vector<1xi32>
        %add3A_219 = arith.addi %add3A_216, %squeeze3A_218 : i32
        scf.yield %add3A_219 : i32
      }
      %scan3A_112 = arith.constant 256 : i32
      %while3A = arith.constant 0 : i32
      %while3A_113 = arith.constant 0 : i32
      %while3A_114 = arith.subi %mul3A_90, %while3A : i32
      %while3A_115 = arith.addi %while3A, %while3A_114 : i32
      %while3A_116 = arith.constant 1 : i32
      %while3A_117 = arith.divsi %while3A_114, %while3A_116 : i32
      %while3A_118 = arith.muli %while3A_117, %while3A_116 : i32
      %while3A_119 = arith.addi %while3A, %while3A_118 : i32
      %while3A_120 = arith.constant 1 : i32
      %while3A_121 = scf.for %while3A_182 = %while3A to %while3A_119 step %while3A_120 iter_args(%while3A_183 = %while3A_113) -> (i32)  : i32 {
        %mul3A_184 = arith.constant 32 : i32
        %mul3A_185 = arith.muli %while3A_182, %mul3A_184 : i32
        %get3A_186 = arith.index_cast %mul3A_185 : i32 to index
        %get3A_187 = tpu.vector_load %arg14[%get3A_186] {strides = array<i32>} : memref<20064xi32, #tpu.memory_space<vmem>>, vector<16xi32>,
        %mul3A_188 = arith.constant 32 : i32
        %mul3A_189 = arith.muli %while3A_182, %mul3A_188 : i32
        %get3A_190 = arith.index_cast %mul3A_189 : i32 to index
        %get3A_191 = tpu.vector_load %arg15[%get3A_190] {strides = array<i32>} : memref<20064xi32, #tpu.memory_space<vmem>>, vector<16xi32>,
        %mul3A_192 = arith.constant 32 : i32
        %mul3A_193 = arith.muli %while3A_182, %mul3A_192 : i32
        %add3A_194 = arith.constant 16 : i32
        %add3A_195 = arith.addi %mul3A_193, %add3A_194 : i32
        %get3A_196 = arith.index_cast %add3A_195 : i32 to index
        %get3A_197 = tpu.vector_load %arg14[%get3A_196] {strides = array<i32>} : memref<20064xi32, #tpu.memory_space<vmem>>, vector<16xi32>,
        %mul3A_198 = arith.constant 32 : i32
        %mul3A_199 = arith.muli %while3A_182, %mul3A_198 : i32
        %add3A_200 = arith.constant 16 : i32
        %add3A_201 = arith.addi %mul3A_199, %add3A_200 : i32
        %get3A_202 = arith.index_cast %add3A_201 : i32 to index
        %get3A_203 = tpu.vector_load %arg15[%get3A_202] {strides = array<i32>} : memref<20064xi32, #tpu.memory_space<vmem>>, vector<16xi32>,
        %sub3A_204 = arith.constant -1065353217 : i32
        %sub3A_205 = vector.broadcast %sub3A_204 : i32 to vector<16xi32>
        %sub3A_206 = arith.subi %get3A_187, %sub3A_205 : vector<16xi32>
        %and3A_207 = arith.constant 8191 : i32
        %and3A_208 = vector.broadcast %and3A_207 : i32 to vector<16xi32>
        %and3A_209 = arith.andi %sub3A_206, %and3A_208 : vector<16xi32>
        %broadcast_in_dim3A_210 = arith.constant true
        %broadcast_in_dim3A_211 = vector.broadcast %broadcast_in_dim3A_210 : i1 to vector<16xi1>
        %unique3A, %unique3A_212 = tpu.scan_count mask(%broadcast_in_dim3A_211 : vector<16xi1>) value(%and3A_209 : vector<16xi32>) : vector<16xi1>, vector<16xi32>
        %gather3A = tpu.vector_load_idx %arg19[%and3A_209] : memref<8192xi32, #tpu.memory_space<vmem>>[vector<16xi32>], vector<16xi32>,
        %add3A_213 = arith.addi %gather3A, %unique3A_212 : vector<16xi32>
        %sub3A_214 = arith.constant 1 : i32
        %sub3A_215 = vector.broadcast %sub3A_214 : i32 to vector<16xi32>
        %sub3A_216 = arith.subi %add3A_213, %sub3A_215 : vector<16xi32>
        tpu.vector_store_idx %arg16[%sub3A_216], %get3A_187 : memref<20064xi32, #tpu.memory_space<vmem>>[vector<16xi32>], vector<16xi32>,
        tpu.vector_store_idx %arg17[%sub3A_216], %get3A_191 : memref<20064xi32, #tpu.memory_space<vmem>>[vector<16xi32>], vector<16xi32>,
        tpu.vector_store_idx %arg19[%and3A_209], %unique3A_212 masked %unique3A {add = true} : memref<8192xi32, #tpu.memory_space<vmem>>[vector<16xi32>], vector<16xi32>, vector<16xi1>
        %sub3A_217 = arith.constant -1065353217 : i32
        %sub3A_218 = vector.broadcast %sub3A_217 : i32 to vector<16xi32>
        %sub3A_219 = arith.subi %get3A_187, %sub3A_218 : vector<16xi32>
        %shift_right_logical3A = arith.constant 13 : i32
        %shift_right_logical3A_220 = vector.broadcast %shift_right_logical3A : i32 to vector<16xi32>
        %shift_right_logical3A_221 = arith.shrui %sub3A_219, %shift_right_logical3A_220 : vector<16xi32>
        %broadcast_in_dim3A_222 = arith.constant true
        %broadcast_in_dim3A_223 = vector.broadcast %broadcast_in_dim3A_222 : i1 to vector<16xi1>
        %unique3A_224, %unique3A_225 = tpu.scan_count mask(%broadcast_in_dim3A_223 : vector<16xi1>) value(%shift_right_logical3A_221 : vector<16xi32>) : vector<16xi1>, vector<16xi32>
        tpu.vector_store_idx %arg20[%shift_right_logical3A_221], %unique3A_225 masked %unique3A_224 {add = true} : memref<4096xi32, #tpu.memory_space<vmem>>[vector<16xi32>], vector<16xi32>, vector<16xi1>
        %sub3A_226 = arith.constant -1065353217 : i32
        %sub3A_227 = vector.broadcast %sub3A_226 : i32 to vector<16xi32>
        %sub3A_228 = arith.subi %get3A_197, %sub3A_227 : vector<16xi32>
        %and3A_229 = arith.constant 8191 : i32
        %and3A_230 = vector.broadcast %and3A_229 : i32 to vector<16xi32>
        %and3A_231 = arith.andi %sub3A_228, %and3A_230 : vector<16xi32>
        %broadcast_in_dim3A_232 = arith.constant true
        %broadcast_in_dim3A_233 = vector.broadcast %broadcast_in_dim3A_232 : i1 to vector<16xi1>
        %unique3A_234, %unique3A_235 = tpu.scan_count mask(%broadcast_in_dim3A_233 : vector<16xi1>) value(%and3A_231 : vector<16xi32>) : vector<16xi1>, vector<16xi32>
        %gather3A_236 = tpu.vector_load_idx %arg19[%and3A_231] : memref<8192xi32, #tpu.memory_space<vmem>>[vector<16xi32>], vector<16xi32>,
        %add3A_237 = arith.addi %gather3A_236, %unique3A_235 : vector<16xi32>
        %sub3A_238 = arith.constant 1 : i32
        %sub3A_239 = vector.broadcast %sub3A_238 : i32 to vector<16xi32>
        %sub3A_240 = arith.subi %add3A_237, %sub3A_239 : vector<16xi32>
        tpu.vector_store_idx %arg16[%sub3A_240], %get3A_197 : memref<20064xi32, #tpu.memory_space<vmem>>[vector<16xi32>], vector<16xi32>,
        tpu.vector_store_idx %arg17[%sub3A_240], %get3A_203 : memref<20064xi32, #tpu.memory_space<vmem>>[vector<16xi32>], vector<16xi32>,
        tpu.vector_store_idx %arg19[%and3A_231], %unique3A_235 masked %unique3A_234 {add = true} : memref<8192xi32, #tpu.memory_space<vmem>>[vector<16xi32>], vector<16xi32>, vector<16xi1>
        %sub3A_241 = arith.constant -1065353217 : i32
        %sub3A_242 = vector.broadcast %sub3A_241 : i32 to vector<16xi32>
        %sub3A_243 = arith.subi %get3A_197, %sub3A_242 : vector<16xi32>
        %shift_right_logical3A_244 = arith.constant 13 : i32
        %shift_right_logical3A_245 = vector.broadcast %shift_right_logical3A_244 : i32 to vector<16xi32>
        %shift_right_logical3A_246 = arith.shrui %sub3A_243, %shift_right_logical3A_245 : vector<16xi32>
        %broadcast_in_dim3A_247 = arith.constant true
        %broadcast_in_dim3A_248 = vector.broadcast %broadcast_in_dim3A_247 : i1 to vector<16xi1>
        %unique3A_249, %unique3A_250 = tpu.scan_count mask(%broadcast_in_dim3A_248 : vector<16xi1>) value(%shift_right_logical3A_246 : vector<16xi32>) : vector<16xi1>, vector<16xi32>
        tpu.vector_store_idx %arg20[%shift_right_logical3A_246], %unique3A_250 masked %unique3A_249 {add = true} : memref<4096xi32, #tpu.memory_space<vmem>>[vector<16xi32>], vector<16xi32>, vector<16xi1>
        %while3A_251 = arith.constant 0 : i32
        scf.yield %while3A_251 : i32
      }
      %while3A_122 = arith.constant 1 : i32
      %while3A_123 = scf.for %while3A_182 = %while3A_119 to %while3A_115 step %while3A_122 iter_args(%while3A_183 = %while3A_121) -> (i32)  : i32 {
        %mul3A_184 = arith.constant 32 : i32
        %mul3A_185 = arith.muli %while3A_182, %mul3A_184 : i32
        %get3A_186 = arith.index_cast %mul3A_185 : i32 to index
        %get3A_187 = tpu.vector_load %arg14[%get3A_186] {strides = array<i32>} : memref<20064xi32, #tpu.memory_space<vmem>>, vector<16xi32>,
        %mul3A_188 = arith.constant 32 : i32
        %mul3A_189 = arith.muli %while3A_182, %mul3A_188 : i32
        %get3A_190 = arith.index_cast %mul3A_189 : i32 to index
        %get3A_191 = tpu.vector_load %arg15[%get3A_190] {strides = array<i32>} : memref<20064xi32, #tpu.memory_space<vmem>>, vector<16xi32>,
        %mul3A_192 = arith.constant 32 : i32
        %mul3A_193 = arith.muli %while3A_182, %mul3A_192 : i32
        %add3A_194 = arith.constant 16 : i32
        %add3A_195 = arith.addi %mul3A_193, %add3A_194 : i32
        %get3A_196 = arith.index_cast %add3A_195 : i32 to index
        %get3A_197 = tpu.vector_load %arg14[%get3A_196] {strides = array<i32>} : memref<20064xi32, #tpu.memory_space<vmem>>, vector<16xi32>,
        %mul3A_198 = arith.constant 32 : i32
        %mul3A_199 = arith.muli %while3A_182, %mul3A_198 : i32
        %add3A_200 = arith.constant 16 : i32
        %add3A_201 = arith.addi %mul3A_199, %add3A_200 : i32
        %get3A_202 = arith.index_cast %add3A_201 : i32 to index
        %get3A_203 = tpu.vector_load %arg15[%get3A_202] {strides = array<i32>} : memref<20064xi32, #tpu.memory_space<vmem>>, vector<16xi32>,
        %sub3A_204 = arith.constant -1065353217 : i32
        %sub3A_205 = vector.broadcast %sub3A_204 : i32 to vector<16xi32>
        %sub3A_206 = arith.subi %get3A_187, %sub3A_205 : vector<16xi32>
        %and3A_207 = arith.constant 8191 : i32
        %and3A_208 = vector.broadcast %and3A_207 : i32 to vector<16xi32>
        %and3A_209 = arith.andi %sub3A_206, %and3A_208 : vector<16xi32>
        %broadcast_in_dim3A_210 = arith.constant true
        %broadcast_in_dim3A_211 = vector.broadcast %broadcast_in_dim3A_210 : i1 to vector<16xi1>
        %unique3A, %unique3A_212 = tpu.scan_count mask(%broadcast_in_dim3A_211 : vector<16xi1>) value(%and3A_209 : vector<16xi32>) : vector<16xi1>, vector<16xi32>
        %gather3A = tpu.vector_load_idx %arg19[%and3A_209] : memref<8192xi32, #tpu.memory_space<vmem>>[vector<16xi32>], vector<16xi32>,
        %add3A_213 = arith.addi %gather3A, %unique3A_212 : vector<16xi32>
        %sub3A_214 = arith.constant 1 : i32
        %sub3A_215 = vector.broadcast %sub3A_214 : i32 to vector<16xi32>
        %sub3A_216 = arith.subi %add3A_213, %sub3A_215 : vector<16xi32>
        tpu.vector_store_idx %arg16[%sub3A_216], %get3A_187 : memref<20064xi32, #tpu.memory_space<vmem>>[vector<16xi32>], vector<16xi32>,
        tpu.vector_store_idx %arg17[%sub3A_216], %get3A_191 : memref<20064xi32, #tpu.memory_space<vmem>>[vector<16xi32>], vector<16xi32>,
        tpu.vector_store_idx %arg19[%and3A_209], %unique3A_212 masked %unique3A {add = true} : memref<8192xi32, #tpu.memory_space<vmem>>[vector<16xi32>], vector<16xi32>, vector<16xi1>
        %sub3A_217 = arith.constant -1065353217 : i32
        %sub3A_218 = vector.broadcast %sub3A_217 : i32 to vector<16xi32>
        %sub3A_219 = arith.subi %get3A_187, %sub3A_218 : vector<16xi32>
        %shift_right_logical3A = arith.constant 13 : i32
        %shift_right_logical3A_220 = vector.broadcast %shift_right_logical3A : i32 to vector<16xi32>
        %shift_right_logical3A_221 = arith.shrui %sub3A_219, %shift_right_logical3A_220 : vector<16xi32>
        %broadcast_in_dim3A_222 = arith.constant true
        %broadcast_in_dim3A_223 = vector.broadcast %broadcast_in_dim3A_222 : i1 to vector<16xi1>
        %unique3A_224, %unique3A_225 = tpu.scan_count mask(%broadcast_in_dim3A_223 : vector<16xi1>) value(%shift_right_logical3A_221 : vector<16xi32>) : vector<16xi1>, vector<16xi32>
        tpu.vector_store_idx %arg20[%shift_right_logical3A_221], %unique3A_225 masked %unique3A_224 {add = true} : memref<4096xi32, #tpu.memory_space<vmem>>[vector<16xi32>], vector<16xi32>, vector<16xi1>
        %sub3A_226 = arith.constant -1065353217 : i32
        %sub3A_227 = vector.broadcast %sub3A_226 : i32 to vector<16xi32>
        %sub3A_228 = arith.subi %get3A_197, %sub3A_227 : vector<16xi32>
        %and3A_229 = arith.constant 8191 : i32
        %and3A_230 = vector.broadcast %and3A_229 : i32 to vector<16xi32>
        %and3A_231 = arith.andi %sub3A_228, %and3A_230 : vector<16xi32>
        %broadcast_in_dim3A_232 = arith.constant true
        %broadcast_in_dim3A_233 = vector.broadcast %broadcast_in_dim3A_232 : i1 to vector<16xi1>
        %unique3A_234, %unique3A_235 = tpu.scan_count mask(%broadcast_in_dim3A_233 : vector<16xi1>) value(%and3A_231 : vector<16xi32>) : vector<16xi1>, vector<16xi32>
        %gather3A_236 = tpu.vector_load_idx %arg19[%and3A_231] : memref<8192xi32, #tpu.memory_space<vmem>>[vector<16xi32>], vector<16xi32>,
        %add3A_237 = arith.addi %gather3A_236, %unique3A_235 : vector<16xi32>
        %sub3A_238 = arith.constant 1 : i32
        %sub3A_239 = vector.broadcast %sub3A_238 : i32 to vector<16xi32>
        %sub3A_240 = arith.subi %add3A_237, %sub3A_239 : vector<16xi32>
        tpu.vector_store_idx %arg16[%sub3A_240], %get3A_197 : memref<20064xi32, #tpu.memory_space<vmem>>[vector<16xi32>], vector<16xi32>,
        tpu.vector_store_idx %arg17[%sub3A_240], %get3A_203 : memref<20064xi32, #tpu.memory_space<vmem>>[vector<16xi32>], vector<16xi32>,
        tpu.vector_store_idx %arg19[%and3A_231], %unique3A_235 masked %unique3A_234 {add = true} : memref<8192xi32, #tpu.memory_space<vmem>>[vector<16xi32>], vector<16xi32>, vector<16xi1>
        %sub3A_241 = arith.constant -1065353217 : i32
        %sub3A_242 = vector.broadcast %sub3A_241 : i32 to vector<16xi32>
        %sub3A_243 = arith.subi %get3A_197, %sub3A_242 : vector<16xi32>
        %shift_right_logical3A_244 = arith.constant 13 : i32
        %shift_right_logical3A_245 = vector.broadcast %shift_right_logical3A_244 : i32 to vector<16xi32>
        %shift_right_logical3A_246 = arith.shrui %sub3A_243, %shift_right_logical3A_245 : vector<16xi32>
        %broadcast_in_dim3A_247 = arith.constant true
        %broadcast_in_dim3A_248 = vector.broadcast %broadcast_in_dim3A_247 : i1 to vector<16xi1>
        %unique3A_249, %unique3A_250 = tpu.scan_count mask(%broadcast_in_dim3A_248 : vector<16xi1>) value(%shift_right_logical3A_246 : vector<16xi32>) : vector<16xi1>, vector<16xi32>
        tpu.vector_store_idx %arg20[%shift_right_logical3A_246], %unique3A_250 masked %unique3A_249 {add = true} : memref<4096xi32, #tpu.memory_space<vmem>>[vector<16xi32>], vector<16xi32>, vector<16xi1>
        %while3A_251 = arith.constant 0 : i32
        scf.yield %while3A_251 : i32
      }
      %scan3A_124 = arith.constant 0 : i32
      %scan3A_125 = arith.constant 0 : i32
      %scan3A_126 = arith.constant 128 : i32
      %scan3A_127 = arith.addi %scan3A_125, %scan3A_126 : i32
      %scan3A_128 = arith.constant 1 : i32
      %scan3A_129 = scf.for %scan3A_182 = %scan3A_125 to %scan3A_127 step %scan3A_128 iter_args(%scan3A_183 = %scan3A_124) -> (i32)  : i32 {
        %mul3A_184 = arith.constant 32 : i32
        %mul3A_185 = arith.muli %scan3A_182, %mul3A_184 : i32
        %get3A_186 = arith.index_cast %mul3A_185 : i32 to index
        %get3A_187 = tpu.vector_load %arg20[%get3A_186] {strides = array<i32>} : memref<4096xi32, #tpu.memory_space<vmem>>, vector<16xi32>,
        %mul3A_188 = arith.constant 32 : i32
        %mul3A_189 = arith.muli %scan3A_182, %mul3A_188 : i32
        %add3A_190 = arith.constant 16 : i32
        %add3A_191 = arith.addi %mul3A_189, %add3A_190 : i32
        %get3A_192 = arith.index_cast %add3A_191 : i32 to index
        %get3A_193 = tpu.vector_load %arg20[%get3A_192] {strides = array<i32>} : memref<4096xi32, #tpu.memory_space<vmem>>, vector<16xi32>,
        %broadcast_in_dim3A_194 = arith.constant true
        %broadcast_in_dim3A_195 = vector.broadcast %broadcast_in_dim3A_194 : i1 to vector<16xi1>
        %masked_cumsum3A = tpu.scan <sum>, %get3A_187 masked %broadcast_in_dim3A_195 : vector<16xi32>, vector<16xi1> -> vector<16xi32>
        %broadcast_in_dim3A_196 = arith.constant true
        %broadcast_in_dim3A_197 = vector.broadcast %broadcast_in_dim3A_196 : i1 to vector<16xi1>
        %masked_cumsum3A_198 = tpu.scan <sum>, %get3A_193 masked %broadcast_in_dim3A_197 : vector<16xi32>, vector<16xi1> -> vector<16xi32>
        %slice3A = vector.extract_strided_slice %masked_cumsum3A {offsets = [15], sizes = [1], strides = [1]} : vector<16xi32> to vector<1xi32>
        %squeeze3A = vector.extract %slice3A[0] : i32 from vector<1xi32>
        %add3A_199 = vector.broadcast %scan3A_183 : i32 to vector<16xi32>
        %add3A_200 = arith.addi %add3A_199, %masked_cumsum3A : vector<16xi32>
        %sub3A_201 = arith.subi %add3A_200, %get3A_187 : vector<16xi32>
        %mul3A_202 = arith.constant 32 : i32
        %mul3A_203 = arith.muli %scan3A_182, %mul3A_202 : i32
        %swap3A_204 = arith.index_cast %mul3A_203 : i32 to index
        %swap3A_205 = tpu.vector_load %arg18[%swap3A_204] {strides = array<i32>} : memref<8192xi32, #tpu.memory_space<vmem>>, vector<16xi32>,
        tpu.vector_store %arg18[%swap3A_204], %sub3A_201 {strides = array<i32>} : memref<8192xi32, #tpu.memory_space<vmem>>, vector<16xi32>,
        %add3A_206 = arith.addi %scan3A_183, %squeeze3A : i32
        %add3A_207 = vector.broadcast %add3A_206 : i32 to vector<16xi32>
        %add3A_208 = arith.addi %add3A_207, %masked_cumsum3A_198 : vector<16xi32>
        %sub3A_209 = arith.subi %add3A_208, %get3A_193 : vector<16xi32>
        %mul3A_210 = arith.constant 32 : i32
        %mul3A_211 = arith.muli %scan3A_182, %mul3A_210 : i32
        %add3A_212 = arith.constant 16 : i32
        %add3A_213 = arith.addi %mul3A_211, %add3A_212 : i32
        %swap3A_214 = arith.index_cast %add3A_213 : i32 to index
        %swap3A_215 = tpu.vector_load %arg18[%swap3A_214] {strides = array<i32>} : memref<8192xi32, #tpu.memory_space<vmem>>, vector<16xi32>,
        tpu.vector_store %arg18[%swap3A_214], %sub3A_209 {strides = array<i32>} : memref<8192xi32, #tpu.memory_space<vmem>>, vector<16xi32>,
        %add3A_216 = arith.addi %scan3A_183, %squeeze3A : i32
        %slice3A_217 = vector.extract_strided_slice %masked_cumsum3A_198 {offsets = [15], sizes = [1], strides = [1]} : vector<16xi32> to vector<1xi32>
        %squeeze3A_218 = vector.extract %slice3A_217[0] : i32 from vector<1xi32>
        %add3A_219 = arith.addi %add3A_216, %squeeze3A_218 : i32
        scf.yield %add3A_219 : i32
      }
      %scan3A_130 = arith.constant 128 : i32
      %while3A_131 = arith.constant 0 : i32
      %while3A_132 = arith.constant 0 : i32
      %while3A_133 = arith.subi %mul3A_90, %while3A_131 : i32
      %while3A_134 = arith.addi %while3A_131, %while3A_133 : i32
      %while3A_135 = arith.constant 1 : i32
      %while3A_136 = arith.divsi %while3A_133, %while3A_135 : i32
      %while3A_137 = arith.muli %while3A_136, %while3A_135 : i32
      %while3A_138 = arith.addi %while3A_131, %while3A_137 : i32
      %while3A_139 = arith.constant 1 : i32
      %while3A_140 = scf.for %while3A_182 = %while3A_131 to %while3A_138 step %while3A_139 iter_args(%while3A_183 = %while3A_132) -> (i32)  : i32 {
        %mul3A_184 = arith.constant 32 : i32
        %mul3A_185 = arith.muli %while3A_182, %mul3A_184 : i32
        %get3A_186 = arith.index_cast %mul3A_185 : i32 to index
        %get3A_187 = tpu.vector_load %arg16[%get3A_186] {strides = array<i32>} : memref<20064xi32, #tpu.memory_space<vmem>>, vector<16xi32>,
        %mul3A_188 = arith.constant 32 : i32
        %mul3A_189 = arith.muli %while3A_182, %mul3A_188 : i32
        %get3A_190 = arith.index_cast %mul3A_189 : i32 to index
        %get3A_191 = tpu.vector_load %arg17[%get3A_190] {strides = array<i32>} : memref<20064xi32, #tpu.memory_space<vmem>>, vector<16xi32>,
        %mul3A_192 = arith.constant 32 : i32
        %mul3A_193 = arith.muli %while3A_182, %mul3A_192 : i32
        %add3A_194 = arith.constant 16 : i32
        %add3A_195 = arith.addi %mul3A_193, %add3A_194 : i32
        %get3A_196 = arith.index_cast %add3A_195 : i32 to index
        %get3A_197 = tpu.vector_load %arg16[%get3A_196] {strides = array<i32>} : memref<20064xi32, #tpu.memory_space<vmem>>, vector<16xi32>,
        %mul3A_198 = arith.constant 32 : i32
        %mul3A_199 = arith.muli %while3A_182, %mul3A_198 : i32
        %add3A_200 = arith.constant 16 : i32
        %add3A_201 = arith.addi %mul3A_199, %add3A_200 : i32
        %get3A_202 = arith.index_cast %add3A_201 : i32 to index
        %get3A_203 = tpu.vector_load %arg17[%get3A_202] {strides = array<i32>} : memref<20064xi32, #tpu.memory_space<vmem>>, vector<16xi32>,
        %sub3A_204 = arith.constant -1065353217 : i32
        %sub3A_205 = vector.broadcast %sub3A_204 : i32 to vector<16xi32>
        %sub3A_206 = arith.subi %get3A_187, %sub3A_205 : vector<16xi32>
        %shift_right_logical3A = arith.constant 13 : i32
        %shift_right_logical3A_207 = vector.broadcast %shift_right_logical3A : i32 to vector<16xi32>
        %shift_right_logical3A_208 = arith.shrui %sub3A_206, %shift_right_logical3A_207 : vector<16xi32>
        %broadcast_in_dim3A_209 = arith.constant true
        %broadcast_in_dim3A_210 = vector.broadcast %broadcast_in_dim3A_209 : i1 to vector<16xi1>
        %unique3A, %unique3A_211 = tpu.scan_count mask(%broadcast_in_dim3A_210 : vector<16xi1>) value(%shift_right_logical3A_208 : vector<16xi32>) : vector<16xi1>, vector<16xi32>
        %gather3A = tpu.vector_load_idx %arg18[%shift_right_logical3A_208] : memref<8192xi32, #tpu.memory_space<vmem>>[vector<16xi32>], vector<16xi32>,
        %add3A_212 = arith.addi %gather3A, %unique3A_211 : vector<16xi32>
        %sub3A_213 = arith.constant 1 : i32
        %sub3A_214 = vector.broadcast %sub3A_213 : i32 to vector<16xi32>
        %sub3A_215 = arith.subi %add3A_212, %sub3A_214 : vector<16xi32>
        tpu.vector_store_idx %arg14[%sub3A_215], %get3A_187 : memref<20064xi32, #tpu.memory_space<vmem>>[vector<16xi32>], vector<16xi32>,
        tpu.vector_store_idx %arg15[%sub3A_215], %get3A_191 : memref<20064xi32, #tpu.memory_space<vmem>>[vector<16xi32>], vector<16xi32>,
        tpu.vector_store_idx %arg18[%shift_right_logical3A_208], %unique3A_211 masked %unique3A {add = true} : memref<8192xi32, #tpu.memory_space<vmem>>[vector<16xi32>], vector<16xi32>, vector<16xi1>
        %sub3A_216 = arith.constant -1065353217 : i32
        %sub3A_217 = vector.broadcast %sub3A_216 : i32 to vector<16xi32>
        %sub3A_218 = arith.subi %get3A_197, %sub3A_217 : vector<16xi32>
        %shift_right_logical3A_219 = arith.constant 13 : i32
        %shift_right_logical3A_220 = vector.broadcast %shift_right_logical3A_219 : i32 to vector<16xi32>
        %shift_right_logical3A_221 = arith.shrui %sub3A_218, %shift_right_logical3A_220 : vector<16xi32>
        %broadcast_in_dim3A_222 = arith.constant true
        %broadcast_in_dim3A_223 = vector.broadcast %broadcast_in_dim3A_222 : i1 to vector<16xi1>
        %unique3A_224, %unique3A_225 = tpu.scan_count mask(%broadcast_in_dim3A_223 : vector<16xi1>) value(%shift_right_logical3A_221 : vector<16xi32>) : vector<16xi1>, vector<16xi32>
        %gather3A_226 = tpu.vector_load_idx %arg18[%shift_right_logical3A_221] : memref<8192xi32, #tpu.memory_space<vmem>>[vector<16xi32>], vector<16xi32>,
        %add3A_227 = arith.addi %gather3A_226, %unique3A_225 : vector<16xi32>
        %sub3A_228 = arith.constant 1 : i32
        %sub3A_229 = vector.broadcast %sub3A_228 : i32 to vector<16xi32>
        %sub3A_230 = arith.subi %add3A_227, %sub3A_229 : vector<16xi32>
        tpu.vector_store_idx %arg14[%sub3A_230], %get3A_197 : memref<20064xi32, #tpu.memory_space<vmem>>[vector<16xi32>], vector<16xi32>,
        tpu.vector_store_idx %arg15[%sub3A_230], %get3A_203 : memref<20064xi32, #tpu.memory_space<vmem>>[vector<16xi32>], vector<16xi32>,
        tpu.vector_store_idx %arg18[%shift_right_logical3A_221], %unique3A_225 masked %unique3A_224 {add = true} : memref<8192xi32, #tpu.memory_space<vmem>>[vector<16xi32>], vector<16xi32>, vector<16xi1>
        %while3A_231 = arith.constant 0 : i32
        scf.yield %while3A_231 : i32
      }
      %while3A_141 = arith.constant 1 : i32
      %while3A_142 = scf.for %while3A_182 = %while3A_138 to %while3A_134 step %while3A_141 iter_args(%while3A_183 = %while3A_140) -> (i32)  : i32 {
        %mul3A_184 = arith.constant 32 : i32
        %mul3A_185 = arith.muli %while3A_182, %mul3A_184 : i32
        %get3A_186 = arith.index_cast %mul3A_185 : i32 to index
        %get3A_187 = tpu.vector_load %arg16[%get3A_186] {strides = array<i32>} : memref<20064xi32, #tpu.memory_space<vmem>>, vector<16xi32>,
        %mul3A_188 = arith.constant 32 : i32
        %mul3A_189 = arith.muli %while3A_182, %mul3A_188 : i32
        %get3A_190 = arith.index_cast %mul3A_189 : i32 to index
        %get3A_191 = tpu.vector_load %arg17[%get3A_190] {strides = array<i32>} : memref<20064xi32, #tpu.memory_space<vmem>>, vector<16xi32>,
        %mul3A_192 = arith.constant 32 : i32
        %mul3A_193 = arith.muli %while3A_182, %mul3A_192 : i32
        %add3A_194 = arith.constant 16 : i32
        %add3A_195 = arith.addi %mul3A_193, %add3A_194 : i32
        %get3A_196 = arith.index_cast %add3A_195 : i32 to index
        %get3A_197 = tpu.vector_load %arg16[%get3A_196] {strides = array<i32>} : memref<20064xi32, #tpu.memory_space<vmem>>, vector<16xi32>,
        %mul3A_198 = arith.constant 32 : i32
        %mul3A_199 = arith.muli %while3A_182, %mul3A_198 : i32
        %add3A_200 = arith.constant 16 : i32
        %add3A_201 = arith.addi %mul3A_199, %add3A_200 : i32
        %get3A_202 = arith.index_cast %add3A_201 : i32 to index
        %get3A_203 = tpu.vector_load %arg17[%get3A_202] {strides = array<i32>} : memref<20064xi32, #tpu.memory_space<vmem>>, vector<16xi32>,
        %sub3A_204 = arith.constant -1065353217 : i32
        %sub3A_205 = vector.broadcast %sub3A_204 : i32 to vector<16xi32>
        %sub3A_206 = arith.subi %get3A_187, %sub3A_205 : vector<16xi32>
        %shift_right_logical3A = arith.constant 13 : i32
        %shift_right_logical3A_207 = vector.broadcast %shift_right_logical3A : i32 to vector<16xi32>
        %shift_right_logical3A_208 = arith.shrui %sub3A_206, %shift_right_logical3A_207 : vector<16xi32>
        %broadcast_in_dim3A_209 = arith.constant true
        %broadcast_in_dim3A_210 = vector.broadcast %broadcast_in_dim3A_209 : i1 to vector<16xi1>
        %unique3A, %unique3A_211 = tpu.scan_count mask(%broadcast_in_dim3A_210 : vector<16xi1>) value(%shift_right_logical3A_208 : vector<16xi32>) : vector<16xi1>, vector<16xi32>
        %gather3A = tpu.vector_load_idx %arg18[%shift_right_logical3A_208] : memref<8192xi32, #tpu.memory_space<vmem>>[vector<16xi32>], vector<16xi32>,
        %add3A_212 = arith.addi %gather3A, %unique3A_211 : vector<16xi32>
        %sub3A_213 = arith.constant 1 : i32
        %sub3A_214 = vector.broadcast %sub3A_213 : i32 to vector<16xi32>
        %sub3A_215 = arith.subi %add3A_212, %sub3A_214 : vector<16xi32>
        tpu.vector_store_idx %arg14[%sub3A_215], %get3A_187 : memref<20064xi32, #tpu.memory_space<vmem>>[vector<16xi32>], vector<16xi32>,
        tpu.vector_store_idx %arg15[%sub3A_215], %get3A_191 : memref<20064xi32, #tpu.memory_space<vmem>>[vector<16xi32>], vector<16xi32>,
        tpu.vector_store_idx %arg18[%shift_right_logical3A_208], %unique3A_211 masked %unique3A {add = true} : memref<8192xi32, #tpu.memory_space<vmem>>[vector<16xi32>], vector<16xi32>, vector<16xi1>
        %sub3A_216 = arith.constant -1065353217 : i32
        %sub3A_217 = vector.broadcast %sub3A_216 : i32 to vector<16xi32>
        %sub3A_218 = arith.subi %get3A_197, %sub3A_217 : vector<16xi32>
        %shift_right_logical3A_219 = arith.constant 13 : i32
        %shift_right_logical3A_220 = vector.broadcast %shift_right_logical3A_219 : i32 to vector<16xi32>
        %shift_right_logical3A_221 = arith.shrui %sub3A_218, %shift_right_logical3A_220 : vector<16xi32>
        %broadcast_in_dim3A_222 = arith.constant true
        %broadcast_in_dim3A_223 = vector.broadcast %broadcast_in_dim3A_222 : i1 to vector<16xi1>
        %unique3A_224, %unique3A_225 = tpu.scan_count mask(%broadcast_in_dim3A_223 : vector<16xi1>) value(%shift_right_logical3A_221 : vector<16xi32>) : vector<16xi1>, vector<16xi32>
        %gather3A_226 = tpu.vector_load_idx %arg18[%shift_right_logical3A_221] : memref<8192xi32, #tpu.memory_space<vmem>>[vector<16xi32>], vector<16xi32>,
        %add3A_227 = arith.addi %gather3A_226, %unique3A_225 : vector<16xi32>
        %sub3A_228 = arith.constant 1 : i32
        %sub3A_229 = vector.broadcast %sub3A_228 : i32 to vector<16xi32>
        %sub3A_230 = arith.subi %add3A_227, %sub3A_229 : vector<16xi32>
        tpu.vector_store_idx %arg14[%sub3A_230], %get3A_197 : memref<20064xi32, #tpu.memory_space<vmem>>[vector<16xi32>], vector<16xi32>,
        tpu.vector_store_idx %arg15[%sub3A_230], %get3A_203 : memref<20064xi32, #tpu.memory_space<vmem>>[vector<16xi32>], vector<16xi32>,
        tpu.vector_store_idx %arg18[%shift_right_logical3A_221], %unique3A_225 masked %unique3A_224 {add = true} : memref<8192xi32, #tpu.memory_space<vmem>>[vector<16xi32>], vector<16xi32>, vector<16xi1>
        %while3A_231 = arith.constant 0 : i32
        scf.yield %while3A_231 : i32
      }
      "tpu.region"() ({
        %run_scoped3A = tpu.sem_alloc : memref<!tpu.dma_semaphore, #tpu.memory_space<semaphore_mem>>
        %dma_start3A = arith.constant 0 : i32
        %dma_start3A_182 = tpu.memref_slice %arg16[%dma_start3A] : memref<20064xi32, #tpu.memory_space<vmem>> -> memref<20000xi32, #tpu.memory_space<vmem>>
        %dma_start3A_183 = arith.constant 0 : i32
        %dma_start3A_184 = tpu.memref_slice %arg16[%dma_start3A_183] : memref<20064xi32, #tpu.memory_space<vmem>> -> memref<20000xi32, #tpu.memory_space<vmem>>
        tpu.enqueue_dma source(%arg2 : memref<20000xi32, #tpu.memory_space<hbm>>) target(%dma_start3A_184 : memref<20000xi32, #tpu.memory_space<vmem>>) target_semaphore(%run_scoped3A : memref<!tpu.dma_semaphore, #tpu.memory_space<semaphore_mem>>)
        %dma_wait3A = arith.constant 0 : i32
        %dma_wait3A_185 = tpu.memref_slice %arg16[%dma_wait3A] : memref<20064xi32, #tpu.memory_space<vmem>> -> memref<20000xi32, #tpu.memory_space<vmem>>
        %dma_wait3A_186 = arith.constant 0 : i32
        %dma_wait3A_187 = tpu.memref_slice %arg16[%dma_wait3A_186] : memref<20064xi32, #tpu.memory_space<vmem>> -> memref<20000xi32, #tpu.memory_space<vmem>>
        tpu.wait_dma2 semaphore(%run_scoped3A : memref<!tpu.dma_semaphore, #tpu.memory_space<semaphore_mem>>) src(%arg2 : memref<20000xi32, #tpu.memory_space<hbm>>) dst(%dma_wait3A_187 : memref<20000xi32, #tpu.memory_space<vmem>>)
        tpu.yield
      }) : () -> ()
      %while3A_143 = arith.constant 0 : i32
      %while3A_144 = arith.constant 0 : i32
      %while3A_145 = arith.constant 0 : i32
      %while3A_146 = arith.subi %select_n3A_88, %while3A_143 : i32
      %while3A_147 = arith.addi %while3A_143, %while3A_146 : i32
      %while3A_148 = arith.constant 1 : i32
      %while3A_149 = arith.divsi %while3A_146, %while3A_148 : i32
      %while3A_150 = arith.muli %while3A_149, %while3A_148 : i32
      %while3A_151 = arith.addi %while3A_143, %while3A_150 : i32
      %while3A_152 = arith.constant 1 : i32
      %while3A_153:2 = scf.for %while3A_182 = %while3A_143 to %while3A_151 step %while3A_152 iter_args(%while3A_183 = %while3A_144, %while3A_184 = %while3A_145) -> (i32, i32)  : i32 {
        %mul3A_185 = arith.constant 64 : i32
        %mul3A_186 = arith.muli %while3A_182, %mul3A_185 : i32
        %get3A_187 = arith.index_cast %mul3A_186 : i32 to index
        %get3A_188 = tpu.vector_load %arg14[%get3A_187] {strides = array<i32>} : memref<20064xi32, #tpu.memory_space<vmem>>, vector<16xi32>,
        %get3A_189 = arith.index_cast %mul3A_186 : i32 to index
        %get3A_190 = tpu.vector_load %arg15[%get3A_189] {strides = array<i32>} : memref<20064xi32, #tpu.memory_space<vmem>>, vector<16xi32>,
        %lt3A_191 = arith.constant -1056964609 : i32
        %lt3A_192 = vector.broadcast %lt3A_191 : i32 to vector<16xi32>
        %lt3A_193 = arith.cmpi slt, %get3A_188, %lt3A_192 : vector<16xi32>
        %gt3A = arith.constant -1056964609 : i32
        %gt3A_194 = vector.broadcast %gt3A : i32 to vector<16xi32>
        %gt3A_195 = arith.cmpi sgt, %get3A_188, %gt3A_194 : vector<16xi32>
        %lt3A_196 = arith.constant -1036831950 : i32
        %lt3A_197 = vector.broadcast %lt3A_196 : i32 to vector<16xi32>
        %lt3A_198 = arith.cmpi slt, %get3A_188, %lt3A_197 : vector<16xi32>
        %and3A_199 = arith.andi %gt3A_195, %lt3A_198 : vector<16xi1>
        %convert_element_type3A_200 = arith.extui %lt3A_193 : vector<16xi1> to vector<16xi32>
        %broadcast_in_dim3A_201 = arith.constant true
        %broadcast_in_dim3A_202 = vector.broadcast %broadcast_in_dim3A_201 : i1 to vector<16xi1>
        %masked_cumsum3A = tpu.scan <sum>, %convert_element_type3A_200 masked %broadcast_in_dim3A_202 : vector<16xi32>, vector<16xi1> -> vector<16xi32>
        %convert_element_type3A_203 = arith.extui %and3A_199 : vector<16xi1> to vector<16xi32>
        %broadcast_in_dim3A_204 = arith.constant true
        %broadcast_in_dim3A_205 = vector.broadcast %broadcast_in_dim3A_204 : i1 to vector<16xi1>
        %masked_cumsum3A_206 = tpu.scan <sum>, %convert_element_type3A_203 masked %broadcast_in_dim3A_205 : vector<16xi32>, vector<16xi1> -> vector<16xi32>
        %add3A_207 = vector.broadcast %while3A_183 : i32 to vector<16xi32>
        %add3A_208 = arith.addi %add3A_207, %masked_cumsum3A : vector<16xi32>
        %sub3A_209 = arith.constant 1 : i32
        %sub3A_210 = vector.broadcast %sub3A_209 : i32 to vector<16xi32>
        %sub3A_211 = arith.subi %add3A_208, %sub3A_210 : vector<16xi32>
        %add3A_212 = vector.broadcast %while3A_184 : i32 to vector<16xi32>
        %add3A_213 = arith.addi %add3A_212, %masked_cumsum3A_206 : vector<16xi32>
        %sub3A_214 = arith.constant 1 : i32
        %sub3A_215 = vector.broadcast %sub3A_214 : i32 to vector<16xi32>
        %sub3A_216 = arith.subi %add3A_213, %sub3A_215 : vector<16xi32>
        %lt3A_217 = arith.constant 5000 : i32
        %lt3A_218 = vector.broadcast %lt3A_217 : i32 to vector<16xi32>
        %lt3A_219 = arith.cmpi slt, %sub3A_211, %lt3A_218 : vector<16xi32>
        %and3A_220 = arith.andi %lt3A_193, %lt3A_219 : vector<16xi1>
        tpu.vector_store_idx %arg17[%sub3A_211], %get3A_190 masked %and3A_220 : memref<20064xi32, #tpu.memory_space<vmem>>[vector<16xi32>], vector<16xi32>, vector<16xi1>
        %add3A_221 = arith.constant 5000 : i32
        %add3A_222 = vector.broadcast %add3A_221 : i32 to vector<16xi32>
        %add3A_223 = arith.addi %sub3A_216, %add3A_222 : vector<16xi32>
        %lt3A_224 = arith.constant 15000 : i32
        %lt3A_225 = vector.broadcast %lt3A_224 : i32 to vector<16xi32>
        %lt3A_226 = arith.cmpi slt, %sub3A_216, %lt3A_225 : vector<16xi32>
        %and3A_227 = arith.andi %and3A_199, %lt3A_226 : vector<16xi1>
        tpu.vector_store_idx %arg17[%add3A_223], %get3A_190 masked %and3A_227 : memref<20064xi32, #tpu.memory_space<vmem>>[vector<16xi32>], vector<16xi32>, vector<16xi1>
        %slice3A = vector.extract_strided_slice %masked_cumsum3A {offsets = [15], sizes = [1], strides = [1]} : vector<16xi32> to vector<1xi32>
        %squeeze3A = vector.extract %slice3A[0] : i32 from vector<1xi32>
        %add3A_228 = arith.addi %while3A_183, %squeeze3A : i32
        %slice3A_229 = vector.extract_strided_slice %masked_cumsum3A_206 {offsets = [15], sizes = [1], strides = [1]} : vector<16xi32> to vector<1xi32>
        %squeeze3A_230 = vector.extract %slice3A_229[0] : i32 from vector<1xi32>
        %add3A_231 = arith.addi %while3A_184, %squeeze3A_230 : i32
        %mul3A_232 = arith.constant 64 : i32
        %mul3A_233 = arith.muli %while3A_182, %mul3A_232 : i32
        %add3A_234 = arith.constant 16 : i32
        %add3A_235 = arith.addi %mul3A_233, %add3A_234 : i32
        %get3A_236 = arith.index_cast %add3A_235 : i32 to index
        %get3A_237 = tpu.vector_load %arg14[%get3A_236] {strides = array<i32>} : memref<20064xi32, #tpu.memory_space<vmem>>, vector<16xi32>,
        %get3A_238 = arith.index_cast %add3A_235 : i32 to index
        %get3A_239 = tpu.vector_load %arg15[%get3A_238] {strides = array<i32>} : memref<20064xi32, #tpu.memory_space<vmem>>, vector<16xi32>,
        %lt3A_240 = arith.constant -1056964609 : i32
        %lt3A_241 = vector.broadcast %lt3A_240 : i32 to vector<16xi32>
        %lt3A_242 = arith.cmpi slt, %get3A_237, %lt3A_241 : vector<16xi32>
        %gt3A_243 = arith.constant -1056964609 : i32
        %gt3A_244 = vector.broadcast %gt3A_243 : i32 to vector<16xi32>
        %gt3A_245 = arith.cmpi sgt, %get3A_237, %gt3A_244 : vector<16xi32>
        %lt3A_246 = arith.constant -1036831950 : i32
        %lt3A_247 = vector.broadcast %lt3A_246 : i32 to vector<16xi32>
        %lt3A_248 = arith.cmpi slt, %get3A_237, %lt3A_247 : vector<16xi32>
        %and3A_249 = arith.andi %gt3A_245, %lt3A_248 : vector<16xi1>
        %convert_element_type3A_250 = arith.extui %lt3A_242 : vector<16xi1> to vector<16xi32>
        %broadcast_in_dim3A_251 = arith.constant true
        %broadcast_in_dim3A_252 = vector.broadcast %broadcast_in_dim3A_251 : i1 to vector<16xi1>
        %masked_cumsum3A_253 = tpu.scan <sum>, %convert_element_type3A_250 masked %broadcast_in_dim3A_252 : vector<16xi32>, vector<16xi1> -> vector<16xi32>
        %convert_element_type3A_254 = arith.extui %and3A_249 : vector<16xi1> to vector<16xi32>
        %broadcast_in_dim3A_255 = arith.constant true
        %broadcast_in_dim3A_256 = vector.broadcast %broadcast_in_dim3A_255 : i1 to vector<16xi1>
        %masked_cumsum3A_257 = tpu.scan <sum>, %convert_element_type3A_254 masked %broadcast_in_dim3A_256 : vector<16xi32>, vector<16xi1> -> vector<16xi32>
        %add3A_258 = vector.broadcast %add3A_228 : i32 to vector<16xi32>
        %add3A_259 = arith.addi %add3A_258, %masked_cumsum3A_253 : vector<16xi32>
        %sub3A_260 = arith.constant 1 : i32
        %sub3A_261 = vector.broadcast %sub3A_260 : i32 to vector<16xi32>
        %sub3A_262 = arith.subi %add3A_259, %sub3A_261 : vector<16xi32>
        %add3A_263 = vector.broadcast %add3A_231 : i32 to vector<16xi32>
        %add3A_264 = arith.addi %add3A_263, %masked_cumsum3A_257 : vector<16xi32>
        %sub3A_265 = arith.constant 1 : i32
        %sub3A_266 = vector.broadcast %sub3A_265 : i32 to vector<16xi32>
        %sub3A_267 = arith.subi %add3A_264, %sub3A_266 : vector<16xi32>
        %lt3A_268 = arith.constant 5000 : i32
        %lt3A_269 = vector.broadcast %lt3A_268 : i32 to vector<16xi32>
        %lt3A_270 = arith.cmpi slt, %sub3A_262, %lt3A_269 : vector<16xi32>
        %and3A_271 = arith.andi %lt3A_242, %lt3A_270 : vector<16xi1>
        tpu.vector_store_idx %arg17[%sub3A_262], %get3A_239 masked %and3A_271 : memref<20064xi32, #tpu.memory_space<vmem>>[vector<16xi32>], vector<16xi32>, vector<16xi1>
        %add3A_272 = arith.constant 5000 : i32
        %add3A_273 = vector.broadcast %add3A_272 : i32 to vector<16xi32>
        %add3A_274 = arith.addi %sub3A_267, %add3A_273 : vector<16xi32>
        %lt3A_275 = arith.constant 15000 : i32
        %lt3A_276 = vector.broadcast %lt3A_275 : i32 to vector<16xi32>
        %lt3A_277 = arith.cmpi slt, %sub3A_267, %lt3A_276 : vector<16xi32>
        %and3A_278 = arith.andi %and3A_249, %lt3A_277 : vector<16xi1>
        tpu.vector_store_idx %arg17[%add3A_274], %get3A_239 masked %and3A_278 : memref<20064xi32, #tpu.memory_space<vmem>>[vector<16xi32>], vector<16xi32>, vector<16xi1>
        %slice3A_279 = vector.extract_strided_slice %masked_cumsum3A_253 {offsets = [15], sizes = [1], strides = [1]} : vector<16xi32> to vector<1xi32>
        %squeeze3A_280 = vector.extract %slice3A_279[0] : i32 from vector<1xi32>
        %add3A_281 = arith.addi %add3A_228, %squeeze3A_280 : i32
        %slice3A_282 = vector.extract_strided_slice %masked_cumsum3A_257 {offsets = [15], sizes = [1], strides = [1]} : vector<16xi32> to vector<1xi32>
        %squeeze3A_283 = vector.extract %slice3A_282[0] : i32 from vector<1xi32>
        %add3A_284 = arith.addi %add3A_231, %squeeze3A_283 : i32
        %mul3A_285 = arith.constant 64 : i32
        %mul3A_286 = arith.muli %while3A_182, %mul3A_285 : i32
        %add3A_287 = arith.constant 32 : i32
        %add3A_288 = arith.addi %mul3A_286, %add3A_287 : i32
        %get3A_289 = arith.index_cast %add3A_288 : i32 to index
        %get3A_290 = tpu.vector_load %arg14[%get3A_289] {strides = array<i32>} : memref<20064xi32, #tpu.memory_space<vmem>>, vector<16xi32>,
        %get3A_291 = arith.index_cast %add3A_288 : i32 to index
        %get3A_292 = tpu.vector_load %arg15[%get3A_291] {strides = array<i32>} : memref<20064xi32, #tpu.memory_space<vmem>>, vector<16xi32>,
        %lt3A_293 = arith.constant -1056964609 : i32
        %lt3A_294 = vector.broadcast %lt3A_293 : i32 to vector<16xi32>
        %lt3A_295 = arith.cmpi slt, %get3A_290, %lt3A_294 : vector<16xi32>
        %gt3A_296 = arith.constant -1056964609 : i32
        %gt3A_297 = vector.broadcast %gt3A_296 : i32 to vector<16xi32>
        %gt3A_298 = arith.cmpi sgt, %get3A_290, %gt3A_297 : vector<16xi32>
        %lt3A_299 = arith.constant -1036831950 : i32
        %lt3A_300 = vector.broadcast %lt3A_299 : i32 to vector<16xi32>
        %lt3A_301 = arith.cmpi slt, %get3A_290, %lt3A_300 : vector<16xi32>
        %and3A_302 = arith.andi %gt3A_298, %lt3A_301 : vector<16xi1>
        %convert_element_type3A_303 = arith.extui %lt3A_295 : vector<16xi1> to vector<16xi32>
        %broadcast_in_dim3A_304 = arith.constant true
        %broadcast_in_dim3A_305 = vector.broadcast %broadcast_in_dim3A_304 : i1 to vector<16xi1>
        %masked_cumsum3A_306 = tpu.scan <sum>, %convert_element_type3A_303 masked %broadcast_in_dim3A_305 : vector<16xi32>, vector<16xi1> -> vector<16xi32>
        %convert_element_type3A_307 = arith.extui %and3A_302 : vector<16xi1> to vector<16xi32>
        %broadcast_in_dim3A_308 = arith.constant true
        %broadcast_in_dim3A_309 = vector.broadcast %broadcast_in_dim3A_308 : i1 to vector<16xi1>
        %masked_cumsum3A_310 = tpu.scan <sum>, %convert_element_type3A_307 masked %broadcast_in_dim3A_309 : vector<16xi32>, vector<16xi1> -> vector<16xi32>
        %add3A_311 = vector.broadcast %add3A_281 : i32 to vector<16xi32>
        %add3A_312 = arith.addi %add3A_311, %masked_cumsum3A_306 : vector<16xi32>
        %sub3A_313 = arith.constant 1 : i32
        %sub3A_314 = vector.broadcast %sub3A_313 : i32 to vector<16xi32>
        %sub3A_315 = arith.subi %add3A_312, %sub3A_314 : vector<16xi32>
        %add3A_316 = vector.broadcast %add3A_284 : i32 to vector<16xi32>
        %add3A_317 = arith.addi %add3A_316, %masked_cumsum3A_310 : vector<16xi32>
        %sub3A_318 = arith.constant 1 : i32
        %sub3A_319 = vector.broadcast %sub3A_318 : i32 to vector<16xi32>
        %sub3A_320 = arith.subi %add3A_317, %sub3A_319 : vector<16xi32>
        %lt3A_321 = arith.constant 5000 : i32
        %lt3A_322 = vector.broadcast %lt3A_321 : i32 to vector<16xi32>
        %lt3A_323 = arith.cmpi slt, %sub3A_315, %lt3A_322 : vector<16xi32>
        %and3A_324 = arith.andi %lt3A_295, %lt3A_323 : vector<16xi1>
        tpu.vector_store_idx %arg17[%sub3A_315], %get3A_292 masked %and3A_324 : memref<20064xi32, #tpu.memory_space<vmem>>[vector<16xi32>], vector<16xi32>, vector<16xi1>
        %add3A_325 = arith.constant 5000 : i32
        %add3A_326 = vector.broadcast %add3A_325 : i32 to vector<16xi32>
        %add3A_327 = arith.addi %sub3A_320, %add3A_326 : vector<16xi32>
        %lt3A_328 = arith.constant 15000 : i32
        %lt3A_329 = vector.broadcast %lt3A_328 : i32 to vector<16xi32>
        %lt3A_330 = arith.cmpi slt, %sub3A_320, %lt3A_329 : vector<16xi32>
        %and3A_331 = arith.andi %and3A_302, %lt3A_330 : vector<16xi1>
        tpu.vector_store_idx %arg17[%add3A_327], %get3A_292 masked %and3A_331 : memref<20064xi32, #tpu.memory_space<vmem>>[vector<16xi32>], vector<16xi32>, vector<16xi1>
        %slice3A_332 = vector.extract_strided_slice %masked_cumsum3A_306 {offsets = [15], sizes = [1], strides = [1]} : vector<16xi32> to vector<1xi32>
        %squeeze3A_333 = vector.extract %slice3A_332[0] : i32 from vector<1xi32>
        %add3A_334 = arith.addi %add3A_281, %squeeze3A_333 : i32
        %slice3A_335 = vector.extract_strided_slice %masked_cumsum3A_310 {offsets = [15], sizes = [1], strides = [1]} : vector<16xi32> to vector<1xi32>
        %squeeze3A_336 = vector.extract %slice3A_335[0] : i32 from vector<1xi32>
        %add3A_337 = arith.addi %add3A_284, %squeeze3A_336 : i32
        %mul3A_338 = arith.constant 64 : i32
        %mul3A_339 = arith.muli %while3A_182, %mul3A_338 : i32
        %add3A_340 = arith.constant 48 : i32
        %add3A_341 = arith.addi %mul3A_339, %add3A_340 : i32
        %get3A_342 = arith.index_cast %add3A_341 : i32 to index
        %get3A_343 = tpu.vector_load %arg14[%get3A_342] {strides = array<i32>} : memref<20064xi32, #tpu.memory_space<vmem>>, vector<16xi32>,
        %get3A_344 = arith.index_cast %add3A_341 : i32 to index
        %get3A_345 = tpu.vector_load %arg15[%get3A_344] {strides = array<i32>} : memref<20064xi32, #tpu.memory_space<vmem>>, vector<16xi32>,
        %lt3A_346 = arith.constant -1056964609 : i32
        %lt3A_347 = vector.broadcast %lt3A_346 : i32 to vector<16xi32>
        %lt3A_348 = arith.cmpi slt, %get3A_343, %lt3A_347 : vector<16xi32>
        %gt3A_349 = arith.constant -1056964609 : i32
        %gt3A_350 = vector.broadcast %gt3A_349 : i32 to vector<16xi32>
        %gt3A_351 = arith.cmpi sgt, %get3A_343, %gt3A_350 : vector<16xi32>
        %lt3A_352 = arith.constant -1036831950 : i32
        %lt3A_353 = vector.broadcast %lt3A_352 : i32 to vector<16xi32>
        %lt3A_354 = arith.cmpi slt, %get3A_343, %lt3A_353 : vector<16xi32>
        %and3A_355 = arith.andi %gt3A_351, %lt3A_354 : vector<16xi1>
        %convert_element_type3A_356 = arith.extui %lt3A_348 : vector<16xi1> to vector<16xi32>
        %broadcast_in_dim3A_357 = arith.constant true
        %broadcast_in_dim3A_358 = vector.broadcast %broadcast_in_dim3A_357 : i1 to vector<16xi1>
        %masked_cumsum3A_359 = tpu.scan <sum>, %convert_element_type3A_356 masked %broadcast_in_dim3A_358 : vector<16xi32>, vector<16xi1> -> vector<16xi32>
        %convert_element_type3A_360 = arith.extui %and3A_355 : vector<16xi1> to vector<16xi32>
        %broadcast_in_dim3A_361 = arith.constant true
        %broadcast_in_dim3A_362 = vector.broadcast %broadcast_in_dim3A_361 : i1 to vector<16xi1>
        %masked_cumsum3A_363 = tpu.scan <sum>, %convert_element_type3A_360 masked %broadcast_in_dim3A_362 : vector<16xi32>, vector<16xi1> -> vector<16xi32>
        %add3A_364 = vector.broadcast %add3A_334 : i32 to vector<16xi32>
        %add3A_365 = arith.addi %add3A_364, %masked_cumsum3A_359 : vector<16xi32>
        %sub3A_366 = arith.constant 1 : i32
        %sub3A_367 = vector.broadcast %sub3A_366 : i32 to vector<16xi32>
        %sub3A_368 = arith.subi %add3A_365, %sub3A_367 : vector<16xi32>
        %add3A_369 = vector.broadcast %add3A_337 : i32 to vector<16xi32>
        %add3A_370 = arith.addi %add3A_369, %masked_cumsum3A_363 : vector<16xi32>
        %sub3A_371 = arith.constant 1 : i32
        %sub3A_372 = vector.broadcast %sub3A_371 : i32 to vector<16xi32>
        %sub3A_373 = arith.subi %add3A_370, %sub3A_372 : vector<16xi32>
        %lt3A_374 = arith.constant 5000 : i32
        %lt3A_375 = vector.broadcast %lt3A_374 : i32 to vector<16xi32>
        %lt3A_376 = arith.cmpi slt, %sub3A_368, %lt3A_375 : vector<16xi32>
        %and3A_377 = arith.andi %lt3A_348, %lt3A_376 : vector<16xi1>
        tpu.vector_store_idx %arg17[%sub3A_368], %get3A_345 masked %and3A_377 : memref<20064xi32, #tpu.memory_space<vmem>>[vector<16xi32>], vector<16xi32>, vector<16xi1>
        %add3A_378 = arith.constant 5000 : i32
        %add3A_379 = vector.broadcast %add3A_378 : i32 to vector<16xi32>
        %add3A_380 = arith.addi %sub3A_373, %add3A_379 : vector<16xi32>
        %lt3A_381 = arith.constant 15000 : i32
        %lt3A_382 = vector.broadcast %lt3A_381 : i32 to vector<16xi32>
        %lt3A_383 = arith.cmpi slt, %sub3A_373, %lt3A_382 : vector<16xi32>
        %and3A_384 = arith.andi %and3A_355, %lt3A_383 : vector<16xi1>
        tpu.vector_store_idx %arg17[%add3A_380], %get3A_345 masked %and3A_384 : memref<20064xi32, #tpu.memory_space<vmem>>[vector<16xi32>], vector<16xi32>, vector<16xi1>
        %slice3A_385 = vector.extract_strided_slice %masked_cumsum3A_359 {offsets = [15], sizes = [1], strides = [1]} : vector<16xi32> to vector<1xi32>
        %squeeze3A_386 = vector.extract %slice3A_385[0] : i32 from vector<1xi32>
        %add3A_387 = arith.addi %add3A_334, %squeeze3A_386 : i32
        %slice3A_388 = vector.extract_strided_slice %masked_cumsum3A_363 {offsets = [15], sizes = [1], strides = [1]} : vector<16xi32> to vector<1xi32>
        %squeeze3A_389 = vector.extract %slice3A_388[0] : i32 from vector<1xi32>
        %add3A_390 = arith.addi %add3A_337, %squeeze3A_389 : i32
        scf.yield %add3A_387, %add3A_390 : i32, i32
      }
      %while3A_154 = arith.constant 1 : i32
      %while3A_155:2 = scf.for %while3A_182 = %while3A_151 to %while3A_147 step %while3A_154 iter_args(%while3A_183 = %while3A_153#0, %while3A_184 = %while3A_153#1) -> (i32, i32)  : i32 {
        %mul3A_185 = arith.constant 64 : i32
        %mul3A_186 = arith.muli %while3A_182, %mul3A_185 : i32
        %get3A_187 = arith.index_cast %mul3A_186 : i32 to index
        %get3A_188 = tpu.vector_load %arg14[%get3A_187] {strides = array<i32>} : memref<20064xi32, #tpu.memory_space<vmem>>, vector<16xi32>,
        %get3A_189 = arith.index_cast %mul3A_186 : i32 to index
        %get3A_190 = tpu.vector_load %arg15[%get3A_189] {strides = array<i32>} : memref<20064xi32, #tpu.memory_space<vmem>>, vector<16xi32>,
        %lt3A_191 = arith.constant -1056964609 : i32
        %lt3A_192 = vector.broadcast %lt3A_191 : i32 to vector<16xi32>
        %lt3A_193 = arith.cmpi slt, %get3A_188, %lt3A_192 : vector<16xi32>
        %gt3A = arith.constant -1056964609 : i32
        %gt3A_194 = vector.broadcast %gt3A : i32 to vector<16xi32>
        %gt3A_195 = arith.cmpi sgt, %get3A_188, %gt3A_194 : vector<16xi32>
        %lt3A_196 = arith.constant -1036831950 : i32
        %lt3A_197 = vector.broadcast %lt3A_196 : i32 to vector<16xi32>
        %lt3A_198 = arith.cmpi slt, %get3A_188, %lt3A_197 : vector<16xi32>
        %and3A_199 = arith.andi %gt3A_195, %lt3A_198 : vector<16xi1>
        %convert_element_type3A_200 = arith.extui %lt3A_193 : vector<16xi1> to vector<16xi32>
        %broadcast_in_dim3A_201 = arith.constant true
        %broadcast_in_dim3A_202 = vector.broadcast %broadcast_in_dim3A_201 : i1 to vector<16xi1>
        %masked_cumsum3A = tpu.scan <sum>, %convert_element_type3A_200 masked %broadcast_in_dim3A_202 : vector<16xi32>, vector<16xi1> -> vector<16xi32>
        %convert_element_type3A_203 = arith.extui %and3A_199 : vector<16xi1> to vector<16xi32>
        %broadcast_in_dim3A_204 = arith.constant true
        %broadcast_in_dim3A_205 = vector.broadcast %broadcast_in_dim3A_204 : i1 to vector<16xi1>
        %masked_cumsum3A_206 = tpu.scan <sum>, %convert_element_type3A_203 masked %broadcast_in_dim3A_205 : vector<16xi32>, vector<16xi1> -> vector<16xi32>
        %add3A_207 = vector.broadcast %while3A_183 : i32 to vector<16xi32>
        %add3A_208 = arith.addi %add3A_207, %masked_cumsum3A : vector<16xi32>
        %sub3A_209 = arith.constant 1 : i32
        %sub3A_210 = vector.broadcast %sub3A_209 : i32 to vector<16xi32>
        %sub3A_211 = arith.subi %add3A_208, %sub3A_210 : vector<16xi32>
        %add3A_212 = vector.broadcast %while3A_184 : i32 to vector<16xi32>
        %add3A_213 = arith.addi %add3A_212, %masked_cumsum3A_206 : vector<16xi32>
        %sub3A_214 = arith.constant 1 : i32
        %sub3A_215 = vector.broadcast %sub3A_214 : i32 to vector<16xi32>
        %sub3A_216 = arith.subi %add3A_213, %sub3A_215 : vector<16xi32>
        %lt3A_217 = arith.constant 5000 : i32
        %lt3A_218 = vector.broadcast %lt3A_217 : i32 to vector<16xi32>
        %lt3A_219 = arith.cmpi slt, %sub3A_211, %lt3A_218 : vector<16xi32>
        %and3A_220 = arith.andi %lt3A_193, %lt3A_219 : vector<16xi1>
        tpu.vector_store_idx %arg17[%sub3A_211], %get3A_190 masked %and3A_220 : memref<20064xi32, #tpu.memory_space<vmem>>[vector<16xi32>], vector<16xi32>, vector<16xi1>
        %add3A_221 = arith.constant 5000 : i32
        %add3A_222 = vector.broadcast %add3A_221 : i32 to vector<16xi32>
        %add3A_223 = arith.addi %sub3A_216, %add3A_222 : vector<16xi32>
        %lt3A_224 = arith.constant 15000 : i32
        %lt3A_225 = vector.broadcast %lt3A_224 : i32 to vector<16xi32>
        %lt3A_226 = arith.cmpi slt, %sub3A_216, %lt3A_225 : vector<16xi32>
        %and3A_227 = arith.andi %and3A_199, %lt3A_226 : vector<16xi1>
        tpu.vector_store_idx %arg17[%add3A_223], %get3A_190 masked %and3A_227 : memref<20064xi32, #tpu.memory_space<vmem>>[vector<16xi32>], vector<16xi32>, vector<16xi1>
        %slice3A = vector.extract_strided_slice %masked_cumsum3A {offsets = [15], sizes = [1], strides = [1]} : vector<16xi32> to vector<1xi32>
        %squeeze3A = vector.extract %slice3A[0] : i32 from vector<1xi32>
        %add3A_228 = arith.addi %while3A_183, %squeeze3A : i32
        %slice3A_229 = vector.extract_strided_slice %masked_cumsum3A_206 {offsets = [15], sizes = [1], strides = [1]} : vector<16xi32> to vector<1xi32>
        %squeeze3A_230 = vector.extract %slice3A_229[0] : i32 from vector<1xi32>
        %add3A_231 = arith.addi %while3A_184, %squeeze3A_230 : i32
        %mul3A_232 = arith.constant 64 : i32
        %mul3A_233 = arith.muli %while3A_182, %mul3A_232 : i32
        %add3A_234 = arith.constant 16 : i32
        %add3A_235 = arith.addi %mul3A_233, %add3A_234 : i32
        %get3A_236 = arith.index_cast %add3A_235 : i32 to index
        %get3A_237 = tpu.vector_load %arg14[%get3A_236] {strides = array<i32>} : memref<20064xi32, #tpu.memory_space<vmem>>, vector<16xi32>,
        %get3A_238 = arith.index_cast %add3A_235 : i32 to index
        %get3A_239 = tpu.vector_load %arg15[%get3A_238] {strides = array<i32>} : memref<20064xi32, #tpu.memory_space<vmem>>, vector<16xi32>,
        %lt3A_240 = arith.constant -1056964609 : i32
        %lt3A_241 = vector.broadcast %lt3A_240 : i32 to vector<16xi32>
        %lt3A_242 = arith.cmpi slt, %get3A_237, %lt3A_241 : vector<16xi32>
        %gt3A_243 = arith.constant -1056964609 : i32
        %gt3A_244 = vector.broadcast %gt3A_243 : i32 to vector<16xi32>
        %gt3A_245 = arith.cmpi sgt, %get3A_237, %gt3A_244 : vector<16xi32>
        %lt3A_246 = arith.constant -1036831950 : i32
        %lt3A_247 = vector.broadcast %lt3A_246 : i32 to vector<16xi32>
        %lt3A_248 = arith.cmpi slt, %get3A_237, %lt3A_247 : vector<16xi32>
        %and3A_249 = arith.andi %gt3A_245, %lt3A_248 : vector<16xi1>
        %convert_element_type3A_250 = arith.extui %lt3A_242 : vector<16xi1> to vector<16xi32>
        %broadcast_in_dim3A_251 = arith.constant true
        %broadcast_in_dim3A_252 = vector.broadcast %broadcast_in_dim3A_251 : i1 to vector<16xi1>
        %masked_cumsum3A_253 = tpu.scan <sum>, %convert_element_type3A_250 masked %broadcast_in_dim3A_252 : vector<16xi32>, vector<16xi1> -> vector<16xi32>
        %convert_element_type3A_254 = arith.extui %and3A_249 : vector<16xi1> to vector<16xi32>
        %broadcast_in_dim3A_255 = arith.constant true
        %broadcast_in_dim3A_256 = vector.broadcast %broadcast_in_dim3A_255 : i1 to vector<16xi1>
        %masked_cumsum3A_257 = tpu.scan <sum>, %convert_element_type3A_254 masked %broadcast_in_dim3A_256 : vector<16xi32>, vector<16xi1> -> vector<16xi32>
        %add3A_258 = vector.broadcast %add3A_228 : i32 to vector<16xi32>
        %add3A_259 = arith.addi %add3A_258, %masked_cumsum3A_253 : vector<16xi32>
        %sub3A_260 = arith.constant 1 : i32
        %sub3A_261 = vector.broadcast %sub3A_260 : i32 to vector<16xi32>
        %sub3A_262 = arith.subi %add3A_259, %sub3A_261 : vector<16xi32>
        %add3A_263 = vector.broadcast %add3A_231 : i32 to vector<16xi32>
        %add3A_264 = arith.addi %add3A_263, %masked_cumsum3A_257 : vector<16xi32>
        %sub3A_265 = arith.constant 1 : i32
        %sub3A_266 = vector.broadcast %sub3A_265 : i32 to vector<16xi32>
        %sub3A_267 = arith.subi %add3A_264, %sub3A_266 : vector<16xi32>
        %lt3A_268 = arith.constant 5000 : i32
        %lt3A_269 = vector.broadcast %lt3A_268 : i32 to vector<16xi32>
        %lt3A_270 = arith.cmpi slt, %sub3A_262, %lt3A_269 : vector<16xi32>
        %and3A_271 = arith.andi %lt3A_242, %lt3A_270 : vector<16xi1>
        tpu.vector_store_idx %arg17[%sub3A_262], %get3A_239 masked %and3A_271 : memref<20064xi32, #tpu.memory_space<vmem>>[vector<16xi32>], vector<16xi32>, vector<16xi1>
        %add3A_272 = arith.constant 5000 : i32
        %add3A_273 = vector.broadcast %add3A_272 : i32 to vector<16xi32>
        %add3A_274 = arith.addi %sub3A_267, %add3A_273 : vector<16xi32>
        %lt3A_275 = arith.constant 15000 : i32
        %lt3A_276 = vector.broadcast %lt3A_275 : i32 to vector<16xi32>
        %lt3A_277 = arith.cmpi slt, %sub3A_267, %lt3A_276 : vector<16xi32>
        %and3A_278 = arith.andi %and3A_249, %lt3A_277 : vector<16xi1>
        tpu.vector_store_idx %arg17[%add3A_274], %get3A_239 masked %and3A_278 : memref<20064xi32, #tpu.memory_space<vmem>>[vector<16xi32>], vector<16xi32>, vector<16xi1>
        %slice3A_279 = vector.extract_strided_slice %masked_cumsum3A_253 {offsets = [15], sizes = [1], strides = [1]} : vector<16xi32> to vector<1xi32>
        %squeeze3A_280 = vector.extract %slice3A_279[0] : i32 from vector<1xi32>
        %add3A_281 = arith.addi %add3A_228, %squeeze3A_280 : i32
        %slice3A_282 = vector.extract_strided_slice %masked_cumsum3A_257 {offsets = [15], sizes = [1], strides = [1]} : vector<16xi32> to vector<1xi32>
        %squeeze3A_283 = vector.extract %slice3A_282[0] : i32 from vector<1xi32>
        %add3A_284 = arith.addi %add3A_231, %squeeze3A_283 : i32
        %mul3A_285 = arith.constant 64 : i32
        %mul3A_286 = arith.muli %while3A_182, %mul3A_285 : i32
        %add3A_287 = arith.constant 32 : i32
        %add3A_288 = arith.addi %mul3A_286, %add3A_287 : i32
        %get3A_289 = arith.index_cast %add3A_288 : i32 to index
        %get3A_290 = tpu.vector_load %arg14[%get3A_289] {strides = array<i32>} : memref<20064xi32, #tpu.memory_space<vmem>>, vector<16xi32>,
        %get3A_291 = arith.index_cast %add3A_288 : i32 to index
        %get3A_292 = tpu.vector_load %arg15[%get3A_291] {strides = array<i32>} : memref<20064xi32, #tpu.memory_space<vmem>>, vector<16xi32>,
        %lt3A_293 = arith.constant -1056964609 : i32
        %lt3A_294 = vector.broadcast %lt3A_293 : i32 to vector<16xi32>
        %lt3A_295 = arith.cmpi slt, %get3A_290, %lt3A_294 : vector<16xi32>
        %gt3A_296 = arith.constant -1056964609 : i32
        %gt3A_297 = vector.broadcast %gt3A_296 : i32 to vector<16xi32>
        %gt3A_298 = arith.cmpi sgt, %get3A_290, %gt3A_297 : vector<16xi32>
        %lt3A_299 = arith.constant -1036831950 : i32
        %lt3A_300 = vector.broadcast %lt3A_299 : i32 to vector<16xi32>
        %lt3A_301 = arith.cmpi slt, %get3A_290, %lt3A_300 : vector<16xi32>
        %and3A_302 = arith.andi %gt3A_298, %lt3A_301 : vector<16xi1>
        %convert_element_type3A_303 = arith.extui %lt3A_295 : vector<16xi1> to vector<16xi32>
        %broadcast_in_dim3A_304 = arith.constant true
        %broadcast_in_dim3A_305 = vector.broadcast %broadcast_in_dim3A_304 : i1 to vector<16xi1>
        %masked_cumsum3A_306 = tpu.scan <sum>, %convert_element_type3A_303 masked %broadcast_in_dim3A_305 : vector<16xi32>, vector<16xi1> -> vector<16xi32>
        %convert_element_type3A_307 = arith.extui %and3A_302 : vector<16xi1> to vector<16xi32>
        %broadcast_in_dim3A_308 = arith.constant true
        %broadcast_in_dim3A_309 = vector.broadcast %broadcast_in_dim3A_308 : i1 to vector<16xi1>
        %masked_cumsum3A_310 = tpu.scan <sum>, %convert_element_type3A_307 masked %broadcast_in_dim3A_309 : vector<16xi32>, vector<16xi1> -> vector<16xi32>
        %add3A_311 = vector.broadcast %add3A_281 : i32 to vector<16xi32>
        %add3A_312 = arith.addi %add3A_311, %masked_cumsum3A_306 : vector<16xi32>
        %sub3A_313 = arith.constant 1 : i32
        %sub3A_314 = vector.broadcast %sub3A_313 : i32 to vector<16xi32>
        %sub3A_315 = arith.subi %add3A_312, %sub3A_314 : vector<16xi32>
        %add3A_316 = vector.broadcast %add3A_284 : i32 to vector<16xi32>
        %add3A_317 = arith.addi %add3A_316, %masked_cumsum3A_310 : vector<16xi32>
        %sub3A_318 = arith.constant 1 : i32
        %sub3A_319 = vector.broadcast %sub3A_318 : i32 to vector<16xi32>
        %sub3A_320 = arith.subi %add3A_317, %sub3A_319 : vector<16xi32>
        %lt3A_321 = arith.constant 5000 : i32
        %lt3A_322 = vector.broadcast %lt3A_321 : i32 to vector<16xi32>
        %lt3A_323 = arith.cmpi slt, %sub3A_315, %lt3A_322 : vector<16xi32>
        %and3A_324 = arith.andi %lt3A_295, %lt3A_323 : vector<16xi1>
        tpu.vector_store_idx %arg17[%sub3A_315], %get3A_292 masked %and3A_324 : memref<20064xi32, #tpu.memory_space<vmem>>[vector<16xi32>], vector<16xi32>, vector<16xi1>
        %add3A_325 = arith.constant 5000 : i32
        %add3A_326 = vector.broadcast %add3A_325 : i32 to vector<16xi32>
        %add3A_327 = arith.addi %sub3A_320, %add3A_326 : vector<16xi32>
        %lt3A_328 = arith.constant 15000 : i32
        %lt3A_329 = vector.broadcast %lt3A_328 : i32 to vector<16xi32>
        %lt3A_330 = arith.cmpi slt, %sub3A_320, %lt3A_329 : vector<16xi32>
        %and3A_331 = arith.andi %and3A_302, %lt3A_330 : vector<16xi1>
        tpu.vector_store_idx %arg17[%add3A_327], %get3A_292 masked %and3A_331 : memref<20064xi32, #tpu.memory_space<vmem>>[vector<16xi32>], vector<16xi32>, vector<16xi1>
        %slice3A_332 = vector.extract_strided_slice %masked_cumsum3A_306 {offsets = [15], sizes = [1], strides = [1]} : vector<16xi32> to vector<1xi32>
        %squeeze3A_333 = vector.extract %slice3A_332[0] : i32 from vector<1xi32>
        %add3A_334 = arith.addi %add3A_281, %squeeze3A_333 : i32
        %slice3A_335 = vector.extract_strided_slice %masked_cumsum3A_310 {offsets = [15], sizes = [1], strides = [1]} : vector<16xi32> to vector<1xi32>
        %squeeze3A_336 = vector.extract %slice3A_335[0] : i32 from vector<1xi32>
        %add3A_337 = arith.addi %add3A_284, %squeeze3A_336 : i32
        %mul3A_338 = arith.constant 64 : i32
        %mul3A_339 = arith.muli %while3A_182, %mul3A_338 : i32
        %add3A_340 = arith.constant 48 : i32
        %add3A_341 = arith.addi %mul3A_339, %add3A_340 : i32
        %get3A_342 = arith.index_cast %add3A_341 : i32 to index
        %get3A_343 = tpu.vector_load %arg14[%get3A_342] {strides = array<i32>} : memref<20064xi32, #tpu.memory_space<vmem>>, vector<16xi32>,
        %get3A_344 = arith.index_cast %add3A_341 : i32 to index
        %get3A_345 = tpu.vector_load %arg15[%get3A_344] {strides = array<i32>} : memref<20064xi32, #tpu.memory_space<vmem>>, vector<16xi32>,
        %lt3A_346 = arith.constant -1056964609 : i32
        %lt3A_347 = vector.broadcast %lt3A_346 : i32 to vector<16xi32>
        %lt3A_348 = arith.cmpi slt, %get3A_343, %lt3A_347 : vector<16xi32>
        %gt3A_349 = arith.constant -1056964609 : i32
        %gt3A_350 = vector.broadcast %gt3A_349 : i32 to vector<16xi32>
        %gt3A_351 = arith.cmpi sgt, %get3A_343, %gt3A_350 : vector<16xi32>
        %lt3A_352 = arith.constant -1036831950 : i32
        %lt3A_353 = vector.broadcast %lt3A_352 : i32 to vector<16xi32>
        %lt3A_354 = arith.cmpi slt, %get3A_343, %lt3A_353 : vector<16xi32>
        %and3A_355 = arith.andi %gt3A_351, %lt3A_354 : vector<16xi1>
        %convert_element_type3A_356 = arith.extui %lt3A_348 : vector<16xi1> to vector<16xi32>
        %broadcast_in_dim3A_357 = arith.constant true
        %broadcast_in_dim3A_358 = vector.broadcast %broadcast_in_dim3A_357 : i1 to vector<16xi1>
        %masked_cumsum3A_359 = tpu.scan <sum>, %convert_element_type3A_356 masked %broadcast_in_dim3A_358 : vector<16xi32>, vector<16xi1> -> vector<16xi32>
        %convert_element_type3A_360 = arith.extui %and3A_355 : vector<16xi1> to vector<16xi32>
        %broadcast_in_dim3A_361 = arith.constant true
        %broadcast_in_dim3A_362 = vector.broadcast %broadcast_in_dim3A_361 : i1 to vector<16xi1>
        %masked_cumsum3A_363 = tpu.scan <sum>, %convert_element_type3A_360 masked %broadcast_in_dim3A_362 : vector<16xi32>, vector<16xi1> -> vector<16xi32>
        %add3A_364 = vector.broadcast %add3A_334 : i32 to vector<16xi32>
        %add3A_365 = arith.addi %add3A_364, %masked_cumsum3A_359 : vector<16xi32>
        %sub3A_366 = arith.constant 1 : i32
        %sub3A_367 = vector.broadcast %sub3A_366 : i32 to vector<16xi32>
        %sub3A_368 = arith.subi %add3A_365, %sub3A_367 : vector<16xi32>
        %add3A_369 = vector.broadcast %add3A_337 : i32 to vector<16xi32>
        %add3A_370 = arith.addi %add3A_369, %masked_cumsum3A_363 : vector<16xi32>
        %sub3A_371 = arith.constant 1 : i32
        %sub3A_372 = vector.broadcast %sub3A_371 : i32 to vector<16xi32>
        %sub3A_373 = arith.subi %add3A_370, %sub3A_372 : vector<16xi32>
        %lt3A_374 = arith.constant 5000 : i32
        %lt3A_375 = vector.broadcast %lt3A_374 : i32 to vector<16xi32>
        %lt3A_376 = arith.cmpi slt, %sub3A_368, %lt3A_375 : vector<16xi32>
        %and3A_377 = arith.andi %lt3A_348, %lt3A_376 : vector<16xi1>
        tpu.vector_store_idx %arg17[%sub3A_368], %get3A_345 masked %and3A_377 : memref<20064xi32, #tpu.memory_space<vmem>>[vector<16xi32>], vector<16xi32>, vector<16xi1>
        %add3A_378 = arith.constant 5000 : i32
        %add3A_379 = vector.broadcast %add3A_378 : i32 to vector<16xi32>
        %add3A_380 = arith.addi %sub3A_373, %add3A_379 : vector<16xi32>
        %lt3A_381 = arith.constant 15000 : i32
        %lt3A_382 = vector.broadcast %lt3A_381 : i32 to vector<16xi32>
        %lt3A_383 = arith.cmpi slt, %sub3A_373, %lt3A_382 : vector<16xi32>
        %and3A_384 = arith.andi %and3A_355, %lt3A_383 : vector<16xi1>
        tpu.vector_store_idx %arg17[%add3A_380], %get3A_345 masked %and3A_384 : memref<20064xi32, #tpu.memory_space<vmem>>[vector<16xi32>], vector<16xi32>, vector<16xi1>
        %slice3A_385 = vector.extract_strided_slice %masked_cumsum3A_359 {offsets = [15], sizes = [1], strides = [1]} : vector<16xi32> to vector<1xi32>
        %squeeze3A_386 = vector.extract %slice3A_385[0] : i32 from vector<1xi32>
        %add3A_387 = arith.addi %add3A_334, %squeeze3A_386 : i32
        %slice3A_388 = vector.extract_strided_slice %masked_cumsum3A_363 {offsets = [15], sizes = [1], strides = [1]} : vector<16xi32> to vector<1xi32>
        %squeeze3A_389 = vector.extract %slice3A_388[0] : i32 from vector<1xi32>
        %add3A_390 = arith.addi %add3A_337, %squeeze3A_389 : i32
        scf.yield %add3A_387, %add3A_390 : i32, i32
      }
      %sub3A_156 = arith.constant 5000 : i32
      %sub3A_157 = arith.subi %sub3A_156, %while3A_155#0 : i32
      %max3A = arith.constant 0 : i32
      %max3A_158 = arith.maxsi %sub3A_157, %max3A : i32
      %sub3A_159 = arith.constant 15000 : i32
      %sub3A_160 = arith.subi %sub3A_159, %while3A_155#1 : i32
      %max3A_161 = arith.constant 0 : i32
      %max3A_162 = arith.maxsi %sub3A_160, %max3A_161 : i32
      %while3A_163 = arith.constant 0 : i32
      %while3A_164 = arith.constant 0 : i32
      %while3A_165 = arith.constant 0 : i32
      %while3A_166:3 = scf.while (%while3A_182 = %while3A_163, %while3A_183 = %while3A_164, %while3A_184 = %while3A_165) : (i32, i32, i32) -> (i32, i32, i32) {
        %lt3A_185 = arith.constant 313 : i32
        %lt3A_186 = arith.cmpi slt, %while3A_182, %lt3A_185 : i32
        %lt3A_187 = arith.cmpi slt, %while3A_183, %max3A_158 : i32
        %lt3A_188 = arith.cmpi slt, %while3A_184, %max3A_162 : i32
        %or3A = arith.ori %lt3A_187, %lt3A_188 : i1
        %and3A_189 = arith.andi %lt3A_186, %or3A : i1
        scf.condition(%and3A_189) %while3A_182, %while3A_183, %while3A_184 : i32, i32, i32
      } do {
      ^bb0(%while3A_182: i32, %while3A_183: i32, %while3A_184: i32):
        %mul3A_185 = arith.constant 64 : i32
        %mul3A_186 = arith.muli %while3A_182, %mul3A_185 : i32
        %get3A_187 = arith.index_cast %mul3A_186 : i32 to index
        %get3A_188 = tpu.vector_load %arg16[%get3A_187] {strides = array<i32>} : memref<20064xi32, #tpu.memory_space<vmem>>, vector<16xi32>,
        %add3A_189 = vector.broadcast %mul3A_186 : i32 to vector<16xi32>
        %add3A_190 = arith.addi %iota3A, %add3A_189 : vector<16xi32>
        %ge3A = arith.constant -1056964609 : i32
        %ge3A_191 = vector.broadcast %ge3A : i32 to vector<16xi32>
        %ge3A_192 = arith.cmpi sge, %get3A_188, %ge3A_191 : vector<16xi32>
        %le3A = arith.constant -1056964609 : i32
        %le3A_193 = vector.broadcast %le3A : i32 to vector<16xi32>
        %le3A_194 = arith.cmpi sle, %get3A_188, %le3A_193 : vector<16xi32>
        %ge3A_195 = arith.constant -1036831950 : i32
        %ge3A_196 = vector.broadcast %ge3A_195 : i32 to vector<16xi32>
        %ge3A_197 = arith.cmpi sge, %get3A_188, %ge3A_196 : vector<16xi32>
        %or3A = arith.ori %le3A_194, %ge3A_197 : vector<16xi1>
        %convert_element_type3A_198 = arith.extui %ge3A_192 : vector<16xi1> to vector<16xi32>
        %broadcast_in_dim3A_199 = arith.constant true
        %broadcast_in_dim3A_200 = vector.broadcast %broadcast_in_dim3A_199 : i1 to vector<16xi1>
        %masked_cumsum3A = tpu.scan <sum>, %convert_element_type3A_198 masked %broadcast_in_dim3A_200 : vector<16xi32>, vector<16xi1> -> vector<16xi32>
        %convert_element_type3A_201 = arith.extui %or3A : vector<16xi1> to vector<16xi32>
        %broadcast_in_dim3A_202 = arith.constant true
        %broadcast_in_dim3A_203 = vector.broadcast %broadcast_in_dim3A_202 : i1 to vector<16xi1>
        %masked_cumsum3A_204 = tpu.scan <sum>, %convert_element_type3A_201 masked %broadcast_in_dim3A_203 : vector<16xi32>, vector<16xi1> -> vector<16xi32>
        %add3A_205 = arith.addi %while3A_155#0, %while3A_183 : i32
        %add3A_206 = vector.broadcast %add3A_205 : i32 to vector<16xi32>
        %add3A_207 = arith.addi %add3A_206, %masked_cumsum3A : vector<16xi32>
        %sub3A_208 = arith.constant 1 : i32
        %sub3A_209 = vector.broadcast %sub3A_208 : i32 to vector<16xi32>
        %sub3A_210 = arith.subi %add3A_207, %sub3A_209 : vector<16xi32>
        %add3A_211 = arith.addi %while3A_155#1, %while3A_184 : i32
        %add3A_212 = vector.broadcast %add3A_211 : i32 to vector<16xi32>
        %add3A_213 = arith.addi %add3A_212, %masked_cumsum3A_204 : vector<16xi32>
        %sub3A_214 = arith.constant 1 : i32
        %sub3A_215 = vector.broadcast %sub3A_214 : i32 to vector<16xi32>
        %sub3A_216 = arith.subi %add3A_213, %sub3A_215 : vector<16xi32>
        %lt3A_217 = arith.constant 5000 : i32
        %lt3A_218 = vector.broadcast %lt3A_217 : i32 to vector<16xi32>
        %lt3A_219 = arith.cmpi slt, %sub3A_210, %lt3A_218 : vector<16xi32>
        %and3A_220 = arith.andi %ge3A_192, %lt3A_219 : vector<16xi1>
        tpu.vector_store_idx %arg17[%sub3A_210], %add3A_190 masked %and3A_220 : memref<20064xi32, #tpu.memory_space<vmem>>[vector<16xi32>], vector<16xi32>, vector<16xi1>
        %add3A_221 = arith.constant 5000 : i32
        %add3A_222 = vector.broadcast %add3A_221 : i32 to vector<16xi32>
        %add3A_223 = arith.addi %sub3A_216, %add3A_222 : vector<16xi32>
        %lt3A_224 = arith.constant 15000 : i32
        %lt3A_225 = vector.broadcast %lt3A_224 : i32 to vector<16xi32>
        %lt3A_226 = arith.cmpi slt, %sub3A_216, %lt3A_225 : vector<16xi32>
        %and3A_227 = arith.andi %or3A, %lt3A_226 : vector<16xi1>
        tpu.vector_store_idx %arg17[%add3A_223], %add3A_190 masked %and3A_227 : memref<20064xi32, #tpu.memory_space<vmem>>[vector<16xi32>], vector<16xi32>, vector<16xi1>
        %slice3A = vector.extract_strided_slice %masked_cumsum3A {offsets = [15], sizes = [1], strides = [1]} : vector<16xi32> to vector<1xi32>
        %squeeze3A = vector.extract %slice3A[0] : i32 from vector<1xi32>
        %add3A_228 = arith.addi %while3A_183, %squeeze3A : i32
        %slice3A_229 = vector.extract_strided_slice %masked_cumsum3A_204 {offsets = [15], sizes = [1], strides = [1]} : vector<16xi32> to vector<1xi32>
        %squeeze3A_230 = vector.extract %slice3A_229[0] : i32 from vector<1xi32>
        %add3A_231 = arith.addi %while3A_184, %squeeze3A_230 : i32
        %mul3A_232 = arith.constant 64 : i32
        %mul3A_233 = arith.muli %while3A_182, %mul3A_232 : i32
        %add3A_234 = arith.constant 16 : i32
        %add3A_235 = arith.addi %mul3A_233, %add3A_234 : i32
        %get3A_236 = arith.index_cast %add3A_235 : i32 to index
        %get3A_237 = tpu.vector_load %arg16[%get3A_236] {strides = array<i32>} : memref<20064xi32, #tpu.memory_space<vmem>>, vector<16xi32>,
        %add3A_238 = vector.broadcast %add3A_235 : i32 to vector<16xi32>
        %add3A_239 = arith.addi %iota3A, %add3A_238 : vector<16xi32>
        %ge3A_240 = arith.constant -1056964609 : i32
        %ge3A_241 = vector.broadcast %ge3A_240 : i32 to vector<16xi32>
        %ge3A_242 = arith.cmpi sge, %get3A_237, %ge3A_241 : vector<16xi32>
        %le3A_243 = arith.constant -1056964609 : i32
        %le3A_244 = vector.broadcast %le3A_243 : i32 to vector<16xi32>
        %le3A_245 = arith.cmpi sle, %get3A_237, %le3A_244 : vector<16xi32>
        %ge3A_246 = arith.constant -1036831950 : i32
        %ge3A_247 = vector.broadcast %ge3A_246 : i32 to vector<16xi32>
        %ge3A_248 = arith.cmpi sge, %get3A_237, %ge3A_247 : vector<16xi32>
        %or3A_249 = arith.ori %le3A_245, %ge3A_248 : vector<16xi1>
        %convert_element_type3A_250 = arith.extui %ge3A_242 : vector<16xi1> to vector<16xi32>
        %broadcast_in_dim3A_251 = arith.constant true
        %broadcast_in_dim3A_252 = vector.broadcast %broadcast_in_dim3A_251 : i1 to vector<16xi1>
        %masked_cumsum3A_253 = tpu.scan <sum>, %convert_element_type3A_250 masked %broadcast_in_dim3A_252 : vector<16xi32>, vector<16xi1> -> vector<16xi32>
        %convert_element_type3A_254 = arith.extui %or3A_249 : vector<16xi1> to vector<16xi32>
        %broadcast_in_dim3A_255 = arith.constant true
        %broadcast_in_dim3A_256 = vector.broadcast %broadcast_in_dim3A_255 : i1 to vector<16xi1>
        %masked_cumsum3A_257 = tpu.scan <sum>, %convert_element_type3A_254 masked %broadcast_in_dim3A_256 : vector<16xi32>, vector<16xi1> -> vector<16xi32>
        %add3A_258 = arith.addi %while3A_155#0, %add3A_228 : i32
        %add3A_259 = vector.broadcast %add3A_258 : i32 to vector<16xi32>
        %add3A_260 = arith.addi %add3A_259, %masked_cumsum3A_253 : vector<16xi32>
        %sub3A_261 = arith.constant 1 : i32
        %sub3A_262 = vector.broadcast %sub3A_261 : i32 to vector<16xi32>
        %sub3A_263 = arith.subi %add3A_260, %sub3A_262 : vector<16xi32>
        %add3A_264 = arith.addi %while3A_155#1, %add3A_231 : i32
        %add3A_265 = vector.broadcast %add3A_264 : i32 to vector<16xi32>
        %add3A_266 = arith.addi %add3A_265, %masked_cumsum3A_257 : vector<16xi32>
        %sub3A_267 = arith.constant 1 : i32
        %sub3A_268 = vector.broadcast %sub3A_267 : i32 to vector<16xi32>
        %sub3A_269 = arith.subi %add3A_266, %sub3A_268 : vector<16xi32>
        %lt3A_270 = arith.constant 5000 : i32
        %lt3A_271 = vector.broadcast %lt3A_270 : i32 to vector<16xi32>
        %lt3A_272 = arith.cmpi slt, %sub3A_263, %lt3A_271 : vector<16xi32>
        %and3A_273 = arith.andi %ge3A_242, %lt3A_272 : vector<16xi1>
        tpu.vector_store_idx %arg17[%sub3A_263], %add3A_239 masked %and3A_273 : memref<20064xi32, #tpu.memory_space<vmem>>[vector<16xi32>], vector<16xi32>, vector<16xi1>
        %add3A_274 = arith.constant 5000 : i32
        %add3A_275 = vector.broadcast %add3A_274 : i32 to vector<16xi32>
        %add3A_276 = arith.addi %sub3A_269, %add3A_275 : vector<16xi32>
        %lt3A_277 = arith.constant 15000 : i32
        %lt3A_278 = vector.broadcast %lt3A_277 : i32 to vector<16xi32>
        %lt3A_279 = arith.cmpi slt, %sub3A_269, %lt3A_278 : vector<16xi32>
        %and3A_280 = arith.andi %or3A_249, %lt3A_279 : vector<16xi1>
        tpu.vector_store_idx %arg17[%add3A_276], %add3A_239 masked %and3A_280 : memref<20064xi32, #tpu.memory_space<vmem>>[vector<16xi32>], vector<16xi32>, vector<16xi1>
        %slice3A_281 = vector.extract_strided_slice %masked_cumsum3A_253 {offsets = [15], sizes = [1], strides = [1]} : vector<16xi32> to vector<1xi32>
        %squeeze3A_282 = vector.extract %slice3A_281[0] : i32 from vector<1xi32>
        %add3A_283 = arith.addi %add3A_228, %squeeze3A_282 : i32
        %slice3A_284 = vector.extract_strided_slice %masked_cumsum3A_257 {offsets = [15], sizes = [1], strides = [1]} : vector<16xi32> to vector<1xi32>
        %squeeze3A_285 = vector.extract %slice3A_284[0] : i32 from vector<1xi32>
        %add3A_286 = arith.addi %add3A_231, %squeeze3A_285 : i32
        %mul3A_287 = arith.constant 64 : i32
        %mul3A_288 = arith.muli %while3A_182, %mul3A_287 : i32
        %add3A_289 = arith.constant 32 : i32
        %add3A_290 = arith.addi %mul3A_288, %add3A_289 : i32
        %get3A_291 = arith.index_cast %add3A_290 : i32 to index
        %get3A_292 = tpu.vector_load %arg16[%get3A_291] {strides = array<i32>} : memref<20064xi32, #tpu.memory_space<vmem>>, vector<16xi32>,
        %add3A_293 = vector.broadcast %add3A_290 : i32 to vector<16xi32>
        %add3A_294 = arith.addi %iota3A, %add3A_293 : vector<16xi32>
        %ge3A_295 = arith.constant -1056964609 : i32
        %ge3A_296 = vector.broadcast %ge3A_295 : i32 to vector<16xi32>
        %ge3A_297 = arith.cmpi sge, %get3A_292, %ge3A_296 : vector<16xi32>
        %le3A_298 = arith.constant -1056964609 : i32
        %le3A_299 = vector.broadcast %le3A_298 : i32 to vector<16xi32>
        %le3A_300 = arith.cmpi sle, %get3A_292, %le3A_299 : vector<16xi32>
        %ge3A_301 = arith.constant -1036831950 : i32
        %ge3A_302 = vector.broadcast %ge3A_301 : i32 to vector<16xi32>
        %ge3A_303 = arith.cmpi sge, %get3A_292, %ge3A_302 : vector<16xi32>
        %or3A_304 = arith.ori %le3A_300, %ge3A_303 : vector<16xi1>
        %convert_element_type3A_305 = arith.extui %ge3A_297 : vector<16xi1> to vector<16xi32>
        %broadcast_in_dim3A_306 = arith.constant true
        %broadcast_in_dim3A_307 = vector.broadcast %broadcast_in_dim3A_306 : i1 to vector<16xi1>
        %masked_cumsum3A_308 = tpu.scan <sum>, %convert_element_type3A_305 masked %broadcast_in_dim3A_307 : vector<16xi32>, vector<16xi1> -> vector<16xi32>
        %convert_element_type3A_309 = arith.extui %or3A_304 : vector<16xi1> to vector<16xi32>
        %broadcast_in_dim3A_310 = arith.constant true
        %broadcast_in_dim3A_311 = vector.broadcast %broadcast_in_dim3A_310 : i1 to vector<16xi1>
        %masked_cumsum3A_312 = tpu.scan <sum>, %convert_element_type3A_309 masked %broadcast_in_dim3A_311 : vector<16xi32>, vector<16xi1> -> vector<16xi32>
        %add3A_313 = arith.addi %while3A_155#0, %add3A_283 : i32
        %add3A_314 = vector.broadcast %add3A_313 : i32 to vector<16xi32>
        %add3A_315 = arith.addi %add3A_314, %masked_cumsum3A_308 : vector<16xi32>
        %sub3A_316 = arith.constant 1 : i32
        %sub3A_317 = vector.broadcast %sub3A_316 : i32 to vector<16xi32>
        %sub3A_318 = arith.subi %add3A_315, %sub3A_317 : vector<16xi32>
        %add3A_319 = arith.addi %while3A_155#1, %add3A_286 : i32
        %add3A_320 = vector.broadcast %add3A_319 : i32 to vector<16xi32>
        %add3A_321 = arith.addi %add3A_320, %masked_cumsum3A_312 : vector<16xi32>
        %sub3A_322 = arith.constant 1 : i32
        %sub3A_323 = vector.broadcast %sub3A_322 : i32 to vector<16xi32>
        %sub3A_324 = arith.subi %add3A_321, %sub3A_323 : vector<16xi32>
        %lt3A_325 = arith.constant 5000 : i32
        %lt3A_326 = vector.broadcast %lt3A_325 : i32 to vector<16xi32>
        %lt3A_327 = arith.cmpi slt, %sub3A_318, %lt3A_326 : vector<16xi32>
        %and3A_328 = arith.andi %ge3A_297, %lt3A_327 : vector<16xi1>
        tpu.vector_store_idx %arg17[%sub3A_318], %add3A_294 masked %and3A_328 : memref<20064xi32, #tpu.memory_space<vmem>>[vector<16xi32>], vector<16xi32>, vector<16xi1>
        %add3A_329 = arith.constant 5000 : i32
        %add3A_330 = vector.broadcast %add3A_329 : i32 to vector<16xi32>
        %add3A_331 = arith.addi %sub3A_324, %add3A_330 : vector<16xi32>
        %lt3A_332 = arith.constant 15000 : i32
        %lt3A_333 = vector.broadcast %lt3A_332 : i32 to vector<16xi32>
        %lt3A_334 = arith.cmpi slt, %sub3A_324, %lt3A_333 : vector<16xi32>
        %and3A_335 = arith.andi %or3A_304, %lt3A_334 : vector<16xi1>
        tpu.vector_store_idx %arg17[%add3A_331], %add3A_294 masked %and3A_335 : memref<20064xi32, #tpu.memory_space<vmem>>[vector<16xi32>], vector<16xi32>, vector<16xi1>
        %slice3A_336 = vector.extract_strided_slice %masked_cumsum3A_308 {offsets = [15], sizes = [1], strides = [1]} : vector<16xi32> to vector<1xi32>
        %squeeze3A_337 = vector.extract %slice3A_336[0] : i32 from vector<1xi32>
        %add3A_338 = arith.addi %add3A_283, %squeeze3A_337 : i32
        %slice3A_339 = vector.extract_strided_slice %masked_cumsum3A_312 {offsets = [15], sizes = [1], strides = [1]} : vector<16xi32> to vector<1xi32>
        %squeeze3A_340 = vector.extract %slice3A_339[0] : i32 from vector<1xi32>
        %add3A_341 = arith.addi %add3A_286, %squeeze3A_340 : i32
        %mul3A_342 = arith.constant 64 : i32
        %mul3A_343 = arith.muli %while3A_182, %mul3A_342 : i32
        %add3A_344 = arith.constant 48 : i32
        %add3A_345 = arith.addi %mul3A_343, %add3A_344 : i32
        %get3A_346 = arith.index_cast %add3A_345 : i32 to index
        %get3A_347 = tpu.vector_load %arg16[%get3A_346] {strides = array<i32>} : memref<20064xi32, #tpu.memory_space<vmem>>, vector<16xi32>,
        %add3A_348 = vector.broadcast %add3A_345 : i32 to vector<16xi32>
        %add3A_349 = arith.addi %iota3A, %add3A_348 : vector<16xi32>
        %ge3A_350 = arith.constant -1056964609 : i32
        %ge3A_351 = vector.broadcast %ge3A_350 : i32 to vector<16xi32>
        %ge3A_352 = arith.cmpi sge, %get3A_347, %ge3A_351 : vector<16xi32>
        %le3A_353 = arith.constant -1056964609 : i32
        %le3A_354 = vector.broadcast %le3A_353 : i32 to vector<16xi32>
        %le3A_355 = arith.cmpi sle, %get3A_347, %le3A_354 : vector<16xi32>
        %ge3A_356 = arith.constant -1036831950 : i32
        %ge3A_357 = vector.broadcast %ge3A_356 : i32 to vector<16xi32>
        %ge3A_358 = arith.cmpi sge, %get3A_347, %ge3A_357 : vector<16xi32>
        %or3A_359 = arith.ori %le3A_355, %ge3A_358 : vector<16xi1>
        %convert_element_type3A_360 = arith.extui %ge3A_352 : vector<16xi1> to vector<16xi32>
        %broadcast_in_dim3A_361 = arith.constant true
        %broadcast_in_dim3A_362 = vector.broadcast %broadcast_in_dim3A_361 : i1 to vector<16xi1>
        %masked_cumsum3A_363 = tpu.scan <sum>, %convert_element_type3A_360 masked %broadcast_in_dim3A_362 : vector<16xi32>, vector<16xi1> -> vector<16xi32>
        %convert_element_type3A_364 = arith.extui %or3A_359 : vector<16xi1> to vector<16xi32>
        %broadcast_in_dim3A_365 = arith.constant true
        %broadcast_in_dim3A_366 = vector.broadcast %broadcast_in_dim3A_365 : i1 to vector<16xi1>
        %masked_cumsum3A_367 = tpu.scan <sum>, %convert_element_type3A_364 masked %broadcast_in_dim3A_366 : vector<16xi32>, vector<16xi1> -> vector<16xi32>
        %add3A_368 = arith.addi %while3A_155#0, %add3A_338 : i32
        %add3A_369 = vector.broadcast %add3A_368 : i32 to vector<16xi32>
        %add3A_370 = arith.addi %add3A_369, %masked_cumsum3A_363 : vector<16xi32>
        %sub3A_371 = arith.constant 1 : i32
        %sub3A_372 = vector.broadcast %sub3A_371 : i32 to vector<16xi32>
        %sub3A_373 = arith.subi %add3A_370, %sub3A_372 : vector<16xi32>
        %add3A_374 = arith.addi %while3A_155#1, %add3A_341 : i32
        %add3A_375 = vector.broadcast %add3A_374 : i32 to vector<16xi32>
        %add3A_376 = arith.addi %add3A_375, %masked_cumsum3A_367 : vector<16xi32>
        %sub3A_377 = arith.constant 1 : i32
        %sub3A_378 = vector.broadcast %sub3A_377 : i32 to vector<16xi32>
        %sub3A_379 = arith.subi %add3A_376, %sub3A_378 : vector<16xi32>
        %lt3A_380 = arith.constant 5000 : i32
        %lt3A_381 = vector.broadcast %lt3A_380 : i32 to vector<16xi32>
        %lt3A_382 = arith.cmpi slt, %sub3A_373, %lt3A_381 : vector<16xi32>
        %and3A_383 = arith.andi %ge3A_352, %lt3A_382 : vector<16xi1>
        tpu.vector_store_idx %arg17[%sub3A_373], %add3A_349 masked %and3A_383 : memref<20064xi32, #tpu.memory_space<vmem>>[vector<16xi32>], vector<16xi32>, vector<16xi1>
        %add3A_384 = arith.constant 5000 : i32
        %add3A_385 = vector.broadcast %add3A_384 : i32 to vector<16xi32>
        %add3A_386 = arith.addi %sub3A_379, %add3A_385 : vector<16xi32>
        %lt3A_387 = arith.constant 15000 : i32
        %lt3A_388 = vector.broadcast %lt3A_387 : i32 to vector<16xi32>
        %lt3A_389 = arith.cmpi slt, %sub3A_379, %lt3A_388 : vector<16xi32>
        %and3A_390 = arith.andi %or3A_359, %lt3A_389 : vector<16xi1>
        tpu.vector_store_idx %arg17[%add3A_386], %add3A_349 masked %and3A_390 : memref<20064xi32, #tpu.memory_space<vmem>>[vector<16xi32>], vector<16xi32>, vector<16xi1>
        %slice3A_391 = vector.extract_strided_slice %masked_cumsum3A_363 {offsets = [15], sizes = [1], strides = [1]} : vector<16xi32> to vector<1xi32>
        %squeeze3A_392 = vector.extract %slice3A_391[0] : i32 from vector<1xi32>
        %add3A_393 = arith.addi %add3A_338, %squeeze3A_392 : i32
        %slice3A_394 = vector.extract_strided_slice %masked_cumsum3A_367 {offsets = [15], sizes = [1], strides = [1]} : vector<16xi32> to vector<1xi32>
        %squeeze3A_395 = vector.extract %slice3A_394[0] : i32 from vector<1xi32>
        %add3A_396 = arith.addi %add3A_341, %squeeze3A_395 : i32
        %add3A_397 = arith.constant 1 : i32
        %add3A_398 = arith.addi %while3A_182, %add3A_397 : i32
        scf.yield %add3A_398, %add3A_393, %add3A_396 : i32, i32, i32
      }
      %min3A = arith.constant 5000 : i32
      %min3A_167 = arith.minsi %while3A_155#0, %min3A : i32
      %scan3A_168 = arith.constant 0 : i32
      %scan3A_169 = arith.constant 0 : i32
      %scan3A_170 = arith.constant 250 : i32
      %scan3A_171 = arith.addi %scan3A_169, %scan3A_170 : i32
      %scan3A_172 = arith.constant 1 : i32
      %scan3A_173 = scf.for %scan3A_182 = %scan3A_169 to %scan3A_171 step %scan3A_172 iter_args(%scan3A_183 = %scan3A_168) -> (i32)  : i32 {
        %broadcast_in_dim3A_184 = arith.constant 0 : i32
        %broadcast_in_dim3A_185 = vector.broadcast %broadcast_in_dim3A_184 : i32 to vector<16xi32>
        %mul3A_186 = arith.constant 16 : i32
        %mul3A_187 = arith.muli %scan3A_182, %mul3A_186 : i32
        %swap3A_188 = arith.index_cast %mul3A_187 : i32 to index
        %swap3A_189 = tpu.vector_load %arg26[%swap3A_188] {strides = array<i32>} : memref<4000xi32, #tpu.memory_space<vmem>>, vector<16xi32>,
        tpu.vector_store %arg26[%swap3A_188], %broadcast_in_dim3A_185 {strides = array<i32>} : memref<4000xi32, #tpu.memory_space<vmem>>, vector<16xi32>,
        %scan3A_190 = arith.constant 0 : i32
        scf.yield %scan3A_190 : i32
      }
      %scan3A_174 = arith.constant 250 : i32
      %scan3A_175 = arith.constant 0 : i32
      %scan3A_176 = arith.constant 0 : i32
      %scan3A_177 = arith.constant 5 : i32
      %scan3A_178 = arith.addi %scan3A_176, %scan3A_177 : i32
      %scan3A_179 = arith.constant 1 : i32
      %scan3A_180 = scf.for %scan3A_182 = %scan3A_176 to %scan3A_178 step %scan3A_179 iter_args(%scan3A_183 = %scan3A_175) -> (i32)  : i32 {
        %mul3A_184 = arith.constant 4000 : i32
        %mul3A_185 = arith.muli %scan3A_182, %mul3A_184 : i32
        %dma_start3A = tpu.memref_slice %arg17[%mul3A_185] : memref<20064xi32, #tpu.memory_space<vmem>> -> memref<4000xi32, #tpu.memory_space<vmem>>
        %dma_start3A_186 = arith.constant 0 : i32
        %dma_start3A_187 = tpu.memref_slice %arg4[%dma_start3A_186] : memref<20000xf32, #tpu.memory_space<hbm>> -> memref<20000xf32, #tpu.memory_space<hbm>>
        tpu.enqueue_indirect_dma source(%dma_start3A_187 : memref<20000xf32, #tpu.memory_space<hbm>>) target(%arg21 : memref<4000xf32, #tpu.memory_space<vmem>>) offsets(%dma_start3A : memref<4000xi32, #tpu.memory_space<vmem>>) semaphore(%arg27 : memref<!tpu.dma_semaphore, #tpu.memory_space<semaphore_mem>>)
        %dma_start3A_188 = tpu.memref_slice %arg17[%mul3A_185] : memref<20064xi32, #tpu.memory_space<vmem>> -> memref<4000xi32, #tpu.memory_space<vmem>>
        %dma_start3A_189 = arith.constant 0 : i32
        %dma_start3A_190 = tpu.memref_slice %arg5[%dma_start3A_189] : memref<20000xf32, #tpu.memory_space<hbm>> -> memref<20000xf32, #tpu.memory_space<hbm>>
        tpu.enqueue_indirect_dma source(%dma_start3A_190 : memref<20000xf32, #tpu.memory_space<hbm>>) target(%arg22 : memref<4000xf32, #tpu.memory_space<vmem>>) offsets(%dma_start3A_188 : memref<4000xi32, #tpu.memory_space<vmem>>) semaphore(%arg28 : memref<!tpu.dma_semaphore, #tpu.memory_space<semaphore_mem>>)
        %dma_start3A_191 = tpu.memref_slice %arg17[%mul3A_185] : memref<20064xi32, #tpu.memory_space<vmem>> -> memref<4000xi32, #tpu.memory_space<vmem>>
        %dma_start3A_192 = arith.constant 0 : i32
        %dma_start3A_193 = tpu.memref_slice %arg6[%dma_start3A_192] : memref<20000xf32, #tpu.memory_space<hbm>> -> memref<20000xf32, #tpu.memory_space<hbm>>
        tpu.enqueue_indirect_dma source(%dma_start3A_193 : memref<20000xf32, #tpu.memory_space<hbm>>) target(%arg23 : memref<4000xf32, #tpu.memory_space<vmem>>) offsets(%dma_start3A_191 : memref<4000xi32, #tpu.memory_space<vmem>>) semaphore(%arg29 : memref<!tpu.dma_semaphore, #tpu.memory_space<semaphore_mem>>)
        %dma_start3A_194 = tpu.memref_slice %arg17[%mul3A_185] : memref<20064xi32, #tpu.memory_space<vmem>> -> memref<4000xi32, #tpu.memory_space<vmem>>
        %dma_start3A_195 = arith.constant 0 : i32
        %dma_start3A_196 = tpu.memref_slice %arg7[%dma_start3A_195] : memref<20000xf32, #tpu.memory_space<hbm>> -> memref<20000xf32, #tpu.memory_space<hbm>>
        tpu.enqueue_indirect_dma source(%dma_start3A_196 : memref<20000xf32, #tpu.memory_space<hbm>>) target(%arg24 : memref<4000xf32, #tpu.memory_space<vmem>>) offsets(%dma_start3A_194 : memref<4000xi32, #tpu.memory_space<vmem>>) semaphore(%arg30 : memref<!tpu.dma_semaphore, #tpu.memory_space<semaphore_mem>>)
        %mul3A_197 = arith.constant 4000 : i32
        %mul3A_198 = arith.muli %scan3A_182, %mul3A_197 : i32
        %lt3A_199 = arith.cmpi slt, %mul3A_198, %min3A_167 : i32
        %mul3A_200 = arith.constant 4000 : i32
        %mul3A_201 = arith.muli %scan3A_182, %mul3A_200 : i32
        %convert_element_type3A_202 = arith.extui %lt3A_199 : i1 to i32
        %cond3A_203 = arith.constant 0 : i32
        %cond3A_204 = arith.cmpi ne, %convert_element_type3A_202, %cond3A_203 : i32
        scf.if %cond3A_204 {
          %dma_start3A_221 = tpu.memref_slice %arg17[%mul3A_185] : memref<20064xi32, #tpu.memory_space<vmem>> -> memref<4000xi32, #tpu.memory_space<vmem>>
          %dma_start3A_222 = arith.constant 0 : i32
          %dma_start3A_223 = tpu.memref_slice %arg8[%dma_start3A_222] : memref<20000xi32, #tpu.memory_space<hbm>> -> memref<20000xi32, #tpu.memory_space<hbm>>
          tpu.enqueue_indirect_dma source(%dma_start3A_223 : memref<20000xi32, #tpu.memory_space<hbm>>) target(%arg25 : memref<4000xi32, #tpu.memory_space<vmem>>) offsets(%dma_start3A_221 : memref<4000xi32, #tpu.memory_space<vmem>>) semaphore(%arg31 : memref<!tpu.dma_semaphore, #tpu.memory_space<semaphore_mem>>)
          %dma_wait3A_224 = tpu.memref_slice %arg17[%mul3A_185] : memref<20064xi32, #tpu.memory_space<vmem>> -> memref<4000xi32, #tpu.memory_space<vmem>>
          %dma_wait3A_225 = arith.constant 0 : i32
          %dma_wait3A_226 = tpu.memref_slice %arg8[%dma_wait3A_225] : memref<20000xi32, #tpu.memory_space<hbm>> -> memref<20000xi32, #tpu.memory_space<hbm>>
          tpu.wait_indirect_dma semaphore(%arg31 : memref<!tpu.dma_semaphore, #tpu.memory_space<semaphore_mem>>) src(%dma_wait3A_226 : memref<20000xi32, #tpu.memory_space<hbm>>) dst(%arg25 : memref<4000xi32, #tpu.memory_space<vmem>>)
          %scan3A_227 = arith.constant 0 : i32
          %scan3A_228 = arith.constant 0 : i32
          %scan3A_229 = arith.constant 250 : i32
          %scan3A_230 = arith.addi %scan3A_228, %scan3A_229 : i32
          %scan3A_231 = arith.constant 1 : i32
          %scan3A_232 = scf.for %scan3A_234 = %scan3A_228 to %scan3A_230 step %scan3A_231 iter_args(%scan3A_235 = %scan3A_227) -> (i32)  : i32 {
            %mul3A_236 = arith.constant 4000 : i32
            %mul3A_237 = arith.muli %scan3A_182, %mul3A_236 : i32
            %mul3A_238 = arith.constant 16 : i32
            %mul3A_239 = arith.muli %scan3A_234, %mul3A_238 : i32
            %add3A_240 = arith.addi %mul3A_237, %mul3A_239 : i32
            %add3A_241 = vector.broadcast %add3A_240 : i32 to vector<16xi32>
            %add3A_242 = arith.addi %iota3A, %add3A_241 : vector<16xi32>
            %mul3A_243 = arith.constant 16 : i32
            %mul3A_244 = arith.muli %scan3A_234, %mul3A_243 : i32
            %get3A_245 = arith.index_cast %mul3A_244 : i32 to index
            %get3A_246 = tpu.vector_load %arg25[%get3A_245] {strides = array<i32>} : memref<4000xi32, #tpu.memory_space<vmem>>, vector<16xi32>,
            %lt3A_247 = vector.broadcast %min3A_167 : i32 to vector<16xi32>
            %lt3A_248 = arith.cmpi slt, %add3A_242, %lt3A_247 : vector<16xi32>
            %jit3A_249 = arith.constant 0 : i32
            %broadcast_in_dim3A_250 = vector.broadcast %jit3A_249 : i32 to vector<16xi32>
            %select_n3A_251 = arith.select %lt3A_248, %get3A_246, %broadcast_in_dim3A_250 : vector<16xi1>, vector<16xi32>
            %mul3A_252 = arith.constant 16 : i32
            %mul3A_253 = arith.muli %scan3A_234, %mul3A_252 : i32
            %swap3A_254 = arith.index_cast %mul3A_253 : i32 to index
            %swap3A_255 = tpu.vector_load %arg25[%swap3A_254] {strides = array<i32>} : memref<4000xi32, #tpu.memory_space<vmem>>, vector<16xi32>,
            tpu.vector_store %arg25[%swap3A_254], %select_n3A_251 {strides = array<i32>} : memref<4000xi32, #tpu.memory_space<vmem>>, vector<16xi32>,
            %scan3A_256 = arith.constant 0 : i32
            scf.yield %scan3A_256 : i32
          }
          %scan3A_233 = arith.constant 250 : i32
          "tpu.region"() ({
            %run_scoped3A = tpu.sem_alloc : memref<!tpu.dma_semaphore, #tpu.memory_space<semaphore_mem>>
            %dma_start3A_234 = tpu.memref_slice %arg13[%mul3A_201] : memref<20000xi32, #tpu.memory_space<hbm>> -> memref<4000xi32, #tpu.memory_space<hbm>>
            %dma_start3A_235 = tpu.memref_slice %arg13[%mul3A_201] : memref<20000xi32, #tpu.memory_space<hbm>> -> memref<4000xi32, #tpu.memory_space<hbm>>
            tpu.enqueue_dma source(%arg25 : memref<4000xi32, #tpu.memory_space<vmem>>) target(%dma_start3A_235 : memref<4000xi32, #tpu.memory_space<hbm>>) target_semaphore(%run_scoped3A : memref<!tpu.dma_semaphore, #tpu.memory_space<semaphore_mem>>)
            %dma_wait3A_236 = tpu.memref_slice %arg13[%mul3A_201] : memref<20000xi32, #tpu.memory_space<hbm>> -> memref<4000xi32, #tpu.memory_space<hbm>>
            %dma_wait3A_237 = tpu.memref_slice %arg13[%mul3A_201] : memref<20000xi32, #tpu.memory_space<hbm>> -> memref<4000xi32, #tpu.memory_space<hbm>>
            tpu.wait_dma2 semaphore(%run_scoped3A : memref<!tpu.dma_semaphore, #tpu.memory_space<semaphore_mem>>) src(%arg25 : memref<4000xi32, #tpu.memory_space<vmem>>) dst(%dma_wait3A_237 : memref<4000xi32, #tpu.memory_space<hbm>>)
            tpu.yield
          }) : () -> ()
        } else {
        }
        %not3A = arith.constant true
        %not3A_205 = arith.xori %lt3A_199, %not3A : i1
        %convert_element_type3A_206 = arith.extui %not3A_205 : i1 to i32
        %cond3A_207 = arith.constant 0 : i32
        %cond3A_208 = arith.cmpi ne, %convert_element_type3A_206, %cond3A_207 : i32
        scf.if %cond3A_208 {
          "tpu.region"() ({
            %run_scoped3A = tpu.sem_alloc : memref<!tpu.dma_semaphore, #tpu.memory_space<semaphore_mem>>
            %dma_start3A_221 = tpu.memref_slice %arg13[%mul3A_201] : memref<20000xi32, #tpu.memory_space<hbm>> -> memref<4000xi32, #tpu.memory_space<hbm>>
            %dma_start3A_222 = tpu.memref_slice %arg13[%mul3A_201] : memref<20000xi32, #tpu.memory_space<hbm>> -> memref<4000xi32, #tpu.memory_space<hbm>>
            tpu.enqueue_dma source(%arg26 : memref<4000xi32, #tpu.memory_space<vmem>>) target(%dma_start3A_222 : memref<4000xi32, #tpu.memory_space<hbm>>) target_semaphore(%run_scoped3A : memref<!tpu.dma_semaphore, #tpu.memory_space<semaphore_mem>>)
            %dma_wait3A_223 = tpu.memref_slice %arg13[%mul3A_201] : memref<20000xi32, #tpu.memory_space<hbm>> -> memref<4000xi32, #tpu.memory_space<hbm>>
            %dma_wait3A_224 = tpu.memref_slice %arg13[%mul3A_201] : memref<20000xi32, #tpu.memory_space<hbm>> -> memref<4000xi32, #tpu.memory_space<hbm>>
            tpu.wait_dma2 semaphore(%run_scoped3A : memref<!tpu.dma_semaphore, #tpu.memory_space<semaphore_mem>>) src(%arg26 : memref<4000xi32, #tpu.memory_space<vmem>>) dst(%dma_wait3A_224 : memref<4000xi32, #tpu.memory_space<hbm>>)
            tpu.yield
          }) : () -> ()
        } else {
        }
        %dma_wait3A = tpu.memref_slice %arg17[%mul3A_185] : memref<20064xi32, #tpu.memory_space<vmem>> -> memref<4000xi32, #tpu.memory_space<vmem>>
        %dma_wait3A_209 = arith.constant 0 : i32
        %dma_wait3A_210 = tpu.memref_slice %arg4[%dma_wait3A_209] : memref<20000xf32, #tpu.memory_space<hbm>> -> memref<20000xf32, #tpu.memory_space<hbm>>
        tpu.wait_indirect_dma semaphore(%arg27 : memref<!tpu.dma_semaphore, #tpu.memory_space<semaphore_mem>>) src(%dma_wait3A_210 : memref<20000xf32, #tpu.memory_space<hbm>>) dst(%arg21 : memref<4000xf32, #tpu.memory_space<vmem>>)
        %dma_wait3A_211 = tpu.memref_slice %arg17[%mul3A_185] : memref<20064xi32, #tpu.memory_space<vmem>> -> memref<4000xi32, #tpu.memory_space<vmem>>
        %dma_wait3A_212 = arith.constant 0 : i32
        %dma_wait3A_213 = tpu.memref_slice %arg5[%dma_wait3A_212] : memref<20000xf32, #tpu.memory_space<hbm>> -> memref<20000xf32, #tpu.memory_space<hbm>>
        tpu.wait_indirect_dma semaphore(%arg28 : memref<!tpu.dma_semaphore, #tpu.memory_space<semaphore_mem>>) src(%dma_wait3A_213 : memref<20000xf32, #tpu.memory_space<hbm>>) dst(%arg22 : memref<4000xf32, #tpu.memory_space<vmem>>)
        %dma_wait3A_214 = tpu.memref_slice %arg17[%mul3A_185] : memref<20064xi32, #tpu.memory_space<vmem>> -> memref<4000xi32, #tpu.memory_space<vmem>>
        %dma_wait3A_215 = arith.constant 0 : i32
        %dma_wait3A_216 = tpu.memref_slice %arg6[%dma_wait3A_215] : memref<20000xf32, #tpu.memory_space<hbm>> -> memref<20000xf32, #tpu.memory_space<hbm>>
        tpu.wait_indirect_dma semaphore(%arg29 : memref<!tpu.dma_semaphore, #tpu.memory_space<semaphore_mem>>) src(%dma_wait3A_216 : memref<20000xf32, #tpu.memory_space<hbm>>) dst(%arg23 : memref<4000xf32, #tpu.memory_space<vmem>>)
        %dma_wait3A_217 = tpu.memref_slice %arg17[%mul3A_185] : memref<20064xi32, #tpu.memory_space<vmem>> -> memref<4000xi32, #tpu.memory_space<vmem>>
        %dma_wait3A_218 = arith.constant 0 : i32
        %dma_wait3A_219 = tpu.memref_slice %arg7[%dma_wait3A_218] : memref<20000xf32, #tpu.memory_space<hbm>> -> memref<20000xf32, #tpu.memory_space<hbm>>
        tpu.wait_indirect_dma semaphore(%arg30 : memref<!tpu.dma_semaphore, #tpu.memory_space<semaphore_mem>>) src(%dma_wait3A_219 : memref<20000xf32, #tpu.memory_space<hbm>>) dst(%arg24 : memref<4000xf32, #tpu.memory_space<vmem>>)
        "tpu.region"() ({
          %run_scoped3A = tpu.sem_alloc : memref<!tpu.dma_semaphore, #tpu.memory_space<semaphore_mem>>
          %dma_start3A_221 = tpu.memref_slice %arg9[%mul3A_201] : memref<20000xf32, #tpu.memory_space<hbm>> -> memref<4000xf32, #tpu.memory_space<hbm>>
          %dma_start3A_222 = tpu.memref_slice %arg9[%mul3A_201] : memref<20000xf32, #tpu.memory_space<hbm>> -> memref<4000xf32, #tpu.memory_space<hbm>>
          tpu.enqueue_dma source(%arg21 : memref<4000xf32, #tpu.memory_space<vmem>>) target(%dma_start3A_222 : memref<4000xf32, #tpu.memory_space<hbm>>) target_semaphore(%run_scoped3A : memref<!tpu.dma_semaphore, #tpu.memory_space<semaphore_mem>>)
          %dma_wait3A_223 = tpu.memref_slice %arg9[%mul3A_201] : memref<20000xf32, #tpu.memory_space<hbm>> -> memref<4000xf32, #tpu.memory_space<hbm>>
          %dma_wait3A_224 = tpu.memref_slice %arg9[%mul3A_201] : memref<20000xf32, #tpu.memory_space<hbm>> -> memref<4000xf32, #tpu.memory_space<hbm>>
          tpu.wait_dma2 semaphore(%run_scoped3A : memref<!tpu.dma_semaphore, #tpu.memory_space<semaphore_mem>>) src(%arg21 : memref<4000xf32, #tpu.memory_space<vmem>>) dst(%dma_wait3A_224 : memref<4000xf32, #tpu.memory_space<hbm>>)
          tpu.yield
        }) : () -> ()
        "tpu.region"() ({
          %run_scoped3A = tpu.sem_alloc : memref<!tpu.dma_semaphore, #tpu.memory_space<semaphore_mem>>
          %dma_start3A_221 = tpu.memref_slice %arg10[%mul3A_201] : memref<20000xf32, #tpu.memory_space<hbm>> -> memref<4000xf32, #tpu.memory_space<hbm>>
          %dma_start3A_222 = tpu.memref_slice %arg10[%mul3A_201] : memref<20000xf32, #tpu.memory_space<hbm>> -> memref<4000xf32, #tpu.memory_space<hbm>>
          tpu.enqueue_dma source(%arg22 : memref<4000xf32, #tpu.memory_space<vmem>>) target(%dma_start3A_222 : memref<4000xf32, #tpu.memory_space<hbm>>) target_semaphore(%run_scoped3A : memref<!tpu.dma_semaphore, #tpu.memory_space<semaphore_mem>>)
          %dma_wait3A_223 = tpu.memref_slice %arg10[%mul3A_201] : memref<20000xf32, #tpu.memory_space<hbm>> -> memref<4000xf32, #tpu.memory_space<hbm>>
          %dma_wait3A_224 = tpu.memref_slice %arg10[%mul3A_201] : memref<20000xf32, #tpu.memory_space<hbm>> -> memref<4000xf32, #tpu.memory_space<hbm>>
          tpu.wait_dma2 semaphore(%run_scoped3A : memref<!tpu.dma_semaphore, #tpu.memory_space<semaphore_mem>>) src(%arg22 : memref<4000xf32, #tpu.memory_space<vmem>>) dst(%dma_wait3A_224 : memref<4000xf32, #tpu.memory_space<hbm>>)
          tpu.yield
        }) : () -> ()
        "tpu.region"() ({
          %run_scoped3A = tpu.sem_alloc : memref<!tpu.dma_semaphore, #tpu.memory_space<semaphore_mem>>
          %dma_start3A_221 = tpu.memref_slice %arg11[%mul3A_201] : memref<20000xf32, #tpu.memory_space<hbm>> -> memref<4000xf32, #tpu.memory_space<hbm>>
          %dma_start3A_222 = tpu.memref_slice %arg11[%mul3A_201] : memref<20000xf32, #tpu.memory_space<hbm>> -> memref<4000xf32, #tpu.memory_space<hbm>>
          tpu.enqueue_dma source(%arg23 : memref<4000xf32, #tpu.memory_space<vmem>>) target(%dma_start3A_222 : memref<4000xf32, #tpu.memory_space<hbm>>) target_semaphore(%run_scoped3A : memref<!tpu.dma_semaphore, #tpu.memory_space<semaphore_mem>>)
          %dma_wait3A_223 = tpu.memref_slice %arg11[%mul3A_201] : memref<20000xf32, #tpu.memory_space<hbm>> -> memref<4000xf32, #tpu.memory_space<hbm>>
          %dma_wait3A_224 = tpu.memref_slice %arg11[%mul3A_201] : memref<20000xf32, #tpu.memory_space<hbm>> -> memref<4000xf32, #tpu.memory_space<hbm>>
          tpu.wait_dma2 semaphore(%run_scoped3A : memref<!tpu.dma_semaphore, #tpu.memory_space<semaphore_mem>>) src(%arg23 : memref<4000xf32, #tpu.memory_space<vmem>>) dst(%dma_wait3A_224 : memref<4000xf32, #tpu.memory_space<hbm>>)
          tpu.yield
        }) : () -> ()
        "tpu.region"() ({
          %run_scoped3A = tpu.sem_alloc : memref<!tpu.dma_semaphore, #tpu.memory_space<semaphore_mem>>
          %dma_start3A_221 = tpu.memref_slice %arg12[%mul3A_201] : memref<20000xf32, #tpu.memory_space<hbm>> -> memref<4000xf32, #tpu.memory_space<hbm>>
          %dma_start3A_222 = tpu.memref_slice %arg12[%mul3A_201] : memref<20000xf32, #tpu.memory_space<hbm>> -> memref<4000xf32, #tpu.memory_space<hbm>>
          tpu.enqueue_dma source(%arg24 : memref<4000xf32, #tpu.memory_space<vmem>>) target(%dma_start3A_222 : memref<4000xf32, #tpu.memory_space<hbm>>) target_semaphore(%run_scoped3A : memref<!tpu.dma_semaphore, #tpu.memory_space<semaphore_mem>>)
          %dma_wait3A_223 = tpu.memref_slice %arg12[%mul3A_201] : memref<20000xf32, #tpu.memory_space<hbm>> -> memref<4000xf32, #tpu.memory_space<hbm>>
          %dma_wait3A_224 = tpu.memref_slice %arg12[%mul3A_201] : memref<20000xf32, #tpu.memory_space<hbm>> -> memref<4000xf32, #tpu.memory_space<hbm>>
          tpu.wait_dma2 semaphore(%run_scoped3A : memref<!tpu.dma_semaphore, #tpu.memory_space<semaphore_mem>>) src(%arg24 : memref<4000xf32, #tpu.memory_space<vmem>>) dst(%dma_wait3A_224 : memref<4000xf32, #tpu.memory_space<hbm>>)
          tpu.yield
        }) : () -> ()
        %scan3A_220 = arith.constant 0 : i32
        scf.yield %scan3A_220 : i32
      }
      %scan3A_181 = arith.constant 5 : i32
    } else {
    }
    return
  }
}

module attributes {stable_mosaic.version = 14 : i64} {
  func.func @_tc_body(%arg0: i32, %arg1: memref<4x2048xf32, #tpu.memory_space<vmem>>, %arg2: memref<128x8xf32, #tpu.memory_space<vmem>>, %arg3: memref<1x2048xf32, #tpu.memory_space<vmem>>, %arg4: memref<1x2048xf32, #tpu.memory_space<vmem>>, %arg5: memref<1x2048xf32, #tpu.memory_space<vmem>>, %arg6: memref<1x2048xf32, #tpu.memory_space<vmem>>, %arg7: memref<1x2048xi32, #tpu.memory_space<vmem>>, %arg8: memref<1x2048xi32, #tpu.memory_space<vmem>>) attributes {dimension_semantics = [#tpu.dimension_semantics<arbitrary>], iteration_bounds = array<i64: 10>, scalar_prefetch = 0 : i64, scratch_operands = 0 : i64, tpu.core_type = #tpu.core_type<tc>, window_params = [{transform_indices = @transform_0, window_bounds = array<i64: 4, 2048>}, {pipeline_mode = #tpu.pipeline_mode<synchronous>, transform_indices = @transform_1, window_bounds = array<i64: 128, 8>}, {transform_indices = @transform_2, window_bounds = array<i64: 1, 2048>}, {transform_indices = @transform_3, window_bounds = array<i64: 1, 2048>}, {transform_indices = @transform_4, window_bounds = array<i64: 1, 2048>}, {transform_indices = @transform_5, window_bounds = array<i64: 1, 2048>}, {transform_indices = @transform_6, window_bounds = array<i64: 1, 2048>}, {transform_indices = @transform_7, window_bounds = array<i64: 1, 2048>}]} {
    %get3A = arith.constant 0 : index
    %get3A_0 = arith.constant 0 : index
    %get3A_1 = vector.load %arg1[%get3A, %get3A_0] : memref<4x2048xf32, #tpu.memory_space<vmem>>, vector<4x2048xf32>
    %slice3A = vector.extract_strided_slice %get3A_1 {offsets = [0, 0], sizes = [1, 2048], strides = [1, 1]} : vector<4x2048xf32> to vector<1x2048xf32>
    %slice3A_2 = vector.extract_strided_slice %get3A_1 {offsets = [1, 0], sizes = [1, 2048], strides = [1, 1]} : vector<4x2048xf32> to vector<1x2048xf32>
    %slice3A_3 = vector.extract_strided_slice %get3A_1 {offsets = [2, 0], sizes = [1, 2048], strides = [1, 1]} : vector<4x2048xf32> to vector<1x2048xf32>
    %slice3A_4 = vector.extract_strided_slice %get3A_1 {offsets = [3, 0], sizes = [1, 2048], strides = [1, 1]} : vector<4x2048xf32> to vector<1x2048xf32>
    %get3A_5 = arith.constant 0 : index
    %get3A_6 = arith.constant 0 : index
    %get3A_7 = vector.load %arg2[%get3A_5, %get3A_6] : memref<128x8xf32, #tpu.memory_space<vmem>>, vector<128x8xf32>
    %slice3A_8 = vector.extract_strided_slice %get3A_7 {offsets = [0, 0], sizes = [128, 1], strides = [1, 1]} : vector<128x8xf32> to vector<128x1xf32>
    %slice3A_9 = vector.extract_strided_slice %get3A_7 {offsets = [0, 1], sizes = [128, 1], strides = [1, 1]} : vector<128x8xf32> to vector<128x1xf32>
    %slice3A_10 = vector.extract_strided_slice %get3A_7 {offsets = [0, 2], sizes = [128, 1], strides = [1, 1]} : vector<128x8xf32> to vector<128x1xf32>
    %slice3A_11 = vector.extract_strided_slice %get3A_7 {offsets = [0, 3], sizes = [128, 1], strides = [1, 1]} : vector<128x8xf32> to vector<128x1xf32>
    %max3A = vector.broadcast %slice3A : vector<1x2048xf32> to vector<128x2048xf32>
    %max3A_12 = vector.broadcast %slice3A_8 : vector<128x1xf32> to vector<128x2048xf32>
    %max3A_13 = arith.maximumf %max3A, %max3A_12 : vector<128x2048xf32>
    %max3A_14 = vector.broadcast %slice3A_2 : vector<1x2048xf32> to vector<128x2048xf32>
    %max3A_15 = vector.broadcast %slice3A_9 : vector<128x1xf32> to vector<128x2048xf32>
    %max3A_16 = arith.maximumf %max3A_14, %max3A_15 : vector<128x2048xf32>
    %min3A = vector.broadcast %slice3A_3 : vector<1x2048xf32> to vector<128x2048xf32>
    %min3A_17 = vector.broadcast %slice3A_10 : vector<128x1xf32> to vector<128x2048xf32>
    %min3A_18 = arith.minimumf %min3A, %min3A_17 : vector<128x2048xf32>
    %min3A_19 = vector.broadcast %slice3A_4 : vector<1x2048xf32> to vector<128x2048xf32>
    %min3A_20 = vector.broadcast %slice3A_11 : vector<128x1xf32> to vector<128x2048xf32>
    %min3A_21 = arith.minimumf %min3A_19, %min3A_20 : vector<128x2048xf32>
    %sub3A = arith.subf %min3A_18, %max3A_13 : vector<128x2048xf32>
    %max3A_22 = arith.constant 0.000000e+00 : f32
    %max3A_23 = vector.broadcast %max3A_22 : f32 to vector<128x2048xf32>
    %max3A_24 = arith.maximumf %sub3A, %max3A_23 : vector<128x2048xf32>
    %sub3A_25 = arith.subf %min3A_21, %max3A_16 : vector<128x2048xf32>
    %max3A_26 = arith.constant 0.000000e+00 : f32
    %max3A_27 = vector.broadcast %max3A_26 : f32 to vector<128x2048xf32>
    %max3A_28 = arith.maximumf %sub3A_25, %max3A_27 : vector<128x2048xf32>
    %mul3A = arith.mulf %max3A_24, %max3A_28 : vector<128x2048xf32>
    %sub3A_29 = arith.subf %slice3A_3, %slice3A : vector<1x2048xf32>
    %sub3A_30 = arith.subf %slice3A_4, %slice3A_2 : vector<1x2048xf32>
    %mul3A_31 = arith.mulf %sub3A_29, %sub3A_30 : vector<1x2048xf32>
    %sub3A_32 = arith.subf %slice3A_10, %slice3A_8 : vector<128x1xf32>
    %sub3A_33 = arith.subf %slice3A_11, %slice3A_9 : vector<128x1xf32>
    %mul3A_34 = arith.mulf %sub3A_32, %sub3A_33 : vector<128x1xf32>
    %add3A = vector.broadcast %mul3A_31 : vector<1x2048xf32> to vector<128x2048xf32>
    %add3A_35 = vector.broadcast %mul3A_34 : vector<128x1xf32> to vector<128x2048xf32>
    %add3A_36 = arith.addf %add3A, %add3A_35 : vector<128x2048xf32>
    %sub3A_37 = arith.subf %add3A_36, %mul3A : vector<128x2048xf32>
    %max3A_38 = arith.constant 9.99999993E-9 : f32
    %max3A_39 = vector.broadcast %max3A_38 : f32 to vector<128x2048xf32>
    %max3A_40 = arith.maximumf %sub3A_37, %max3A_39 : vector<128x2048xf32>
    %div3A = arith.divf %mul3A, %max3A_40 : vector<128x2048xf32>
    %reduce_max3A = arith.constant dense<0xFF800000> : vector<2048xf32>
    %reduce_max3A_41 = vector.multi_reduction <maximumf>, %div3A, %reduce_max3A [0] : vector<128x2048xf32> to vector<2048xf32>
    %broadcast_in_dim3A = vector.shape_cast %reduce_max3A_41 : vector<2048xf32> to vector<1x2048xf32>
    %iota3A = tpu.iota {dimensions = array<i32: 0>} : vector<128x2048xi32>
    %convert_element_type3A = arith.sitofp %iota3A : vector<128x2048xi32> to vector<128x2048xf32>
    %eq3A = vector.broadcast %broadcast_in_dim3A : vector<1x2048xf32> to vector<128x2048xf32>
    %eq3A_42 = arith.cmpf oeq, %div3A, %eq3A : vector<128x2048xf32>
    %jit3A = arith.constant 1.280000e+02 : f32
    %broadcast_in_dim3A_43 = vector.broadcast %jit3A : f32 to vector<128x2048xf32>
    %select_n3A = arith.select %eq3A_42, %convert_element_type3A, %broadcast_in_dim3A_43 : vector<128x2048xi1>, vector<128x2048xf32>
    %reduce_min3A = arith.constant dense<0x7F800000> : vector<2048xf32>
    %reduce_min3A_44 = vector.multi_reduction <minimumf>, %select_n3A, %reduce_min3A [0] : vector<128x2048xf32> to vector<2048xf32>
    %broadcast_in_dim3A_45 = vector.shape_cast %reduce_min3A_44 : vector<2048xf32> to vector<1x2048xf32>
    %eq3A_46 = vector.broadcast %broadcast_in_dim3A_45 : vector<1x2048xf32> to vector<128x2048xf32>
    %eq3A_47 = arith.cmpf oeq, %convert_element_type3A, %eq3A_46 : vector<128x2048xf32>
    %slice3A_48 = vector.extract_strided_slice %get3A_7 {offsets = [0, 0], sizes = [128, 1], strides = [1, 1]} : vector<128x8xf32> to vector<128x1xf32>
    %jit3A_49 = arith.constant 0.000000e+00 : f32
    %broadcast_in_dim3A_50 = vector.shape_cast %slice3A_48 : vector<128x1xf32> to vector<128x1xf32>
    %broadcast_in_dim3A_51 = vector.broadcast %broadcast_in_dim3A_50 : vector<128x1xf32> to vector<128x2048xf32>
    %broadcast_in_dim3A_52 = vector.broadcast %jit3A_49 : f32 to vector<128x2048xf32>
    %select_n3A_53 = arith.select %eq3A_47, %broadcast_in_dim3A_51, %broadcast_in_dim3A_52 : vector<128x2048xi1>, vector<128x2048xf32>
    %reduce_sum3A = arith.constant dense<0.000000e+00> : vector<2048xf32>
    %reduce_sum3A_54 = vector.multi_reduction <add>, %select_n3A_53, %reduce_sum3A [0] : vector<128x2048xf32> to vector<2048xf32>
    %broadcast_in_dim3A_55 = vector.shape_cast %reduce_sum3A_54 : vector<2048xf32> to vector<1x2048xf32>
    %slice3A_56 = vector.extract_strided_slice %get3A_7 {offsets = [0, 1], sizes = [128, 1], strides = [1, 1]} : vector<128x8xf32> to vector<128x1xf32>
    %jit3A_57 = arith.constant 0.000000e+00 : f32
    %broadcast_in_dim3A_58 = vector.shape_cast %slice3A_56 : vector<128x1xf32> to vector<128x1xf32>
    %broadcast_in_dim3A_59 = vector.broadcast %broadcast_in_dim3A_58 : vector<128x1xf32> to vector<128x2048xf32>
    %broadcast_in_dim3A_60 = vector.broadcast %jit3A_57 : f32 to vector<128x2048xf32>
    %select_n3A_61 = arith.select %eq3A_47, %broadcast_in_dim3A_59, %broadcast_in_dim3A_60 : vector<128x2048xi1>, vector<128x2048xf32>
    %reduce_sum3A_62 = arith.constant dense<0.000000e+00> : vector<2048xf32>
    %reduce_sum3A_63 = vector.multi_reduction <add>, %select_n3A_61, %reduce_sum3A_62 [0] : vector<128x2048xf32> to vector<2048xf32>
    %broadcast_in_dim3A_64 = vector.shape_cast %reduce_sum3A_63 : vector<2048xf32> to vector<1x2048xf32>
    %slice3A_65 = vector.extract_strided_slice %get3A_7 {offsets = [0, 2], sizes = [128, 1], strides = [1, 1]} : vector<128x8xf32> to vector<128x1xf32>
    %jit3A_66 = arith.constant 0.000000e+00 : f32
    %broadcast_in_dim3A_67 = vector.shape_cast %slice3A_65 : vector<128x1xf32> to vector<128x1xf32>
    %broadcast_in_dim3A_68 = vector.broadcast %broadcast_in_dim3A_67 : vector<128x1xf32> to vector<128x2048xf32>
    %broadcast_in_dim3A_69 = vector.broadcast %jit3A_66 : f32 to vector<128x2048xf32>
    %select_n3A_70 = arith.select %eq3A_47, %broadcast_in_dim3A_68, %broadcast_in_dim3A_69 : vector<128x2048xi1>, vector<128x2048xf32>
    %reduce_sum3A_71 = arith.constant dense<0.000000e+00> : vector<2048xf32>
    %reduce_sum3A_72 = vector.multi_reduction <add>, %select_n3A_70, %reduce_sum3A_71 [0] : vector<128x2048xf32> to vector<2048xf32>
    %broadcast_in_dim3A_73 = vector.shape_cast %reduce_sum3A_72 : vector<2048xf32> to vector<1x2048xf32>
    %slice3A_74 = vector.extract_strided_slice %get3A_7 {offsets = [0, 3], sizes = [128, 1], strides = [1, 1]} : vector<128x8xf32> to vector<128x1xf32>
    %jit3A_75 = arith.constant 0.000000e+00 : f32
    %broadcast_in_dim3A_76 = vector.shape_cast %slice3A_74 : vector<128x1xf32> to vector<128x1xf32>
    %broadcast_in_dim3A_77 = vector.broadcast %broadcast_in_dim3A_76 : vector<128x1xf32> to vector<128x2048xf32>
    %broadcast_in_dim3A_78 = vector.broadcast %jit3A_75 : f32 to vector<128x2048xf32>
    %select_n3A_79 = arith.select %eq3A_47, %broadcast_in_dim3A_77, %broadcast_in_dim3A_78 : vector<128x2048xi1>, vector<128x2048xf32>
    %reduce_sum3A_80 = arith.constant dense<0.000000e+00> : vector<2048xf32>
    %reduce_sum3A_81 = vector.multi_reduction <add>, %select_n3A_79, %reduce_sum3A_80 [0] : vector<128x2048xf32> to vector<2048xf32>
    %broadcast_in_dim3A_82 = vector.shape_cast %reduce_sum3A_81 : vector<2048xf32> to vector<1x2048xf32>
    %slice3A_83 = vector.extract_strided_slice %get3A_7 {offsets = [0, 4], sizes = [128, 1], strides = [1, 1]} : vector<128x8xf32> to vector<128x1xf32>
    %jit3A_84 = arith.constant 0.000000e+00 : f32
    %broadcast_in_dim3A_85 = vector.shape_cast %slice3A_83 : vector<128x1xf32> to vector<128x1xf32>
    %broadcast_in_dim3A_86 = vector.broadcast %broadcast_in_dim3A_85 : vector<128x1xf32> to vector<128x2048xf32>
    %broadcast_in_dim3A_87 = vector.broadcast %jit3A_84 : f32 to vector<128x2048xf32>
    %select_n3A_88 = arith.select %eq3A_47, %broadcast_in_dim3A_86, %broadcast_in_dim3A_87 : vector<128x2048xi1>, vector<128x2048xf32>
    %reduce_sum3A_89 = arith.constant dense<0.000000e+00> : vector<2048xf32>
    %reduce_sum3A_90 = vector.multi_reduction <add>, %select_n3A_88, %reduce_sum3A_89 [0] : vector<128x2048xf32> to vector<2048xf32>
    %broadcast_in_dim3A_91 = vector.shape_cast %reduce_sum3A_90 : vector<2048xf32> to vector<1x2048xf32>
    %sub3A_92 = arith.subf %slice3A_3, %slice3A : vector<1x2048xf32>
    %sub3A_93 = arith.subf %slice3A_4, %slice3A_2 : vector<1x2048xf32>
    %mul3A_94 = arith.constant 5.000000e-01 : f32
    %mul3A_95 = vector.broadcast %mul3A_94 : f32 to vector<1x2048xf32>
    %mul3A_96 = arith.mulf %mul3A_95, %sub3A_92 : vector<1x2048xf32>
    %add3A_97 = arith.addf %slice3A, %mul3A_96 : vector<1x2048xf32>
    %mul3A_98 = arith.constant 5.000000e-01 : f32
    %mul3A_99 = vector.broadcast %mul3A_98 : f32 to vector<1x2048xf32>
    %mul3A_100 = arith.mulf %mul3A_99, %sub3A_93 : vector<1x2048xf32>
    %add3A_101 = arith.addf %slice3A_2, %mul3A_100 : vector<1x2048xf32>
    %sub3A_102 = arith.subf %broadcast_in_dim3A_73, %broadcast_in_dim3A_55 : vector<1x2048xf32>
    %sub3A_103 = arith.subf %broadcast_in_dim3A_82, %broadcast_in_dim3A_64 : vector<1x2048xf32>
    %mul3A_104 = arith.constant 5.000000e-01 : f32
    %mul3A_105 = vector.broadcast %mul3A_104 : f32 to vector<1x2048xf32>
    %mul3A_106 = arith.mulf %mul3A_105, %sub3A_102 : vector<1x2048xf32>
    %add3A_107 = arith.addf %broadcast_in_dim3A_55, %mul3A_106 : vector<1x2048xf32>
    %mul3A_108 = arith.constant 5.000000e-01 : f32
    %mul3A_109 = vector.broadcast %mul3A_108 : f32 to vector<1x2048xf32>
    %mul3A_110 = arith.mulf %mul3A_109, %sub3A_103 : vector<1x2048xf32>
    %add3A_111 = arith.addf %broadcast_in_dim3A_64, %mul3A_110 : vector<1x2048xf32>
    %max3A_112 = arith.constant 9.99999997E-7 : f32
    %max3A_113 = vector.broadcast %max3A_112 : f32 to vector<1x2048xf32>
    %max3A_114 = arith.maximumf %sub3A_92, %max3A_113 : vector<1x2048xf32>
    %max3A_115 = arith.constant 9.99999997E-7 : f32
    %max3A_116 = vector.broadcast %max3A_115 : f32 to vector<1x2048xf32>
    %max3A_117 = arith.maximumf %sub3A_93, %max3A_116 : vector<1x2048xf32>
    %sub3A_118 = arith.subf %add3A_107, %add3A_97 : vector<1x2048xf32>
    %div3A_119 = arith.divf %sub3A_118, %max3A_114 : vector<1x2048xf32>
    %div3A_120 = arith.constant 1.000000e-01 : f32
    %div3A_121 = vector.broadcast %div3A_120 : f32 to vector<1x2048xf32>
    %div3A_122 = arith.divf %div3A_119, %div3A_121 : vector<1x2048xf32>
    %swap3A = arith.constant 0 : index
    %swap3A_123 = arith.constant 0 : index
    %swap3A_124 = vector.load %arg3[%swap3A, %swap3A_123] : memref<1x2048xf32, #tpu.memory_space<vmem>>, vector<1x2048xf32>
    tpu.vector_store %arg3[%swap3A, %swap3A_123], %div3A_122 {strides = array<i32>} : memref<1x2048xf32, #tpu.memory_space<vmem>>, vector<1x2048xf32>,
    %sub3A_125 = arith.subf %add3A_111, %add3A_101 : vector<1x2048xf32>
    %div3A_126 = arith.divf %sub3A_125, %max3A_117 : vector<1x2048xf32>
    %div3A_127 = arith.constant 1.000000e-01 : f32
    %div3A_128 = vector.broadcast %div3A_127 : f32 to vector<1x2048xf32>
    %div3A_129 = arith.divf %div3A_126, %div3A_128 : vector<1x2048xf32>
    %swap3A_130 = arith.constant 0 : index
    %swap3A_131 = arith.constant 0 : index
    %swap3A_132 = vector.load %arg4[%swap3A_130, %swap3A_131] : memref<1x2048xf32, #tpu.memory_space<vmem>>, vector<1x2048xf32>
    tpu.vector_store %arg4[%swap3A_130, %swap3A_131], %div3A_129 {strides = array<i32>} : memref<1x2048xf32, #tpu.memory_space<vmem>>, vector<1x2048xf32>,
    %max3A_133 = arith.constant 9.99999997E-7 : f32
    %max3A_134 = vector.broadcast %max3A_133 : f32 to vector<1x2048xf32>
    %max3A_135 = arith.maximumf %sub3A_102, %max3A_134 : vector<1x2048xf32>
    %div3A_136 = arith.divf %max3A_135, %max3A_114 : vector<1x2048xf32>
    %log3A = math.log %div3A_136 : vector<1x2048xf32>
    %div3A_137 = arith.constant 2.000000e-01 : f32
    %div3A_138 = vector.broadcast %div3A_137 : f32 to vector<1x2048xf32>
    %div3A_139 = arith.divf %log3A, %div3A_138 : vector<1x2048xf32>
    %swap3A_140 = arith.constant 0 : index
    %swap3A_141 = arith.constant 0 : index
    %swap3A_142 = vector.load %arg5[%swap3A_140, %swap3A_141] : memref<1x2048xf32, #tpu.memory_space<vmem>>, vector<1x2048xf32>
    tpu.vector_store %arg5[%swap3A_140, %swap3A_141], %div3A_139 {strides = array<i32>} : memref<1x2048xf32, #tpu.memory_space<vmem>>, vector<1x2048xf32>,
    %max3A_143 = arith.constant 9.99999997E-7 : f32
    %max3A_144 = vector.broadcast %max3A_143 : f32 to vector<1x2048xf32>
    %max3A_145 = arith.maximumf %sub3A_103, %max3A_144 : vector<1x2048xf32>
    %div3A_146 = arith.divf %max3A_145, %max3A_117 : vector<1x2048xf32>
    %log3A_147 = math.log %div3A_146 : vector<1x2048xf32>
    %div3A_148 = arith.constant 2.000000e-01 : f32
    %div3A_149 = vector.broadcast %div3A_148 : f32 to vector<1x2048xf32>
    %div3A_150 = arith.divf %log3A_147, %div3A_149 : vector<1x2048xf32>
    %swap3A_151 = arith.constant 0 : index
    %swap3A_152 = arith.constant 0 : index
    %swap3A_153 = vector.load %arg6[%swap3A_151, %swap3A_152] : memref<1x2048xf32, #tpu.memory_space<vmem>>, vector<1x2048xf32>
    tpu.vector_store %arg6[%swap3A_151, %swap3A_152], %div3A_150 {strides = array<i32>} : memref<1x2048xf32, #tpu.memory_space<vmem>>, vector<1x2048xf32>,
    %bitcast_convert_type3A = tpu.bitcast %broadcast_in_dim3A : vector<1x2048xf32> -> vector<1x2048xi32>
    %not3A = arith.constant dense<-1> : vector<1x2048xi32>
    %not3A_154 = arith.xori %bitcast_convert_type3A, %not3A : vector<1x2048xi32>
    %swap3A_155 = arith.constant 0 : index
    %swap3A_156 = arith.constant 0 : index
    %swap3A_157 = vector.load %arg7[%swap3A_155, %swap3A_156] : memref<1x2048xi32, #tpu.memory_space<vmem>>, vector<1x2048xi32>
    tpu.vector_store %arg7[%swap3A_155, %swap3A_156], %not3A_154 {strides = array<i32>} : memref<1x2048xi32, #tpu.memory_space<vmem>>, vector<1x2048xi32>,
    %convert_element_type3A_158 = arith.fptosi %broadcast_in_dim3A_91 : vector<1x2048xf32> to vector<1x2048xi32>
    %swap3A_159 = arith.constant 0 : index
    %swap3A_160 = arith.constant 0 : index
    %swap3A_161 = vector.load %arg8[%swap3A_159, %swap3A_160] : memref<1x2048xi32, #tpu.memory_space<vmem>>, vector<1x2048xi32>
    tpu.vector_store %arg8[%swap3A_159, %swap3A_160], %convert_element_type3A_158 {strides = array<i32>} : memref<1x2048xi32, #tpu.memory_space<vmem>>, vector<1x2048xi32>,
    return
  }
  func.func @transform_0(%arg0: i32) -> (i32, i32) {
    %c0_i32 = arith.constant 0 : i32
    %c0_i32_0 = arith.constant 0 : i32
    return %c0_i32, %arg0 : i32, i32
  }
  func.func @transform_1(%arg0: i32) -> (i32, i32) {
    %c0_i32 = arith.constant 0 : i32
    %c0_i32_0 = arith.constant 0 : i32
    %c0_i32_1 = arith.constant 0 : i32
    return %c0_i32, %c0_i32_0 : i32, i32
  }
  func.func @transform_2(%arg0: i32) -> (i32, i32) {
    %c0_i32 = arith.constant 0 : i32
    %c0_i32_0 = arith.constant 0 : i32
    return %c0_i32, %arg0 : i32, i32
  }
  func.func @transform_3(%arg0: i32) -> (i32, i32) {
    %c0_i32 = arith.constant 0 : i32
    %c0_i32_0 = arith.constant 0 : i32
    return %c0_i32, %arg0 : i32, i32
  }
  func.func @transform_4(%arg0: i32) -> (i32, i32) {
    %c0_i32 = arith.constant 0 : i32
    %c0_i32_0 = arith.constant 0 : i32
    return %c0_i32, %arg0 : i32, i32
  }
  func.func @transform_5(%arg0: i32) -> (i32, i32) {
    %c0_i32 = arith.constant 0 : i32
    %c0_i32_0 = arith.constant 0 : i32
    return %c0_i32, %arg0 : i32, i32
  }
  func.func @transform_6(%arg0: i32) -> (i32, i32) {
    %c0_i32 = arith.constant 0 : i32
    %c0_i32_0 = arith.constant 0 : i32
    return %c0_i32, %arg0 : i32, i32
  }
  func.func @transform_7(%arg0: i32) -> (i32, i32) {
    %c0_i32 = arith.constant 0 : i32
    %c0_i32_0 = arith.constant 0 : i32
    return %c0_i32, %arg0 : i32, i32
  }
}

</mosaic_0001>

<sc_bundles>
// kernel: kernel.4.cloned.1.call-start
scs
__scs_entry_jumppad:
0x0: {  	(pc) =	sbr.rel $0x88, $3  }
0x1: {  	(tag) =	ssettag $0x0;
	lr =	simm.s32 $0x1  }
0x2: {  	[smem:$0x3F9E] =	sst lr;
	_ =	strace $0xD0000000  }
0x3: {  	_ = 	snop  }
0x4: {  	_ = 	snop  }
0x5: {  	_ = 	snop  }
0x6: {  	_ = 	snop  }
0x7: {  	_ = 	snop  }
__scs_overlays_trampoline_lowered:
0x8: {  	[smem:$0x3FAD] =	sst s0  }
0x9: {  	[smem:$0x3FAE] =	sst s1  }
0xa: {  	[smem:$0x3FAF] =	sst s2  }
0xb: {  	[smem:$0x3FB0] =	sst s3  }
0xc: {  	[smem:$0x3FB1] =	sst s4  }
0xd: {  	[smem:$0x3FB2] =	sst s5  }
0xe: {  	[smem:$0x3FB3] =	sst s6  }
0xf: {  	[smem:$0x3FB4] =	sst s7  }
0x10: {  	[smem:$0x3FB5] =	sst s8  }
0x11: {  	[smem:$0x3FB6] =	sst s9;
	s0 =	simm.s32 @!p0 $0x0  }
0x12: {  	s1 =	sld [smem:$0x3F9C];
	s0 =	simm.s32 @p0 $0x1  }
0x13: {  	[smem:$0x3FB7] =	sst s0;
	s0 =	simm.s32 @!p1 $0x0  }
0x14: {  	s2 =	sld [smem:$0x3F9B];
	s0 =	simm.s32 @p1 $0x1  }
0x15: {  	[smem:$0x3FB8] =	sst s0;
	s0 =	simm.s32 @!p2 $0x0  }
0x16: {  	s3 =	sld [smem:$0x3FDB];
	s0 =	simm.s32 @p2 $0x1  }
0x17: {  	s4 =	simm.s32 $0x1BF5;
	[smem:$0x3FBA] =	sst s0  }
0x18: {  	s0 =	sld [smem:$0x3F9D];
	_ =	swait.ge [sflag:s4], $0x0  }
0x19: {  	s7 =	sld [smem:$0x3F9E]  }
0x1a: {  	s8 =	sadd.s32 $0xFFFFE003, lr  }
0x1b: {  	s9 =	sadd.s32 $0xFFFFFEF7, lr;
	s5 =	simm.s32 $0xFFFFFFFF;
	p2 =	slt.u32 s8, $0xFFFFF086  }
0x1c: {  	p1 =	slt.u32 s9, $0xF7A;
	s5 =	simm.s32 @!p2 $0x0  }
0x1d: {  	s5 =	simm.s32 @p1 $0x1;
	p0 =	seq.s32 s7, s2  }
0x1e: {  	s7 =	smul.u32 @!p0 $0xF7A, s2;
	p2 =	seq.s32 @!p0 s5, $0x0  }
0x1f: {  	s9 =	smul.u32 $0xF7A, s1;
	s8 =	simm.s32 @!p0 $0x1BF5;
	p2 =	por !p2, p0  }
0x20: {  	[sflag:s8] =	ssyncset.s32 @!p0 $0xFFFFF086;
	s6 =	sadd.s32 @!p0 s3, s7;
	s7 =	simm.s32 @!p0 $0x108  }
0x21: {  	s3 =	sadd.s32 s3, s9;
	s6 =	sadd.s32 @!p0 $0x88, s6;
	s7 =	simm.s32 @p2 $0x1082  }
0x22: {  	[simem:s7], [sflag:s8] =	dma.local @!p0 [hbm:s6], $0xF7A  }
0x23: {  	s9 =	sor.u32 $0xD0000000, s2;
	s6 =	simm.s32 $0x108;
	_ =	swait.ge @!p0 [sflag:s8], $0x0  }
0x24: {  	s3 =	sadd.s32 $0x88, s3;
	s6 =	simm.s32 @!p1 $0x1082;
	[sflag:s4] =	ssyncset.s32 $0xFFFFF086  }
0x25: {  	[simem:s6], [sflag:s4] =	dma.local [hbm:s3], $0xF7A  }
0x26: {  	[smem:$0x3F9E] =	sst s1;
	(tag) =	ssettag s2;
	_ =	strace s9  }
0x27: {  	s1 =	sld [smem:$0x3FAE]  }
0x28: {  	s2 =	sld [smem:$0x3FAF]  }
0x29: {  	s4 =	sld [smem:$0x3FB1]  }
0x2a: {  	p0 =	seq.s32 s5, $0x0;
	s5 =	sld [smem:$0x3FB2]  }
0x2b: {  	s6 =	sld [smem:$0x3FB3]  }
0x2c: {  	s7 =	sld [smem:$0x3FB4]  }
0x2d: {  	s3 =	simm.s32 $0x108;
	s8 =	sld [smem:$0x3FB5]  }
0x2e: {  	s3 =	simm.s32 @!p0 $0x1082;
	s9 =	sld [smem:$0x3FB6]  }
0x2f: {  	lr =	sadd.s32 s0, s3;
	s0 =	sld [smem:$0x3FAD]  }
0x30: {  	s3 =	sld [smem:$0x3FB0]  }
0x31: {  	[smem:$0x3FB9] =	sst s10  }
0x32: {  	s10 =	sld [smem:$0x3FB7];
	_ =	sdelay $0x3  }
0x33: {  	p0 =	seq.s32 s10, $0x1;
	s10 =	sld [smem:$0x3FB9];
	_ =	sdelay $0x3  }
0x34: {  	[smem:$0x3FB9] =	sst s10  }
0x35: {  	s10 =	sld [smem:$0x3FB8];
	_ =	sdelay $0x3  }
0x36: {  	p1 =	seq.s32 s10, $0x1;
	s10 =	sld [smem:$0x3FB9];
	_ =	sdelay $0x3  }
0x37: {  	[smem:$0x3FB9] =	sst s10  }
0x38: {  	s10 =	sld [smem:$0x3FBA]  }
0x39: {  	_ = 	snop;
	(pc) =	sbr.ind lr, $3  }
0x3a: {  	_ = 	snop  }
0x3b: {  	_ = 	snop  }
0x3c: {  	p2 =	seq.s32 s10, $0x1;
	s10 =	sld [smem:$0x3FB9]  }
0x3d: {  	_ =	shalt  }
0x3e: {  	_ =	shalt  }
0x3f: {  	_ =	shalt  }
0x40: {  	_ =	shalt  }
0x41: {  	_ =	shalt  }
0x42: {  	_ =	shalt  }
0x43: {  	_ =	shalt  }
0x44: {  	_ =	shalt  }
0x45: {  	_ =	shalt  }
0x46: {  	_ =	shalt  }
0x47: {  	_ =	shalt  }
0x48: {  	_ =	shalt  }
0x49: {  	_ =	shalt  }
0x4a: {  	_ =	shalt  }
0x4b: {  	_ =	shalt  }
0x4c: {  	_ =	shalt  }
0x4d: {  	_ =	shalt  }
0x4e: {  	_ =	shalt  }
0x4f: {  	_ =	shalt  }
0x50: {  	_ =	shalt  }
0x51: {  	_ =	shalt  }
0x52: {  	_ =	shalt  }
0x53: {  	_ =	shalt  }
0x54: {  	_ =	shalt  }
0x55: {  	_ =	shalt  }
0x56: {  	_ =	shalt  }
0x57: {  	_ =	shalt  }
0x58: {  	_ =	shalt  }
0x59: {  	_ =	shalt  }
0x5a: {  	_ =	shalt  }
0x5b: {  	_ =	shalt  }
0x5c: {  	_ =	shalt  }
0x5d: {  	_ =	shalt  }
0x5e: {  	_ =	shalt  }
0x5f: {  	_ =	shalt  }
0x60: {  	_ =	shalt  }
0x61: {  	_ =	shalt  }
0x62: {  	_ =	shalt  }
0x63: {  	_ =	shalt  }
0x64: {  	_ =	shalt  }
0x65: {  	_ =	shalt  }
0x66: {  	_ =	shalt  }
0x67: {  	_ =	shalt  }
0x68: {  	_ =	shalt  }
0x69: {  	_ =	shalt  }
0x6a: {  	_ =	shalt  }
0x6b: {  	_ =	shalt  }
0x6c: {  	_ =	shalt  }
0x6d: {  	_ =	shalt  }
0x6e: {  	_ =	shalt  }
0x6f: {  	_ =	shalt  }
0x70: {  	_ =	shalt  }
0x71: {  	_ =	shalt  }
0x72: {  	_ =	shalt  }
0x73: {  	_ =	shalt  }
0x74: {  	_ =	shalt  }
0x75: {  	_ =	shalt  }
0x76: {  	_ =	shalt  }
0x77: {  	_ =	shalt  }
0x78: {  	_ =	shalt  }
0x79: {  	_ =	shalt  }
0x7a: {  	_ =	shalt  }
0x7b: {  	_ =	shalt  }
0x7c: {  	_ =	shalt  }
0x7d: {  	_ =	shalt  }
0x7e: {  	_ =	shalt  }
0x7f: {  	_ =	shalt  }
0x80: {  	_ =	shalt  }
0x81: {  	_ =	shalt  }
0x82: {  	_ =	shalt  }
0x83: {  	_ =	shalt  }
0x84: {  	_ =	shalt  }
0x85: {  	_ =	shalt  }
0x86: {  	_ =	shalt  }
0x87: {  	_ =	shalt  }
.Lfunc_end0:
.L_simem_size_0:
called_computation_lowered:
.L_overlay_start_0:
0x88: {  	s2 =	sld [smem:$0x3FD9]  }
0x89: {  	s3 =	sld [smem:$0x3FFE];
	_ =	sdelay $0x1  }
0x8a: {  	s1 =	srdreg.scid  }
0x8b: {  	s0 =	sand.u32 $0x1, s1  }
0x8c: {  	s14 =	sshll.u32 s0, $0xA;
	s2 =	sadd.s32 s3, s2  }
0x8d: {  	s2 =	sadd.s32 s2, s14  }
0x8e: {  	[smem:$0x3FC5] =	sst s2  }
0x8f: {  	_ = 	snop  }
0x90: {  	s2 =	sld [smem:$0x3FD0];
	_ =	sdelay $0x2  }
0x91: {  	s15 =	simm.s32 $0xA;
	s4 =	simm.s32 $0x10  }
0x92: {  	[smem:s4], [sflag:s15] =	dma.local [hbm:s2], $0x1  }
0x93: {  	_ =	swait.eq [sflag:s15], $0x1  }
0x94: {  	[sflag:s15] =	ssyncset.done $0x0  }
0x95: {  	s16 =	sld [smem:$0x10];
	[sflag:s15] =	ssyncadd.s32 $0xFFFFFFFF  }
0x96: {  	s17 =	sld [smem:$0x11];
	(tm) =	ssettm $0x1  }
0x97: {  	s18 =	sld [smem:$0x3FFB];
	_ =	sdelay $0x3  }
0x98: {  	_ =	strace s18  }
0x99: {  	s4 =	sld [smem:$0x3FFC];
	_ =	sdelay $0x3  }
0x9a: {  	_ =	strace s4  }
0x9b: {  	s4 =	sld [smem:$0x3FFD];
	_ =	sdelay $0x3  }
0x9c: {  	_ =	strace s4  }
0x9d: {  	_ =	strace $0x8FFFFFFF  }
0x9e: {  	s19 =	sld [smem:$0x3FDB];
	_ =	sdelay $0x1  }
0x9f: {  	s5 =	simm.s32 $_scs_section_size  }
0xa0: {  	s6 =	simm.s32 $_size__tile_overlayer_lowered;
	s7 =	simm.s32 $_tile_overlayer_lowered  }
0xa1: {  	s22 =	simm.s32 $0x1BFF;
	s21 =	sshll.u32 s7, $0x1;
	s4 =	sadd.s32 s5, s19  }
0xa2: {  	s8 =	simm.s32 $0x0;
	s20 =	sshll.u32 s6, $0x1;
	s6 =	sadd.s32 s21, s4  }
0xa3: {  	[timem:s8], [sflag:s22] =	dma.local [hbm:s6], s20  }
0xa4: {  	_ =	swait.ge [sflag:s22], s20  }
0xa5: {  	s5 =	ssub.s32 $0x0, s20;
	[sflag:s22] =	ssyncset.done $0x0  }
0xa6: {  	[sflag:s22] =	ssyncadd.s32 s5;
	_ =	sdelay $0x1  }
0xa7: {  	s23 =	simm.s32 $0x1B8B  }
0xa8: {  	_ =	swait.ge [sflag:s23], $0x1  }
0xa9: {  	[sflag:s23] =	ssyncset.done $0x0  }
0xaa: {  	s25 =	simm.s32 $0x1B8E;
	s24 =	sld [smem:$0x3FFE];
	[sflag:s23] =	ssyncadd.s32 $0xFFFFFFFF  }
0xab: {  	s26 =	simm.s32 $execute0_lowered;
	[smem:$0x3FD2] =	sst s25  }
0xac: {  	s6 =	sshll.u32 s26, $0x1;
	_ =	strace $0x80000046;
	[dreg:$0x1] =	wrdreg $0xFFFFFFFF  }
0xad: {  	s28 =	simm.s32 $_size_execute0_lowered;
	s4 =	sadd.s32 s4, s6;
	[dreg:$0x0] =	wrdreg $0x0  }
0xae: {  	s6 =	sshll.u32 s28, $0x1;
	[dreg:$0x2] =	wrdreg s4  }
0xaf: {  	[dreg:$0x3] =	wrdreg s6  }
0xb0: {  	[dreg:$0x4] =	wrdreg $0xC0  }
0xb1: {  	_ =	task [dreg:s8], $0x5FFFF  }
0xb2: {  	[dreg:$0x1] =	wrdreg $0xFFFFFFFF  }
0xb3: {  	[dreg:$0x0] =	wrdreg $0x60  }
0xb4: {  	[dreg:$0x2] =	wrdreg s16  }
0xb5: {  	[dreg:$0x3] =	wrdreg s24  }
0xb6: {  	[dreg:$0x4] =	wrdreg s17  }
0xb7: {  	[dreg:$0x5] =	wrdreg $0x9  }
0xb8: {  	_ =	task.clear_ibuf [dreg:s8], $0x6FFFF;
	_ =	strace $0x90000046  }
0xb9: {  	s29 =	simm.s32 $0x9;
	_ =	strace $0x80000048  }
0xba: {  	_ =	swait.ge [sflag:s29], $0x1  }
0xbb: {  	[sflag:s29] =	ssyncadd.s32 $0xFFFFFFFF  }
0xbc: {  	_ =	strace $0x90000048  }
0xbd: {  	_ =	sfence  }
0xbe: {  	s30 =	sld [smem:$0x0];
	_ =	sdelay $0x2  }
0xbf: {  	s31 =	sshll.u32 s1, $0xD;
	s1 =	sshrl.u32 s1, $0x2  }
0xc0: {  	s3 =	sand.u32 $0x4000, s31;
	s1 =	sadd.s32 s1, s30  }
0xc1: {  	s0 =	sor.u32 s3, s0;
	s1 =	sshll.u32 s1, $0x11  }
0xc2: {  	s0 =	sor.u32 s1, s0  }
0xc3: {  	s0 =	sadd.s32 $0x8F2B, s0  }
0xc4: {  	[sflag:s0] =	ssyncadd.remote.s32 $0x1  }
0xc5: {  	_ =	sfence.sel $0xFFFF  }
0xc6: {  	[dreg:$0x0] =	wrdreg $0xFFFFFFFF;
	(pc) =	sbr.abs _section_cstart, $3  }
0xc7: {  	[dreg:$0x1] =	wrdreg $0xFFFFFFFF  }
0xc8: {  	_ =	task.clear_ibuf [dreg:s8], $0x2FFFF;
	_ =	strace $0x9FFFFFFF  }
0xc9: {  	(tm) =	ssettm $0x7FFFFFFF  }
tec
execute0_lowered:
.L_overlay_start_1:
0x0: {  	(tag) =	ssettag $0x1  }
0x1: {  	s0 =	srdreg.scid  }
0x2: {  	s1 =	stileid.u32;
	s0 =	sand.u32 $0x1, s0  }
0x3: {  	s1 =	sor.u32 s1, s0  }
0x4: {  	p0 =	sne.s32 s1, $0x0  }
.Ltmp0:
0x5: {  	_ = 	snop;
	(pc) =	sbr.rel @!p0 .LBB2_1-.Ltmp0, $4  }
0x6: {  	_ = 	snop  }
0x7: {  	s5 =	simm.s32 $0x0  }
0x8: {  	[smem:$0x7FF] =	sst s5  }
0x9: {  	s2 =	rddreg [dreg:$0x1];
	_ =	strace $0x80000047  }
.LBB2_29:
0xa: {  	_ =	sfence.sel $0x180000  }
0xb: {  	[bflag:$0x0] =	sbarrier.arrive $0xFFFF  }
0xc: {  	_ =	strace $0x90000047  }
0xd: {  	s0 =	stileid.u32;
	[bflag:$0x2] =	sbarrier.arrive $0xFFFF  }
0xe: {  	p0 =	sne.s32 s0, $0x0;
	s0 =	rddreg [dreg:$0x3]  }
0xf: {  	s0 =	sadd.s32 @!p0 $0x100000, s0  }
0x10: {  	[sflag:s0] =	ssyncadd.tile.s32 @!p0 $0x1;
	_ =	shalt  }
.LBB2_1:
0x11: {  	s1 =	sadd.s32 $0x3200, s2;
	s24 =	sadd.s32 $0xA00, s2;
	s31 =	sadd.s32 $0x1400, s2  }
0x12: {  	s23 =	sadd.s32 $0x1E00, s2;
	s10 =	sadd.s32 $0x2800, s2;
	s11 =	sadd.s32 $0x3800, s2  }
0x13: {  	s12 =	sadd.s32 $0x4200, s2;
	s0 =	ssub.s32 $0x2, s0;
	s13 =	sadd.s32 $0x4C00, s2  }
0x14: {  	s14 =	sadd.s32 $0x5600, s2;
	s26 =	sadd.s32 $0x3600, s2;
	s17 =	simm.s32 $0x13A00  }
0x15: {  	s18 =	simm.s32 $0x6;
	s9 =	simm.s32 $0x17A00;
	s4 =	simm.s32 $0x9D00  }
0x16: {  	s21 =	simm.s32 $0x1;
	s22 =	simm.s32 $0x15A00;
	s28 =	simm.s32 $0x19A00  }
0x17: {  	s29 =	simm.s32 $0x1AA00;
	s30 =	simm.s32 $0x1BA00;
	[dreg:$0x4] =	wrdreg s1  }
.Ltmp1:
0x18: {  	s2 =	simm.s32 $0x2;
	[dreg:$0x7] =	wrdreg s23;
	(pc) =	sbr.rel .LBB2_2-.Ltmp1, $4  }
0x19: {  	s6 =	simm.s32 $0x4;
	s3 =	simm.s32 $0x0;
	[dreg:$0x9] =	wrdreg s26  }
0x1a: {  	s25 =	sshrl.u32 s0, $0x1;
	s23 =	simm.s32 $0xEB80;
	[dreg:$0x5] =	wrdreg s24  }
0x1b: {  	v0 =	vimm.s32 $0xC2333332;
	s26 =	simm.s32 $0x18A00;
	[dreg:$0x6] =	wrdreg s31;
	s0 =	ssub.s32 s0, s25  }
0x1c: {  	v1 =	vlaneseq.u32;
	v2 =	vimm.s32 $0x0;
	vm0 =	vcmask $0xF0C;
	s1 =	simm.s32 $0x3;
	s25 =	simm.s32 $0xFA0;
	[dreg:$0x8] =	wrdreg s0  }
.LBB2_28:
0x1d: {  	s3 =	rddreg [dreg:$0xa]  }
0x1e: {  	s0 =	rddreg [dreg:$0x8];
	s3 =	sadd.s32 $0x1, s3  }
0x1f: {  	p0 =	sne.s32 s3, s0  }
.Ltmp2:
0x20: {  	_ = 	snop;
	(pc) =	sbr.rel @!p0 .LBB2_29-.Ltmp2, $2  }
0x21: {  	_ =	sdelay $0x2  }
0x22: {  	s9 =	simm.s32 $0x17A00;
	s4 =	simm.s32 $0x9D00  }
.LBB2_2:
0x23: {  	[dreg:$0xa] =	wrdreg s3  }
0x24: {  	s3 =	simm.s32 $0x0;
	s0 =	rddreg [dreg:$0x4]  }
0x25: {  	[tilespmem:s17], [sflag:$0x6] =	stream.linear.gather [hbm4b:s0+s3], $0x2000, $0x38;
	[tilespmem:$0x1EA00] =	vst v63  }
0x26: {  	_ =	swait.ge [sflag:s18], $0x2000  }
0x27: {  	[sflag:s18] =	ssyncset.done $0x0  }
0x28: {  	s24 =	rddreg [dreg:$0x9];
	[sflag:s18] =	ssyncadd.s32 $0xFFFFE000  }
0x29: {  	[tilespmem:s9], [sflag:$0x6] =	stream.linear.gather [hbm4b:s24+s3], $0x1000, $0x38;
	[tilespmem:$0x1EA00] =	vst v63  }
0x2a: {  	_ =	swait.ge [sflag:s18], $0x1000  }
0x2b: {  	[sflag:s18] =	ssyncset.done $0x0  }
0x2c: {  	[sflag:s18] =	ssyncadd.s32 $0xFFFFF000  }
0x2d: {  	s31 =	rddreg [dreg:$0x0]  }
0x2e: {  	[tilespmem:s4], [sflag:$0x6] =	stream.linear.gather [hbm4b:s31+s3], $0x4E20, $0x38;
	[tilespmem:$0x1EA00] =	vst v63  }
0x2f: {  	_ =	swait.ge [sflag:s18], $0x4E20  }
0x30: {  	[sflag:s18] =	ssyncset.done $0x0  }
0x31: {  	[sflag:s18] =	ssyncadd.s32 $0xFFFFB1E0  }
0x32: {  	[tilespmem:$0xEB20] =	vst v0  }
0x33: {  	[tilespmem:$0xEB30] =	vst v0  }
0x34: {  	s15 =	simm.s32 $0x9D20;
	s4 =	simm.s32 $0x30;
	[tilespmem:$0xEB40] =	vst v0  }
.LBB2_3:
0x35: {  	v3 =	vld [tilespmem:s15+$0xFFFFFFE0];
	_ =	sdelay $0x4  }
0x36: {  	vm1 =	vlt.s32 v3, $0xC2333332;
	vm2 =	vne.s32 v3, $0xC0FFFFFF;
	v4 =	vadd.s32 $0x1, v3  }
0x37: {  	vm1 =	vmand vm1, vm2;
	v4 =	vand.u32 $0x1FFF, v4  }
0x38: {  	(xrf1) =	vunique.msk.u32 vm1, v4;
	_ =	sdelay $0xd  }
0x39: {  	_, v5, vm2 =	vpop (xrf1)  }
0x3a: {  	vm2 =	vmand vm1, vm2;
	_ =	sdelay $0x2  }
0x3b: {  	s0 =	sadd.s32 $0xFFFFFFD0, s4  }
0x3c: {  	[tilespmem:s3+$0x0] =	vst.msk vm1, v3;
	v3 =	vor.u32 s0, v1  }
0x3d: {  	[tilespmem:s3+$0x4E80] =	vst.msk vm1, v3  }
0x3e: {  	[tilespmem:v4+s17+$0x0] =	vst.idx.add.s32.msk vm2, v5  }
0x3f: {  	v3 =	vld [tilespmem:s15+$0xFFFFFFF0]  }
0x40: {  	v49 =	vsel vm1, $0x1, v2  }
0x41: {  	(xrf0) =	vadd.scan.msk.s32 $0xffff, v49;
	_ =	sdelay $0x2  }
0x42: {  	vm1 =	vlt.s32 v3, $0xC2333332;
	vm2 =	vne.s32 v3, $0xC0FFFFFF;
	v50 =	vadd.s32 $0x1, v3  }
0x43: {  	vm1 =	vmand vm1, vm2;
	v4 =	vand.u32 $0x1FFF, v50  }
0x44: {  	(xrf1) =	vunique.msk.u32 vm1, v4  }
0x45: {  	v51, _, _ =	vpop (xrf0)  }
0x46: {  	(v2sf) =	vpush v51, $0xF;
	_ =	sdelay $0xb  }
0x47: {  	_, v52, vm2 =	vpop (xrf1)  }
0x48: {  	vm2 =	vmand vm1, vm2;
	_ =	sdelay $0x1  }
0x49: {  	s8 =	spop (v2sf)  }
0x4a: {  	s16 =	sadd.s32 $0xFFFFFFE0, s4;
	s0 =	sadd.s32 s3, s8  }
0x4b: {  	[tilespmem:s0+$0x0] =	vst.msk vm1, v3;
	v3 =	vor.u32 s16, v1  }
0x4c: {  	[tilespmem:s0+$0x4E80] =	vst.msk vm1, v3  }
0x4d: {  	[tilespmem:v4+s17+$0x0] =	vst.idx.add.s32.msk vm2, v52  }
0x4e: {  	v3 =	vld [tilespmem:s15+$0x0]  }
0x4f: {  	v53 =	vsel vm1, $0x1, v2  }
0x50: {  	(xrf0) =	vadd.scan.msk.s32 $0xffff, v53;
	_ =	sdelay $0x2  }
0x51: {  	vm1 =	vlt.s32 v3, $0xC2333332;
	vm2 =	vne.s32 v3, $0xC0FFFFFF;
	v54 =	vadd.s32 $0x1, v3  }
0x52: {  	vm1 =	vmand vm1, vm2;
	v4 =	vand.u32 $0x1FFF, v54  }
0x53: {  	(xrf1) =	vunique.msk.u32 vm1, v4  }
0x54: {  	v55, _, _ =	vpop (xrf0)  }
0x55: {  	(v2sf) =	vpush v55, $0xF;
	_ =	sdelay $0xb  }
0x56: {  	_, v56, vm2 =	vpop (xrf1)  }
0x57: {  	vm2 =	vmand vm1, vm2;
	_ =	sdelay $0x1  }
0x58: {  	s19 =	spop (v2sf)  }
0x59: {  	s20 =	sadd.s32 $0xFFFFFFF0, s4;
	s0 =	sadd.s32 s0, s19  }
0x5a: {  	[tilespmem:s0+$0x0] =	vst.msk vm1, v3;
	v3 =	vor.u32 s20, v1  }
0x5b: {  	[tilespmem:s0+$0x4E80] =	vst.msk vm1, v3  }
0x5c: {  	[tilespmem:v4+s17+$0x0] =	vst.idx.add.s32.msk vm2, v56  }
0x5d: {  	v3 =	vld [tilespmem:s15+$0x10];
	_ =	sdelay $0x3  }
0x5e: {  	v57 =	vsel vm1, $0x1, v2  }
0x5f: {  	(xrf0) =	vadd.scan.msk.s32 $0xffff, v57;
	vm1 =	vlt.s32 v3, $0xC2333332;
	vm2 =	vne.s32 v3, $0xC0FFFFFF  }
0x60: {  	vm1 =	vmand vm1, vm2  }
0x61: {  	v58 =	vsel vm1, $0x1, v2  }
0x62: {  	v59 =	vadd.s32 $0x1, v3;
	(xrf0) =	vadd.scan.msk.s32 $0xffff, v58  }
0x63: {  	v60 =	vand.u32 $0x1FFF, v59  }
0x64: {  	(xrf1) =	vunique.msk.u32 vm1, v60  }
0x65: {  	v61, _, _ =	vpop (xrf0)  }
0x66: {  	(v2sf) =	vpush v61, $0xF;
	_ =	sdelay $0x1  }
0x67: {  	v62, _, _ =	vpop (xrf0)  }
0x68: {  	(v2sf) =	vpush v62, $0xF;
	_ =	sdelay $0x8  }
0x69: {  	_, v63, vm2 =	vpop (xrf1)  }
0x6a: {  	vm2 =	vmand vm1, vm2  }
0x6b: {  	p0 =	sne.s32 s4, $0x4E30  }
.Ltmp3:
0x6c: {  	s24 =	spop (v2sf);
	(pc) =	sbr.rel @p0 .LBB2_3-.Ltmp3, $4  }
0x6d: {  	s0 =	sadd.s32 s0, s24  }
0x6e: {  	[tilespmem:s0+$0x0] =	vst.msk vm1, v3;
	v3 =	vor.u32 s4, v1  }
0x6f: {  	[tilespmem:s0+$0x4E80] =	vst.msk vm1, v3;
	s31 =	spop (v2sf)  }
0x70: {  	s15 =	sadd.s32 $0x40, s15;
	s4 =	sadd.s32 $0x40, s4;
	[tilespmem:v60+s17+$0x0] =	vst.idx.add.s32.msk vm2, v63;
	s3 =	sadd.s32 s0, s31  }
0x71: {  	s0 =	sand.u32 $0xF, s3  }
0x72: {  	s4 =	sshra.s32 s3, $0x1F;
	p0 =	slt.s32 s3, $0x1;
	p1 =	sne.s32 s0, $0x0  }
0x73: {  	s16 =	sshrl.u32 s4, $0x1C;
	p0 =	por !p0, !p1  }
0x74: {  	s4 =	simm.s32 $0x1;
	s0 =	sadd.s32 s16, s3;
	p0 =	por !p0, !p0  }
0x75: {  	s0 =	sshrl.u32 s0, $0x4;
	s4 =	simm.s32 @!p0 $0x0  }
0x76: {  	s0 =	ssub.s32 s0, s4  }
0x77: {  	s0 =	sshll.u32 s0, $0x4  }
0x78: {  	v3 =	vld [tilespmem:s0+$0x0]  }
0x79: {  	s20 =	sadd.s32 $0x3F, s3  }
0x7a: {  	s7 =	sand.u32 $0x3F, s20;
	s19 =	ssub.s32 s3, s0  }
0x7b: {  	s24 =	sshra.s32 s20, $0x1F;
	p6 =	slt.s32 s20, $0x1;
	p5 =	sne.s32 s7, $0x0;
	[tilespmem:s0+$0x10] =	vst v0;
	v4 =	vmov s19  }
0x7c: {  	s7 =	sshrl.u32 s24, $0x1A;
	p0 =	por !p6, !p5;
	[tilespmem:s0+$0x20] =	vst v0;
	vm1 =	vgt.s32 v4, v1  }
0x7d: {  	s4 =	sadd.s32 s7, s20;
	p0 =	por !p0, !p0;
	s7 =	simm.s32 $0x1;
	[tilespmem:s0+$0x30] =	vst v0;
	v3 =	vnsel vm1, $0xC2333332, v3  }
0x7e: {  	s4 =	sshra.s32 s4, $0x6;
	s7 =	simm.s32 @!p0 $0x0;
	[tilespmem:s0+$0x0] =	vst v3  }
0x7f: {  	s16 =	ssub.s32 s4, s7;
	v3 =	vld [tilespmem:$0x14D30]  }
0x80: {  	s0 =	sshll.u32 s16, $0x6  }
0x81: {  	s0 =	ssub.s32 s0, s3  }
0x82: {  	v4 =	vmov s0  }
0x83: {  	v4 =	vnsel vm0, $0x0, v4  }
0x84: {  	v3 =	vadd.s32 v4, v3  }
0x85: {  	s24 =	simm.s32 $0x0;
	[tilespmem:$0x14D30] =	vst v3  }
0x86: {  	v9 =	vld [tilespmem:s24+$0x13A00]  }
0x87: {  	v11 =	vld [tilespmem:s24+$0x13A10];
	_ =	sdelay $0x3  }
0x88: {  	(xrf0) =	vadd.scan.msk.s32 $0xffff, v9  }
0x89: {  	(xrf0) =	vadd.scan.msk.s32 $0xffff, v11;
	_ =	sdelay $0x4  }
0x8a: {  	v14, _, _ =	vpop (xrf0)  }
0x8b: {  	s19 =	simm.s32 $0x20;
	v12, _, _ =	vpop (xrf0);
	(v2sf) =	vpush v14, $0xF  }
0x8c: {  	v7 =	vld [tilespmem:s19+$0x13A00];
	(v2sf) =	vpush v12, $0xF  }
0x8d: {  	s15 =	simm.s32 $0x40;
	v13 =	vld [tilespmem:s19+$0x13A10]  }
0x8e: {  	v5 =	vld [tilespmem:s15+$0x13A00]  }
0x8f: {  	v15 =	vld [tilespmem:s15+$0x13A10];
	_ =	sdelay $0x1  }
0x90: {  	(xrf0) =	vadd.scan.msk.s32 $0xffff, v7  }
0x91: {  	(xrf0) =	vadd.scan.msk.s32 $0xffff, v13  }
0x92: {  	(xrf0) =	vadd.scan.msk.s32 $0xffff, v5  }
0x93: {  	(xrf0) =	vadd.scan.msk.s32 $0xffff, v15;
	_ =	sdelay $0x2  }
0x94: {  	v10, _, _ =	vpop (xrf0)  }
0x95: {  	s4 =	simm.s32 $0x60;
	v16, _, _ =	vpop (xrf0);
	(v2sf) =	vpush v10, $0xF  }
0x96: {  	v3 =	vld [tilespmem:s4+$0x13A00];
	v8, _, _ =	vpop (xrf0);
	(v2sf) =	vpush v16, $0xF  }
0x97: {  	v6 =	vld [tilespmem:s4+$0x13A10];
	v17 =	vsub.s32 v12, v11;
	v12 =	vsub.s32 v16, v13;
	v13, _, _ =	vpop (xrf0);
	s20 =	spop (v2sf);
	(v2sf) =	vpush v8, $0xF  }
0x98: {  	s7 =	sadd.s32 $0x0, s20;
	s20 =	spop (v2sf);
	(v2sf) =	vpush v13, $0xF;
	_ =	sdelay $0x2  }
0x99: {  	s3 =	simm.s32 $0x80;
	(xrf0) =	vadd.scan.msk.s32 $0xffff, v3  }
0x9a: {  	s8 =	simm.s32 $0x0;
	v4 =	vld [tilespmem:s3+$0x13A00];
	(xrf0) =	vadd.scan.msk.s32 $0xffff, v6  }
0x9b: {  	v11 =	vsub.s32 v13, v15;
	v15 =	vsub.s32 s8, v9;
	v9 =	vld [tilespmem:s3+$0x13A10];
	_ =	sdelay $0x3  }
0x9c: {  	s31 =	simm.s32 $0xA0;
	s0 =	simm.s32 $0x300;
	(xrf0) =	vadd.scan.msk.s32 $0xffff, v4;
	v14 =	vadd.s32 v14, v15;
	v13, _, _ =	vpop (xrf0);
	v15 =	vadd.s32 s7, v17;
	s20 =	sadd.s32 s20, s7  }
.LBB2_5:
0x9d: {  	p0 =	seq.s32 s0, $0x7F80;
	v16 =	vld [tilespmem:s31+$0x13A00];
	(xrf0) =	vadd.scan.msk.s32 $0xffff, v9;
	v17, _, _ =	vpop (xrf0);
	(v2sf) =	vpush v13, $0xF;
	[tilespmem:s24+$0x15A10] =	vst v15;
	v15 =	vmov v12;
	s7 =	smov.u32 s0;
	s0 =	sadd.s32 $0x80, s0  }
.Ltmp4:
0x9e: {  	v12 =	vmovc v11;
	(v2sf) =	vpush v17, $0xF;
	[tilespmem:s24+$0x15A00] =	vst v14;
	v11 =	vsub.s32 v17, v6;
	v6 =	vmovc v9;
	v9 =	vld [tilespmem:s31+$0x13A10];
	v14 =	vmov v10;
	s24 =	smov.u32 s19;
	s19 =	smov.u32 s15;
	(pc) =	sbr.rel @!p0 .LBB2_5-.Ltmp4, $4  }
0x9f: {  	v10 =	vmov v8;
	v8 =	vmov v13;
	s15 =	smov.u32 s4;
	s4 =	smov.u32 s3;
	s3 =	smov.u32 s31  }
0xa0: {  	s31 =	spop (v2sf)  }
0xa1: {  	v17 =	vsub.s32 s20, v7;
	v7 =	vmovc v5;
	v5 =	vmov v3;
	v3 =	vmov v4;
	s20 =	sadd.s32 s20, s31;
	s8 =	spop (v2sf)  }
0xa2: {  	v14 =	vadd.s32 v14, v17;
	s31 =	sshra.s32 s7, $0x2;
	(xrf0) =	vadd.scan.msk.s32 $0xffff, v16;
	v13, _, _ =	vpop (xrf0);
	v15 =	vadd.s32 s20, v15;
	s20 =	sadd.s32 s8, s20;
	v4 =	vmov v16  }
0xa3: {  	v16 =	vld [tilespmem:s31+$0x13A00];
	_ =	sdelay $0x1  }
0xa4: {  	[tilespmem:s24+$0x15A10] =	vst v15  }
0xa5: {  	(xrf0) =	vadd.scan.msk.s32 $0xffff, v9;
	v15 =	vld [tilespmem:s31+$0x13A10];
	_ =	sdelay $0x1  }
0xa6: {  	(xrf0) =	vadd.scan.msk.s32 $0xffff, v16;
	_ =	sdelay $0x1  }
0xa7: {  	v17, _, _ =	vpop (xrf0);
	(v2sf) =	vpush v13, $0xF  }
0xa8: {  	(v2sf) =	vpush v17, $0xF;
	v18, _, _ =	vpop (xrf0);
	(xrf0) =	vadd.scan.msk.s32 $0xffff, v15  }
0xa9: {  	v19, _, _ =	vpop (xrf0);
	(v2sf) =	vpush v18, $0xF  }
0xaa: {  	(v2sf) =	vpush v19, $0xF  }
0xab: {  	v20, _, _ =	vpop (xrf0)  }
0xac: {  	(v2sf) =	vpush v20, $0xF;
	_ =	sdelay $0x1  }
0xad: {  	v21, _, _ =	vpop (xrf0)  }
0xae: {  	(v2sf) =	vpush v21, $0xF;
	_ =	sdelay $0x2  }
0xaf: {  	s0 =	spop (v2sf)  }
0xb0: {  	v7 =	vsub.s32 s20, v7;
	s7 =	spop (v2sf);
	s0 =	sadd.s32 s20, s0  }
0xb1: {  	[tilespmem:s24+$0x15A00] =	vst v14;
	v7 =	vadd.s32 v10, v7;
	v12 =	vadd.s32 s0, v12;
	s0 =	sadd.s32 s7, s0;
	s8 =	spop (v2sf)  }
0xb2: {  	[tilespmem:s19+$0x15A00] =	vst v7;
	v5 =	vsub.s32 s0, v5;
	s24 =	spop (v2sf);
	s8 =	sadd.s32 s0, s8  }
0xb3: {  	[tilespmem:s19+$0x15A10] =	vst v12;
	v5 =	vadd.s32 v8, v5;
	v58 =	vadd.s32 s8, v11;
	s8 =	sadd.s32 s24, s8;
	s19 =	spop (v2sf)  }
0xb4: {  	[tilespmem:s15+$0x15A00] =	vst v5;
	v3 =	vsub.s32 s8, v3;
	s7 =	sadd.s32 s8, s19;
	s20 =	spop (v2sf)  }
0xb5: {  	v6 =	vsub.s32 v17, v6;
	[tilespmem:s15+$0x15A10] =	vst v58;
	v3 =	vadd.s32 v13, v3;
	s24 =	sadd.s32 s20, s7;
	s8 =	spop (v2sf)  }
0xb6: {  	p0 =	sgt.s32 s16, $0x0;
	[tilespmem:s4+$0x15A00] =	vst v3;
	v59 =	vadd.s32 s7, v6;
	v3 =	vsub.s32 s24, v4;
	s7 =	sadd.s32 s24, s8;
	s15 =	spop (v2sf)  }
.Ltmp5:
0xb7: {  	v60 =	vsub.s32 v19, v9;
	[tilespmem:s4+$0x15A10] =	vst v59;
	v3 =	vadd.s32 v18, v3;
	s19 =	sadd.s32 s15, s7;
	(pc) =	sbr.rel @!p0 .LBB2_9-.Ltmp5, $4  }
0xb8: {  	[tilespmem:s3+$0x15A00] =	vst v3;
	v61 =	vadd.s32 s7, v60;
	v3 =	vsub.s32 s19, v16;
	s20 =	spop (v2sf)  }
0xb9: {  	v62 =	vsub.s32 v21, v15;
	[tilespmem:s3+$0x15A10] =	vst v61;
	v3 =	vadd.s32 v20, v3;
	s4 =	sadd.s32 s19, s20  }
0xba: {  	[tilespmem:s31+$0x15A00] =	vst v3;
	v63 =	vadd.s32 s4, v62  }
0xbb: {  	s15 =	sshll.u32 s16, $0x1;
	s7 =	simm.s32 $0x9D00;
	s24 =	spop (v2sf);
	[tilespmem:s31+$0x15A10] =	vst v63  }
0xbc: {  	s0 =	simm.s32 $0x4E90;
	s3 =	simm.s32 $0x10;
	s4 =	smov.u32 s15  }
.LBB2_8:
0xbd: {  	v3 =	vld [tilespmem:s3+$0xFFFFFFF0];
	_ =	sdelay $0x4  }
0xbe: {  	v4 =	vadd.s32 $0x3F800001, v3  }
0xbf: {  	v5 =	vand.u32 $0x1FFF, v4  }
0xc0: {  	(xrf1) =	vunique.msk.u32 $0xffff, v5;
	_ =	sdelay $0x2  }
0xc1: {  	v4 =	vshrl.u32 v4, $0xD  }
0xc2: {  	(xrf1) =	vunique.msk.u32 $0xffff, v4;
	_ =	sdelay $0x3  }
0xc3: {  	v6 =	vld [tilespmem:s3+$0x0];
	_ =	sdelay $0x1  }
0xc4: {  	v7 =	vld.idx.msk [tilespmem:v5+s22+$0x0], $0xffff;
	_ =	sdelay $0x2  }
0xc5: {  	v8 =	vadd.s32 $0x3F800001, v6  }
0xc6: {  	v10 =	vand.u32 $0x1FFF, v8;
	_, v9, vm1 =	vpop (xrf1)  }
0xc7: {  	(xrf1) =	vunique.msk.u32 $0xffff, v10;
	v7 =	vadd.s32 v7, v9  }
0xc8: {  	v7 =	vadd.s32 $0xFFFFFFFF, v7  }
0xc9: {  	v11 =	vld [tilespmem:s0+$0xFFFFFFF0]  }
0xca: {  	v8 =	vshrl.u32 v8, $0xD;
	_, v12, vm2 =	vpop (xrf1)  }
0xcb: {  	(xrf1) =	vunique.msk.u32 $0xffff, v8;
	_ =	sdelay $0x1  }
0xcc: {  	v13 =	vld [tilespmem:s0+$0x0];
	[tilespmem:v7+s7+$0x0] =	vst.idx.msk $0xffff, v3  }
0xcd: {  	[tilespmem:v7+s23+$0x0] =	vst.idx.msk $0xffff, v11  }
0xce: {  	[tilespmem:v5+s22+$0x0] =	vst.idx.add.s32.msk vm1, v9  }
0xcf: {  	[tilespmem:v4+s9+$0x0] =	vst.idx.add.s32.msk vm2, v12  }
0xd0: {  	v3 =	vld.idx.msk [tilespmem:v10+s22+$0x0], $0xffff;
	_ =	sdelay $0x3  }
0xd1: {  	_, v62, vm1 =	vpop (xrf1)  }
0xd2: {  	v3 =	vadd.s32 v3, v62  }
0xd3: {  	v3 =	vadd.s32 $0xFFFFFFFF, v3;
	_ =	sdelay $0x1  }
0xd4: {  	_, v63, vm2 =	vpop (xrf1)  }
0xd5: {  	p1 =	seq.s32 s4, $0x1  }
.Ltmp6:
0xd6: {  	_ = 	snop;
	(pc) =	sbr.rel @!p1 .LBB2_8-.Ltmp6, $4  }
0xd7: {  	[tilespmem:v3+s7+$0x0] =	vst.idx.msk $0xffff, v6  }
0xd8: {  	[tilespmem:v3+s23+$0x0] =	vst.idx.msk $0xffff, v13  }
0xd9: {  	[tilespmem:v10+s22+$0x0] =	vst.idx.add.s32.msk vm1, v62  }
0xda: {  	s0 =	sadd.s32 $0x20, s0;
	s3 =	sadd.s32 $0x20, s3;
	s4 =	sadd.s32 $0xFFFFFFFF, s4;
	[tilespmem:v8+s9+$0x0] =	vst.idx.add.s32.msk vm2, v63  }
.LBB2_9:
0xdb: {  	s31 =	simm.s32 $0x0  }
0xdc: {  	v9 =	vld [tilespmem:s31+$0x17A00]  }
0xdd: {  	v11 =	vld [tilespmem:s31+$0x17A10];
	_ =	sdelay $0x3  }
0xde: {  	(xrf0) =	vadd.scan.msk.s32 $0xffff, v9  }
0xdf: {  	(xrf0) =	vadd.scan.msk.s32 $0xffff, v11;
	_ =	sdelay $0x4  }
0xe0: {  	v14, _, _ =	vpop (xrf0)  }
0xe1: {  	s24 =	simm.s32 $0x20;
	v12, _, _ =	vpop (xrf0);
	(v2sf) =	vpush v14, $0xF  }
0xe2: {  	v7 =	vld [tilespmem:s24+$0x17A00];
	(v2sf) =	vpush v12, $0xF  }
0xe3: {  	s19 =	simm.s32 $0x40;
	v13 =	vld [tilespmem:s24+$0x17A10]  }
0xe4: {  	v5 =	vld [tilespmem:s19+$0x17A00]  }
0xe5: {  	v15 =	vld [tilespmem:s19+$0x17A10];
	_ =	sdelay $0x1  }
0xe6: {  	(xrf0) =	vadd.scan.msk.s32 $0xffff, v7  }
0xe7: {  	(xrf0) =	vadd.scan.msk.s32 $0xffff, v13  }
0xe8: {  	(xrf0) =	vadd.scan.msk.s32 $0xffff, v5  }
0xe9: {  	(xrf0) =	vadd.scan.msk.s32 $0xffff, v15;
	_ =	sdelay $0x2  }
0xea: {  	v10, _, _ =	vpop (xrf0)  }
0xeb: {  	s4 =	simm.s32 $0x60;
	v16, _, _ =	vpop (xrf0);
	(v2sf) =	vpush v10, $0xF  }
0xec: {  	v3 =	vld [tilespmem:s4+$0x17A00];
	v8, _, _ =	vpop (xrf0);
	(v2sf) =	vpush v16, $0xF  }
0xed: {  	v6 =	vld [tilespmem:s4+$0x17A10];
	v17 =	vsub.s32 v12, v11;
	v12 =	vsub.s32 v16, v13;
	v13, _, _ =	vpop (xrf0);
	s7 =	spop (v2sf);
	(v2sf) =	vpush v8, $0xF  }
0xee: {  	s8 =	spop (v2sf);
	(v2sf) =	vpush v13, $0xF;
	_ =	sdelay $0x2  }
0xef: {  	s3 =	simm.s32 $0x80;
	(xrf0) =	vadd.scan.msk.s32 $0xffff, v3  }
0xf0: {  	s0 =	simm.s32 $0x0;
	v4 =	vld [tilespmem:s3+$0x17A00];
	(xrf0) =	vadd.scan.msk.s32 $0xffff, v6  }
0xf1: {  	v11 =	vsub.s32 v13, v15;
	v15 =	vsub.s32 s0, v9;
	v9 =	vld [tilespmem:s3+$0x17A10];
	_ =	sdelay $0x2  }
0xf2: {  	s9 =	sadd.s32 $0x0, s7  }
0xf3: {  	s20 =	simm.s32 $0xA0;
	(xrf0) =	vadd.scan.msk.s32 $0xffff, v4;
	v14 =	vadd.s32 v14, v15;
	s7 =	simm.s32 $0x300;
	v13, _, _ =	vpop (xrf0);
	v15 =	vadd.s32 s9, v17;
	s0 =	sadd.s32 s8, s9  }
.LBB2_10:
0xf4: {  	p1 =	seq.s32 s7, $0x3F80;
	v16 =	vld [tilespmem:s20+$0x17A00];
	(xrf0) =	vadd.scan.msk.s32 $0xffff, v9;
	v17, _, _ =	vpop (xrf0);
	(v2sf) =	vpush v13, $0xF;
	[tilespmem:s31+$0x13A10] =	vst v15;
	v15 =	vmov v12;
	s8 =	smov.u32 s7;
	s7 =	sadd.s32 $0x80, s7  }
.Ltmp7:
0xf5: {  	v12 =	vmovc v11;
	(v2sf) =	vpush v17, $0xF;
	[tilespmem:s31+$0x13A00] =	vst v14;
	v11 =	vsub.s32 v17, v6;
	v6 =	vmovc v9;
	v9 =	vld [tilespmem:s20+$0x17A10];
	v14 =	vmov v10;
	s31 =	smov.u32 s24;
	s24 =	smov.u32 s19;
	(pc) =	sbr.rel @!p1 .LBB2_10-.Ltmp7, $4  }
0xf6: {  	v10 =	vmov v8;
	v8 =	vmov v13;
	s19 =	smov.u32 s4;
	s4 =	smov.u32 s3;
	s3 =	smov.u32 s20  }
0xf7: {  	s20 =	spop (v2sf)  }
0xf8: {  	v17 =	vsub.s32 s0, v7;
	v7 =	vmovc v5;
	v5 =	vmov v3;
	v3 =	vmov v4;
	s0 =	sadd.s32 s0, s20;
	s9 =	spop (v2sf)  }
0xf9: {  	v14 =	vadd.s32 v14, v17;
	s20 =	sshra.s32 s8, $0x2;
	(xrf0) =	vadd.scan.msk.s32 $0xffff, v16;
	v13, _, _ =	vpop (xrf0);
	v15 =	vadd.s32 s0, v15;
	s0 =	sadd.s32 s9, s0;
	v4 =	vmov v16  }
0xfa: {  	v16 =	vld [tilespmem:s20+$0x17A00];
	_ =	sdelay $0x1  }
0xfb: {  	[tilespmem:s31+$0x13A10] =	vst v15  }
0xfc: {  	(xrf0) =	vadd.scan.msk.s32 $0xffff, v9;
	v15 =	vld [tilespmem:s20+$0x17A10];
	_ =	sdelay $0x1  }
0xfd: {  	(xrf0) =	vadd.scan.msk.s32 $0xffff, v16;
	_ =	sdelay $0x1  }
0xfe: {  	v17, _, _ =	vpop (xrf0);
	(v2sf) =	vpush v13, $0xF  }
0xff: {  	(v2sf) =	vpush v17, $0xF;
	v18, _, _ =	vpop (xrf0);
	(xrf0) =	vadd.scan.msk.s32 $0xffff, v15  }
0x100: {  	v19, _, _ =	vpop (xrf0);
	(v2sf) =	vpush v18, $0xF  }
0x101: {  	(v2sf) =	vpush v19, $0xF  }
0x102: {  	v20, _, _ =	vpop (xrf0)  }
0x103: {  	(v2sf) =	vpush v20, $0xF;
	_ =	sdelay $0x1  }
0x104: {  	v21, _, _ =	vpop (xrf0)  }
0x105: {  	(v2sf) =	vpush v21, $0xF;
	_ =	sdelay $0x2  }
0x106: {  	s7 =	spop (v2sf)  }
0x107: {  	v7 =	vsub.s32 s0, v7;
	s8 =	spop (v2sf);
	s7 =	sadd.s32 s0, s7  }
0x108: {  	[tilespmem:s31+$0x13A00] =	vst v14;
	v7 =	vadd.s32 v10, v7;
	v12 =	vadd.s32 s7, v12;
	s7 =	sadd.s32 s8, s7;
	s9 =	spop (v2sf)  }
0x109: {  	[tilespmem:s24+$0x13A00] =	vst v7;
	v5 =	vsub.s32 s7, v5;
	s31 =	spop (v2sf);
	s0 =	sadd.s32 s7, s9  }
0x10a: {  	[tilespmem:s24+$0x13A10] =	vst v12;
	v5 =	vadd.s32 v8, v5;
	v58 =	vadd.s32 s0, v11;
	s0 =	sadd.s32 s31, s0;
	s9 =	spop (v2sf)  }
0x10b: {  	[tilespmem:s19+$0x13A00] =	vst v5;
	v3 =	vsub.s32 s0, v3;
	s7 =	sadd.s32 s0, s9;
	s24 =	spop (v2sf)  }
0x10c: {  	v6 =	vsub.s32 v17, v6;
	[tilespmem:s19+$0x13A10] =	vst v58;
	v3 =	vadd.s32 v13, v3;
	s31 =	sadd.s32 s24, s7;
	s8 =	spop (v2sf)  }
0x10d: {  	[tilespmem:s4+$0x13A00] =	vst v3;
	v59 =	vadd.s32 s7, v6;
	v3 =	vsub.s32 s31, v4;
	s7 =	sadd.s32 s31, s8;
	s9 =	spop (v2sf)  }
.Ltmp8:
0x10e: {  	v60 =	vsub.s32 v19, v9;
	[tilespmem:s4+$0x13A10] =	vst v59;
	v3 =	vadd.s32 v18, v3;
	s19 =	sadd.s32 s9, s7;
	(pc) =	sbr.rel @!p0 .LBB2_16-.Ltmp8, $4  }
0x10f: {  	[tilespmem:s3+$0x13A00] =	vst v3;
	v61 =	vadd.s32 s7, v60;
	v3 =	vsub.s32 s19, v16;
	s24 =	spop (v2sf)  }
0x110: {  	v62 =	vsub.s32 v21, v15;
	[tilespmem:s3+$0x13A10] =	vst v61;
	v3 =	vadd.s32 v20, v3;
	s4 =	sadd.s32 s19, s24  }
0x111: {  	[tilespmem:s20+$0x13A00] =	vst v3;
	v63 =	vadd.s32 s4, v62  }
0x112: {  	s7 =	simm.s32 $0x4E80;
	s31 =	spop (v2sf);
	s4 =	simm.s32 $0x9D00;
	[tilespmem:s20+$0x13A10] =	vst v63  }
0x113: {  	s0 =	simm.s32 $0xEB90;
	s3 =	simm.s32 $0x9D10  }
.LBB2_13:
0x114: {  	v3 =	vld [tilespmem:s3+$0xFFFFFFF0];
	_ =	sdelay $0x4  }
0x115: {  	v4 =	vadd.s32 $0x3F800001, v3  }
0x116: {  	v4 =	vshrl.u32 v4, $0xD  }
0x117: {  	(xrf1) =	vunique.msk.u32 $0xffff, v4;
	_ =	sdelay $0x6  }
0x118: {  	v5 =	vld [tilespmem:s3+$0x0];
	_ =	sdelay $0x2  }
0x119: {  	v6 =	vld.idx.msk [tilespmem:v4+s17+$0x0], $0xffff;
	_ =	sdelay $0x1  }
0x11a: {  	v7 =	vadd.s32 $0x3F800001, v5  }
0x11b: {  	v7 =	vshrl.u32 v7, $0xD  }
0x11c: {  	_, v8, vm1 =	vpop (xrf1);
	(xrf1) =	vunique.msk.u32 $0xffff, v7  }
0x11d: {  	v6 =	vadd.s32 v6, v8  }
0x11e: {  	v6 =	vadd.s32 $0xFFFFFFFF, v6  }
0x11f: {  	v9 =	vld [tilespmem:s0+$0xFFFFFFF0];
	_ =	sdelay $0x3  }
0x120: {  	v10 =	vld [tilespmem:s0+$0x0];
	[tilespmem:v6+s5+$0x0] =	vst.idx.msk $0xffff, v3  }
0x121: {  	[tilespmem:v6+s7+$0x0] =	vst.idx.msk $0xffff, v9  }
0x122: {  	[tilespmem:v4+s17+$0x0] =	vst.idx.add.s32.msk vm1, v8  }
0x123: {  	v3 =	vld.idx.msk [tilespmem:v7+s17+$0x0], $0xffff;
	_ =	sdelay $0x3  }
0x124: {  	_, v4, vm1 =	vpop (xrf1)  }
0x125: {  	v3 =	vadd.s32 v3, v4  }
0x126: {  	v3 =	vadd.s32 $0xFFFFFFFF, v3;
	_ =	sdelay $0x1  }
0x127: {  	p0 =	sne.s32 s15, $0x1  }
.Ltmp9:
0x128: {  	_ = 	snop;
	(pc) =	sbr.rel @p0 .LBB2_13-.Ltmp9, $4  }
0x129: {  	_ = 	snop  }
0x12a: {  	[tilespmem:v3+s5+$0x0] =	vst.idx.msk $0xffff, v5  }
0x12b: {  	[tilespmem:v3+s7+$0x0] =	vst.idx.msk $0xffff, v10  }
0x12c: {  	s0 =	sadd.s32 $0x20, s0;
	s3 =	sadd.s32 $0x20, s3;
	s15 =	sadd.s32 $0xFFFFFFFF, s15;
	[tilespmem:v7+s17+$0x0] =	vst.idx.add.s32.msk vm1, v4  }
0x12d: {  	s3 =	simm.s32 $0x0;
	s0 =	rddreg [dreg:$0x0]  }
0x12e: {  	[tilespmem:s4], [sflag:$0x6] =	stream.linear.gather [hbm4b:s0+s3], $0x4E20, $0x38;
	[tilespmem:$0x1EA00] =	vst v63  }
0x12f: {  	_ =	swait.ge [sflag:s18], $0x4E20  }
0x130: {  	s19 =	simm.s32 $0x20;
	[sflag:s18] =	ssyncset.done $0x0  }
0x131: {  	s15 =	simm.s32 $0x0;
	s4 =	simm.s32 $0x4EA0;
	[sflag:s18] =	ssyncadd.s32 $0xFFFFB1E0  }
.LBB2_15:
0x132: {  	v3 =	vld [tilespmem:s19+$0xFFFFFFE0];
	_ =	sdelay $0x4  }
0x133: {  	vm1 =	vlt.s32 v3, $0xC0FFFFFF;
	v3 =	vadd.s32 $0x3F000000, v3  }
0x134: {  	vm2 =	vlt.u32 v3, $0x1333332;
	v3 =	vsel vm1, $0x1, v2  }
0x135: {  	(xrf0) =	vadd.scan.msk.s32 $0xffff, v3;
	v3 =	vsel vm2, $0x1, v2  }
0x136: {  	(xrf0) =	vadd.scan.msk.s32 $0xffff, v3;
	_ =	sdelay $0x2  }
0x137: {  	v3 =	vmov s15  }
0x138: {  	v3 =	vadd.s32 $0xFFFFFFFF, v3  }
0x139: {  	v3 =	vbroadcast v3, $0x0;
	v4, _, _ =	vpop (xrf0)  }
0x13a: {  	v5, _, _ =	vpop (xrf0)  }
0x13b: {  	v3 =	vadd.s32 v4, v3;
	v6 =	vadd.s32 s3, v5  }
0x13c: {  	vm3 =	vlt.s32 v3, $0x1388;
	v7 =	vadd.s32 $0xFFFFFFFF, v6  }
0x13d: {  	vm1 =	vmand vm1, vm3;
	vm3 =	vlt.s32 v7, $0x3A98  }
0x13e: {  	v49 =	vld [tilespmem:s4+$0xFFFFFFE0];
	vm2 =	vmand vm2, vm3  }
0x13f: {  	(v2sf) =	vpush v4, $0xF;
	v6 =	vadd.s32 $0x1387, v6;
	_ =	sdelay $0x3  }
0x140: {  	(v2sf) =	vpush v5, $0xF;
	[tilespmem:v3+s23+$0x0] =	vst.idx.msk vm1, v49  }
0x141: {  	[tilespmem:v6+s23+$0x0] =	vst.idx.msk vm2, v49  }
0x142: {  	v3 =	vld [tilespmem:s19+$0xFFFFFFF0];
	_ =	sdelay $0x4  }
0x143: {  	vm1 =	vlt.s32 v3, $0xC0FFFFFF;
	v3 =	vadd.s32 $0x3F000000, v3  }
0x144: {  	vm2 =	vlt.u32 v3, $0x1333332;
	v3 =	vsel vm1, $0x1, v2  }
0x145: {  	(xrf0) =	vadd.scan.msk.s32 $0xffff, v3;
	v3 =	vsel vm2, $0x1, v2  }
0x146: {  	(xrf0) =	vadd.scan.msk.s32 $0xffff, v3  }
0x147: {  	s0 =	spop (v2sf)  }
0x148: {  	s0 =	sadd.s32 s15, s0  }
0x149: {  	v3 =	vmov s0  }
0x14a: {  	v3 =	vadd.s32 $0xFFFFFFFF, v3  }
0x14b: {  	s7 =	spop (v2sf);
	v3 =	vbroadcast v3, $0x0;
	v50, _, _ =	vpop (xrf0)  }
0x14c: {  	s8 =	sadd.s32 s3, s7;
	v51, _, _ =	vpop (xrf0)  }
0x14d: {  	v3 =	vadd.s32 v50, v3;
	v52 =	vadd.s32 s8, v51  }
0x14e: {  	vm3 =	vlt.s32 v3, $0x1388;
	v53 =	vadd.s32 $0xFFFFFFFF, v52  }
0x14f: {  	vm1 =	vmand vm1, vm3;
	vm3 =	vlt.s32 v53, $0x3A98  }
0x150: {  	v54 =	vld [tilespmem:s4+$0xFFFFFFF0];
	vm2 =	vmand vm2, vm3  }
0x151: {  	(v2sf) =	vpush v50, $0xF;
	v6 =	vadd.s32 $0x1387, v52;
	_ =	sdelay $0x3  }
0x152: {  	(v2sf) =	vpush v51, $0xF;
	[tilespmem:v3+s23+$0x0] =	vst.idx.msk vm1, v54  }
0x153: {  	[tilespmem:v6+s23+$0x0] =	vst.idx.msk vm2, v54  }
0x154: {  	v3 =	vld [tilespmem:s19+$0x0];
	_ =	sdelay $0x4  }
0x155: {  	vm1 =	vlt.s32 v3, $0xC0FFFFFF;
	v3 =	vadd.s32 $0x3F000000, v3  }
0x156: {  	vm2 =	vlt.u32 v3, $0x1333332;
	v3 =	vsel vm1, $0x1, v2  }
0x157: {  	(xrf0) =	vadd.scan.msk.s32 $0xffff, v3;
	v3 =	vsel vm2, $0x1, v2  }
0x158: {  	(xrf0) =	vadd.scan.msk.s32 $0xffff, v3  }
0x159: {  	s9 =	spop (v2sf)  }
0x15a: {  	s0 =	sadd.s32 s0, s9  }
0x15b: {  	v3 =	vmov s0  }
0x15c: {  	v3 =	vadd.s32 $0xFFFFFFFF, v3  }
0x15d: {  	s15 =	spop (v2sf);
	v3 =	vbroadcast v3, $0x0;
	v55, _, _ =	vpop (xrf0)  }
0x15e: {  	s3 =	sadd.s32 s8, s15;
	v56, _, _ =	vpop (xrf0)  }
0x15f: {  	v3 =	vadd.s32 v55, v3;
	v57 =	vadd.s32 s3, v56  }
0x160: {  	vm3 =	vlt.s32 v3, $0x1388;
	v58 =	vadd.s32 $0xFFFFFFFF, v57  }
0x161: {  	vm1 =	vmand vm1, vm3;
	vm3 =	vlt.s32 v58, $0x3A98  }
0x162: {  	v59 =	vld [tilespmem:s4+$0x0];
	vm2 =	vmand vm2, vm3  }
0x163: {  	v6 =	vadd.s32 $0x1387, v57;
	_ =	sdelay $0x3  }
0x164: {  	[tilespmem:v3+s23+$0x0] =	vst.idx.msk vm1, v59  }
0x165: {  	[tilespmem:v6+s23+$0x0] =	vst.idx.msk vm2, v59  }
0x166: {  	v3 =	vld [tilespmem:s19+$0x10]  }
0x167: {  	(v2sf) =	vpush v55, $0xF;
	_ =	sdelay $0x3  }
0x168: {  	(v2sf) =	vpush v56, $0xF;
	vm1 =	vlt.s32 v3, $0xC0FFFFFF;
	v3 =	vadd.s32 $0x3F000000, v3  }
0x169: {  	vm2 =	vlt.u32 v3, $0x1333332;
	v3 =	vsel vm1, $0x1, v2  }
0x16a: {  	(xrf0) =	vadd.scan.msk.s32 $0xffff, v3;
	v3 =	vsel vm2, $0x1, v2  }
0x16b: {  	(xrf0) =	vadd.scan.msk.s32 $0xffff, v3;
	_ =	sdelay $0x4  }
0x16c: {  	v3, _, _ =	vpop (xrf0)  }
0x16d: {  	v60, _, _ =	vpop (xrf0);
	(v2sf) =	vpush v3, $0xF  }
0x16e: {  	(v2sf) =	vpush v60, $0xF  }
0x16f: {  	s20 =	spop (v2sf)  }
0x170: {  	s0 =	sadd.s32 s0, s20  }
0x171: {  	v61 =	vmov s0  }
0x172: {  	v5 =	vadd.s32 $0xFFFFFFFF, v61  }
0x173: {  	s24 =	spop (v2sf);
	v5 =	vbroadcast v5, $0x0  }
0x174: {  	s3 =	sadd.s32 s3, s24  }
0x175: {  	v3 =	vadd.s32 v3, v5;
	v4 =	vadd.s32 s3, v60  }
0x176: {  	vm3 =	vlt.s32 v3, $0x1388;
	v62 =	vadd.s32 $0xFFFFFFFF, v4  }
0x177: {  	vm1 =	vmand vm1, vm3;
	vm3 =	vlt.s32 v62, $0x3A98  }
0x178: {  	v63 =	vld [tilespmem:s4+$0x10];
	vm2 =	vmand vm2, vm3  }
0x179: {  	p0 =	seq.s32 s16, $0x1;
	v4 =	vadd.s32 $0x1387, v4  }
.Ltmp10:
0x17a: {  	_ = 	snop;
	(pc) =	sbr.rel @!p0 .LBB2_15-.Ltmp10, $4  }
0x17b: {  	_ = 	snop  }
0x17c: {  	s31 =	spop (v2sf)  }
0x17d: {  	s16 =	sadd.s32 $0xFFFFFFFF, s16;
	s4 =	sadd.s32 $0x40, s4;
	[tilespmem:v3+s23+$0x0] =	vst.idx.msk vm1, v63;
	s8 =	spop (v2sf)  }
0x17e: {  	s19 =	sadd.s32 $0x40, s19;
	[tilespmem:v4+s23+$0x0] =	vst.idx.msk vm2, v63;
	s15 =	sadd.s32 s0, s31;
	s3 =	sadd.s32 s3, s8  }
.Ltmp11:
0x17f: {  	_ = 	snop;
	(pc) =	sbr.rel .LBB2_17-.Ltmp11, $1  }
0x180: {  	_ =	sdelay $0x3  }
.LBB2_16:
0x181: {  	s15 =	simm.s32 $0x0;
	s0 =	rddreg [dreg:$0x0]  }
0x182: {  	[tilespmem:s4], [sflag:$0x6] =	stream.linear.gather [hbm4b:s0+s15], $0x4E20, $0x38;
	[tilespmem:$0x1EA00] =	vst v63  }
0x183: {  	_ =	swait.ge [sflag:s18], $0x4E20  }
0x184: {  	[sflag:s18] =	ssyncset.done $0x0  }
0x185: {  	s3 =	simm.s32 $0x0;
	[sflag:s18] =	ssyncadd.s32 $0xFFFFB1E0  }
.LBB2_17:
0x186: {  	s16 =	ssub.s32 $0x1388, s15  }
0x187: {  	s31 =	ssub.s32 $0x3A98, s3;
	p0 =	sgt.s32 s16, $0x0  }
0x188: {  	p1 =	sgt.s32 @!p0 s31, $0x0  }
0x189: {  	p1 =	por p0, p1  }
.Ltmp12:
0x18a: {  	_ = 	snop;
	(pc) =	sbr.rel @!p1 .LBB2_20-.Ltmp12, $1  }
0x18b: {  	_ =	sdelay $0x3  }
0x18c: {  	s16 =	simm.s32 @!p0 $0x0  }
0x18d: {  	p1 =	sgt.s32 s31, $0x0;
	s4 =	simm.s32 $0x9D20;
	s24 =	simm.s32 $0x0  }
0x18e: {  	s20 =	simm.s32 $0x0;
	s0 =	simm.s32 $0x0;
	s19 =	simm.s32 $0x0  }
0x18f: {  	s31 =	simm.s32 @!p1 $0x0;
	s4 =	simm.s32 @p0 $0x9D20;
	s24 =	simm.s32 @p0 $0x0  }
0x190: {  	s20 =	simm.s32 @p0 $0x0;
	s0 =	simm.s32 @p0 $0x0;
	s19 =	simm.s32 @p0 $0x0  }
.LBB2_19:
0x191: {  	v3 =	vld [tilespmem:s4+$0xFFFFFFE0];
	_ =	sdelay $0x4  }
0x192: {  	vm1 =	vgt.s32 v3, $0xC0FFFFFE;
	v3 =	vadd.s32 $0x3DCCCCCE, v3  }
0x193: {  	vm2 =	vlt.u32 v3, $0xFECCCCCE;
	v3 =	vsel vm1, $0x1, v2  }
0x194: {  	(xrf0) =	vadd.scan.msk.s32 $0xffff, v3;
	v3 =	vsel vm2, $0x1, v2  }
0x195: {  	(xrf0) =	vadd.scan.msk.s32 $0xffff, v3;
	_ =	sdelay $0x1  }
0x196: {  	s7 =	sadd.s32 s15, s0  }
0x197: {  	v3 =	vmov s7  }
0x198: {  	v3 =	vadd.s32 $0xFFFFFFFF, v3  }
0x199: {  	v3 =	vbroadcast v3, $0x0;
	v4, _, _ =	vpop (xrf0)  }
0x19a: {  	s9 =	sadd.s32 s3, s20;
	v5, _, _ =	vpop (xrf0)  }
0x19b: {  	v3 =	vadd.s32 v4, v3;
	v6 =	vadd.s32 s9, v5  }
0x19c: {  	vm3 =	vlt.s32 v3, $0x1388;
	v7 =	vadd.s32 $0xFFFFFFFF, v6  }
0x19d: {  	vm1 =	vmand vm1, vm3;
	vm3 =	vlt.s32 v7, $0x3A98  }
0x19e: {  	(v2sf) =	vpush v4, $0xF;
	vm2 =	vmand vm2, vm3  }
0x19f: {  	v47 =	vadd.s32 $0x1387, v6;
	_ =	sdelay $0x2  }
0x1a0: {  	v48 =	vor.u32 s24, v1;
	(v2sf) =	vpush v5, $0xF  }
0x1a1: {  	[tilespmem:v3+s23+$0x0] =	vst.idx.msk vm1, v48  }
0x1a2: {  	[tilespmem:v47+s23+$0x0] =	vst.idx.msk vm2, v48  }
0x1a3: {  	v3 =	vld [tilespmem:s4+$0xFFFFFFF0];
	_ =	sdelay $0x4  }
0x1a4: {  	vm1 =	vgt.s32 v3, $0xC0FFFFFE;
	v3 =	vadd.s32 $0x3DCCCCCE, v3  }
0x1a5: {  	vm2 =	vlt.u32 v3, $0xFECCCCCE;
	v3 =	vsel vm1, $0x1, v2  }
0x1a6: {  	(xrf0) =	vadd.scan.msk.s32 $0xffff, v3;
	v3 =	vsel vm2, $0x1, v2  }
0x1a7: {  	s8 =	spop (v2sf);
	(xrf0) =	vadd.scan.msk.s32 $0xffff, v3  }
0x1a8: {  	s0 =	sadd.s32 s0, s8  }
0x1a9: {  	s7 =	sadd.s32 s15, s0  }
0x1aa: {  	v3 =	vmov s7  }
0x1ab: {  	s9 =	spop (v2sf);
	v3 =	vadd.s32 $0xFFFFFFFF, v3  }
0x1ac: {  	s7 =	sadd.s32 s20, s9;
	v3 =	vbroadcast v3, $0x0;
	v49, _, _ =	vpop (xrf0)  }
0x1ad: {  	s8 =	sadd.s32 s3, s7;
	v50, _, _ =	vpop (xrf0)  }
0x1ae: {  	v3 =	vadd.s32 v49, v3;
	v51 =	vadd.s32 s8, v50  }
0x1af: {  	vm3 =	vlt.s32 v3, $0x1388;
	v52 =	vadd.s32 $0xFFFFFFFF, v51  }
0x1b0: {  	vm1 =	vmand vm1, vm3;
	vm3 =	vlt.s32 v52, $0x3A98  }
0x1b1: {  	(v2sf) =	vpush v49, $0xF;
	vm2 =	vmand vm2, vm3  }
0x1b2: {  	v53 =	vadd.s32 $0x1387, v51;
	_ =	sdelay $0x1  }
0x1b3: {  	s20 =	sadd.s32 $0x10, s24  }
0x1b4: {  	v54 =	vor.u32 s20, v1;
	(v2sf) =	vpush v50, $0xF  }
0x1b5: {  	[tilespmem:v3+s23+$0x0] =	vst.idx.msk vm1, v54  }
0x1b6: {  	[tilespmem:v53+s23+$0x0] =	vst.idx.msk vm2, v54  }
0x1b7: {  	v3 =	vld [tilespmem:s4+$0x0];
	_ =	sdelay $0x4  }
0x1b8: {  	vm1 =	vgt.s32 v3, $0xC0FFFFFE;
	v3 =	vadd.s32 $0x3DCCCCCE, v3  }
0x1b9: {  	vm2 =	vlt.u32 v3, $0xFECCCCCE;
	v3 =	vsel vm1, $0x1, v2  }
0x1ba: {  	(xrf0) =	vadd.scan.msk.s32 $0xffff, v3;
	v3 =	vsel vm2, $0x1, v2  }
0x1bb: {  	s9 =	spop (v2sf);
	(xrf0) =	vadd.scan.msk.s32 $0xffff, v3  }
0x1bc: {  	s0 =	sadd.s32 s0, s9  }
0x1bd: {  	s8 =	sadd.s32 s15, s0  }
0x1be: {  	v3 =	vmov s8  }
0x1bf: {  	s20 =	spop (v2sf);
	v3 =	vadd.s32 $0xFFFFFFFF, v3  }
0x1c0: {  	s7 =	sadd.s32 s7, s20;
	v3 =	vbroadcast v3, $0x0;
	v55, _, _ =	vpop (xrf0)  }
0x1c1: {  	s8 =	sadd.s32 s3, s7;
	v56, _, _ =	vpop (xrf0)  }
0x1c2: {  	v3 =	vadd.s32 v55, v3;
	v57 =	vadd.s32 s8, v56  }
0x1c3: {  	vm3 =	vlt.s32 v3, $0x1388;
	v58 =	vadd.s32 $0xFFFFFFFF, v57  }
0x1c4: {  	vm1 =	vmand vm1, vm3;
	vm3 =	vlt.s32 v58, $0x3A98  }
0x1c5: {  	vm2 =	vmand vm2, vm3  }
0x1c6: {  	v6 =	vadd.s32 $0x1387, v57;
	_ =	sdelay $0x1  }
0x1c7: {  	s9 =	sadd.s32 $0x20, s24  }
0x1c8: {  	v59 =	vor.u32 s9, v1  }
0x1c9: {  	[tilespmem:v3+s23+$0x0] =	vst.idx.msk vm1, v59  }
0x1ca: {  	[tilespmem:v6+s23+$0x0] =	vst.idx.msk vm2, v59  }
0x1cb: {  	v3 =	vld [tilespmem:s4+$0x10];
	_ =	sdelay $0x4  }
0x1cc: {  	vm1 =	vgt.s32 v3, $0xC0FFFFFE;
	v3 =	vadd.s32 $0x3DCCCCCE, v3  }
0x1cd: {  	vm2 =	vlt.u32 v3, $0xFECCCCCE;
	v3 =	vsel vm1, $0x1, v2  }
0x1ce: {  	(xrf0) =	vadd.scan.msk.s32 $0xffff, v3;
	v3 =	vsel vm2, $0x1, v2  }
0x1cf: {  	(v2sf) =	vpush v55, $0xF;
	(xrf0) =	vadd.scan.msk.s32 $0xffff, v3;
	_ =	sdelay $0x3  }
0x1d0: {  	(v2sf) =	vpush v56, $0xF  }
0x1d1: {  	v3, _, _ =	vpop (xrf0)  }
0x1d2: {  	v60, _, _ =	vpop (xrf0);
	(v2sf) =	vpush v3, $0xF  }
0x1d3: {  	(v2sf) =	vpush v60, $0xF;
	_ =	sdelay $0x7  }
0x1d4: {  	s20 =	spop (v2sf)  }
0x1d5: {  	s0 =	sadd.s32 s0, s20  }
0x1d6: {  	s8 =	sadd.s32 s15, s0  }
0x1d7: {  	v61 =	vmov s8  }
0x1d8: {  	s9 =	spop (v2sf);
	v5 =	vadd.s32 $0xFFFFFFFF, v61  }
0x1d9: {  	s7 =	sadd.s32 s7, s9;
	v5 =	vbroadcast v5, $0x0  }
0x1da: {  	s8 =	sadd.s32 s3, s7;
	s20 =	spop (v2sf)  }
0x1db: {  	v3 =	vadd.s32 v3, v5;
	v4 =	vadd.s32 s8, v60;
	s9 =	spop (v2sf)  }
0x1dc: {  	vm3 =	vlt.s32 v3, $0x1388;
	v62 =	vadd.s32 $0xFFFFFFFF, v4;
	s0 =	sadd.s32 s0, s20;
	s20 =	sadd.s32 s7, s9  }
0x1dd: {  	vm1 =	vmand vm1, vm3;
	vm3 =	vlt.s32 v62, $0x3A98;
	p0 =	slt.s32 s0, s16;
	p1 =	slt.s32 s20, s31  }
0x1de: {  	p2 =	sgt.u32 s19, $0x137;
	vm2 =	vmand vm2, vm3;
	p0 =	por p0, p1  }
0x1df: {  	v4 =	vadd.s32 $0x1387, v4;
	p0 =	por p2, !p0  }
.Ltmp13:
0x1e0: {  	_ = 	snop;
	(pc) =	sbr.rel @!p0 .LBB2_19-.Ltmp13, $4  }
0x1e1: {  	s9 =	sadd.s32 $0x30, s24  }
0x1e2: {  	v63 =	vor.u32 s9, v1  }
0x1e3: {  	[tilespmem:v3+s23+$0x0] =	vst.idx.msk vm1, v63  }
0x1e4: {  	s19 =	sadd.s32 $0x1, s19;
	s4 =	sadd.s32 $0x40, s4;
	s24 =	sadd.s32 $0x40, s24;
	[tilespmem:v4+s23+$0x0] =	vst.idx.msk vm2, v63  }
.LBB2_20:
0x1e5: {  	s9 =	rddreg [dreg:$0x1]  }
0x1e6: {  	s20 =	rddreg [dreg:$0x2]  }
0x1e7: {  	s24 =	rddreg [dreg:$0x5]  }
0x1e8: {  	s0 =	simm.s32 $0x40;
	s3 =	simm.s32 $0x0;
	s31 =	rddreg [dreg:$0x6]  }
.LBB2_21:
0x1e9: {  	p0 =	seq.s32 s0, $0x3E40;
	[tilespmem:s3+$0x1DA00] =	vst v2;
	s3 =	smov.u32 s0;
	s0 =	sadd.s32 $0x40, s0  }
.Ltmp14:
0x1ea: {  	(pc) =	sbr.rel @!p0 .LBB2_21-.Ltmp14, $2  }
0x1eb: {  	_ =	sdelay $0x2  }
0x1ec: {  	s3 =	sshra.s32 s3, $0x2  }
.Ltmp15:
0x1ed: {  	(pc) =	sbr.rel .LBB2_23-.Ltmp15, $4  }
0x1ee: {  	_ = 	snop  }
0x1ef: {  	p0 =	slt.s32 s15, $0x1388  }
0x1f0: {  	s15 =	simm.s32 @!p0 $0x1388  }
0x1f1: {  	[tilespmem:s3+$0x1DA00] =	vst v2;
	s3 =	simm.s32 $0x0;
	s4 =	simm.s32 $0x0;
	v3 =	vmov s15  }
.LBB2_27:
0x1f2: {  	s0 =	sshrl.u32 s0, $0x3  }
0x1f3: {  	s7 =	sadd.s32 s20, s0  }
0x1f4: {  	[hbm4b:s7+s5] =	stream.linear.scatter [tilespmem:s16], [sflag:$0x6], $0xFA0, $0x38;
	[tilespmem:$0x1EA00] =	vst v63  }
0x1f5: {  	_ =	swait.ge [sflag:s18], $0xFA0  }
0x1f6: {  	[sflag:s18] =	ssyncset.done $0x0  }
0x1f7: {  	[sflag:s18] =	ssyncadd.s32 $0xFFFFF060  }
0x1f8: {  	_ =	swait.ge [sflag:s21], $0xFA0  }
0x1f9: {  	[sflag:s21] =	ssyncset.done $0x0  }
0x1fa: {  	[sflag:s21] =	ssyncadd.s32 $0xFFFFF060  }
0x1fb: {  	_ =	swait.ge [sflag:s2], $0xFA0  }
0x1fc: {  	[sflag:s2] =	ssyncset.done $0x0  }
0x1fd: {  	[sflag:s2] =	ssyncadd.s32 $0xFFFFF060  }
0x1fe: {  	_ =	swait.ge [sflag:s1], $0xFA0  }
0x1ff: {  	[sflag:s1] =	ssyncset.done $0x0  }
0x200: {  	[sflag:s1] =	ssyncadd.s32 $0xFFFFF060  }
0x201: {  	_ =	swait.ge [sflag:s6], $0xFA0  }
0x202: {  	[sflag:s6] =	ssyncset.done $0x0  }
0x203: {  	s8 =	sadd.s32 s11, s0;
	[sflag:s6] =	ssyncadd.s32 $0xFFFFF060  }
0x204: {  	[hbm4b:s8+s5] =	stream.linear.scatter [tilespmem:s26], [sflag:$0x6], $0xFA0, $0x38;
	[tilespmem:$0x1EA00] =	vst v63  }
0x205: {  	_ =	swait.ge [sflag:s18], $0xFA0  }
0x206: {  	[sflag:s18] =	ssyncset.done $0x0  }
0x207: {  	s16 =	sadd.s32 s12, s0;
	[sflag:s18] =	ssyncadd.s32 $0xFFFFF060  }
0x208: {  	[hbm4b:s16+s5] =	stream.linear.scatter [tilespmem:s28], [sflag:$0x6], $0xFA0, $0x38;
	[tilespmem:$0x1EA00] =	vst v63  }
0x209: {  	_ =	swait.ge [sflag:s18], $0xFA0  }
0x20a: {  	[sflag:s18] =	ssyncset.done $0x0  }
0x20b: {  	s19 =	sadd.s32 s13, s0;
	[sflag:s18] =	ssyncadd.s32 $0xFFFFF060  }
0x20c: {  	[hbm4b:s19+s5] =	stream.linear.scatter [tilespmem:s29], [sflag:$0x6], $0xFA0, $0x38;
	[tilespmem:$0x1EA00] =	vst v63  }
0x20d: {  	s4 =	sadd.s32 $0x1, s4;
	_ =	swait.ge [sflag:s18], $0xFA0  }
0x20e: {  	p0 =	sne.s32 s4, $0x5;
	[sflag:s18] =	ssyncset.done $0x0  }
.Ltmp16:
0x20f: {  	s0 =	sadd.s32 s14, s0;
	[sflag:s18] =	ssyncadd.s32 $0xFFFFF060;
	(pc) =	sbr.rel @!p0 .LBB2_28-.Ltmp16, $4  }
0x210: {  	[hbm4b:s0+s5] =	stream.linear.scatter [tilespmem:s30], [sflag:$0x6], $0xFA0, $0x38;
	[tilespmem:$0x1EA00] =	vst v63  }
0x211: {  	_ =	swait.ge [sflag:s18], $0xFA0  }
0x212: {  	[sflag:s18] =	ssyncset.done $0x0  }
0x213: {  	s3 =	sadd.s32 $0xFA0, s3;
	[sflag:s18] =	ssyncadd.s32 $0xFFFFF060  }
.LBB2_23:
0x214: {  	s0 =	smul.u32 $0xFA0, s4;
	_ =	sdelay $0x1  }
0x215: {  	s7 =	sadd.s32 $0xEB80, s0  }
0x216: {  	[tilespmem:s26], [sflag:$0x1] =	stream.indirect.gather [hbm4b:s24+s25], $0x1, s7, s25, $0xb8;
	[tilespmem:$0x1EA00] =	vst v63  }
0x217: {  	p0 =	sge.s32 s0, s15  }
0x218: {  	[tilespmem:s28], [sflag:$0x2] =	stream.indirect.gather [hbm4b:s31+s25], $0x1, s7, s25, $0xb8;
	[tilespmem:$0x1EA00] =	vst v63  }
.Ltmp17:
0x219: {  	_ = 	snop;
	(pc) =	sbr.rel @p0 .LBB2_27-.Ltmp17, $4  }
0x21a: {  	s8 =	rddreg [dreg:$0x7]  }
0x21b: {  	[tilespmem:s29], [sflag:$0x3] =	stream.indirect.gather [hbm4b:s8+s25], $0x1, s7, s25, $0xb8;
	[tilespmem:$0x1EA00] =	vst v63  }
0x21c: {  	s16 =	simm.s32 $0x1DA00  }
0x21d: {  	[tilespmem:s30], [sflag:$0x4] =	stream.indirect.gather [hbm4b:s10+s25], $0x1, s7, s25, $0xb8;
	[tilespmem:$0x1EA00] =	vst v63  }
0x21e: {  	s8 =	simm.s32 $0x1CA00  }
0x21f: {  	[tilespmem:s8], [sflag:$0x5] =	stream.indirect.gather [hbm4b:s9+s25], $0x1, s7, s25, $0xb8;
	[tilespmem:$0x1EA00] =	vst v63  }
0x220: {  	s8 =	simm.s32 $0x5  }
0x221: {  	_ =	swait.ge [sflag:s8], $0xFA0  }
0x222: {  	[sflag:s8] =	ssyncset.done $0x0  }
0x223: {  	s16 =	simm.s32 $0x0;
	[sflag:s8] =	ssyncadd.s32 $0xFFFFF060  }
0x224: {  	v4 =	vld [tilespmem:s16+$0x1CA00];
	_ =	sdelay $0x2  }
0x225: {  	v5 =	vor.u32 s3, v1  }
0x226: {  	vm1 =	vlt.s32 v5, v3  }
0x227: {  	v4 =	vnsel vm1, $0x0, v4  }
0x228: {  	s19 =	simm.s32 $0x80;
	s7 =	simm.s32 $0x10;
	[tilespmem:s16+$0x1CA00] =	vst v4;
	s16 =	smov.u32 s3  }
.LBB2_25:
0x229: {  	p0 =	sne.s32 s19, $0x3E40;
	v4 =	vld [tilespmem:s7+$0x1CA00];
	_ =	sdelay $0x1  }
.Ltmp18:
0x22a: {  	s16 =	sadd.s32 $0x10, s16;
	(pc) =	sbr.rel @p0 .LBB2_25-.Ltmp18, $4  }
0x22b: {  	v5 =	vor.u32 s16, v1  }
0x22c: {  	vm1 =	vlt.s32 v5, v3  }
0x22d: {  	v4 =	vnsel vm1, $0x0, v4  }
0x22e: {  	[tilespmem:s7+$0x1CA00] =	vst v4;
	s7 =	sshra.s32 s19, $0x2;
	s19 =	sadd.s32 $0x40, s19  }
0x22f: {  	v4 =	vld [tilespmem:s7+$0x1CA00];
	_ =	sdelay $0x1  }
.Ltmp19:
0x230: {  	s8 =	sadd.s32 $0x10, s16;
	(pc) =	sbr.rel .LBB2_27-.Ltmp19, $4  }
0x231: {  	v5 =	vor.u32 s8, v1  }
0x232: {  	vm1 =	vlt.s32 v5, v3  }
0x233: {  	v4 =	vnsel vm1, $0x0, v4  }
0x234: {  	s16 =	simm.s32 $0x1CA00;
	[tilespmem:s7+$0x1CA00] =	vst v4  }
.Lfunc_end2:
_tile_overlayer_lowered:
.L_overlay_start_2:
0x235: {  	(tag) =	ssettag $0x2  }
0x236: {  	s0 =	rddreg [dreg:$0x0];
	s2 =	stileid.u32  }
0x237: {  	s1 =	rddreg [dreg:$0x1];
	p0 =	sne.s32 s2, $0x0  }
0x238: {  	s3 =	rddreg [dreg:$0x2];
	[bflag:$0x3] =	sbarrier.arrive $0xFFFF;
	s2 =	simm.s32 @!p0 $0x1C06  }
0x239: {  	[timem:s3], [sflag:s2] =	dma.local @!p0 [hbm:s0], s1  }
0x23a: {  	s0 =	simm.s32 @!p0 $0x6  }
0x23b: {  	_ =	swait.ge @!p0 [sflag:s0], s1  }
0x23c: {  	s1 =	ssub.s32 @!p0 $0x0, s1;
	[sflag:s0] =	ssyncset.done @!p0 $0x0  }
0x23d: {  	[sflag:s0] =	ssyncadd.s32 @!p0 s1  }
0x23e: {  	[bflag:$0x3] =	sbarrier.arrive $0xFFFF  }
0x23f: {  	_ =	shalt  }

</sc_bundles>
